<compile_context>
chip_gen: v7x
topology: tpu7x:2x2x1
jax: 0.10.2.dev20260603
libtpu: 0.0.44.dev20260713+nightly
codegen_flags: <defaults>
</compile_context>

<pallas_src>
import functools

import jax
import jax.numpy as jnp
from jax import lax
from jax.experimental import pallas as pl
from jax.experimental.pallas import tpu as pltpu
from jax.experimental.pallas import tpu_sc as plsc

N = 10000
E = 320000
D = 128
NC = 2
NS = 16
NT = NC * NS
CHUNK = 128
CHUNKS = 80
EPT = CHUNKS * CHUNK
EP = NT * EPT
NPAD = 10112
RPT = NPAD // NS

_mesh = plsc.VectorSubcoreMesh(core_axis_name="c", subcore_axis_name="s")


NP2 = 10240


def _deg_body(rows_hbm, degp_hbm, idx_v, ones1, z1, d1, sem):
    cid = lax.axis_index("c")
    sid = lax.axis_index("s")
    wid = sid * NC + cid
    @pl.loop(0, CHUNK // 16)
    def _(i):
        ones1[pl.ds(i * 16, 16)] = jnp.ones((16,), jnp.float32)

    @pl.loop(0, NP2 // NS // 16)
    def _(i):
        z1[pl.ds(i * 16, 16)] = jnp.zeros((16,), jnp.float32)

    pltpu.sync_copy(rows_hbm.at[wid], idx_v)
    pltpu.sync_copy(z1, d1.at[pl.ds(sid * (NP2 // NS), NP2 // NS)])
    plsc.subcore_barrier()

    @pl.loop(0, CHUNKS)
    def _(j):
        pltpu.sync_copy(ones1, d1.at[idx_v.at[j]], add=True)

    plsc.subcore_barrier()

    @pl.when(sid == 0)
    def _():
        pltpu.sync_copy(d1, degp_hbm.at[cid])


_deg_call = pl.kernel(
    _deg_body,
    out_type=jax.ShapeDtypeStruct((NC, NP2), jnp.float32),
    mesh=_mesh,
    scratch_types=[
        pltpu.VMEM((CHUNKS, CHUNK), jnp.int32),
        pltpu.VMEM((CHUNK,), jnp.float32),
        pltpu.VMEM((NP2 // NS,), jnp.float32),
        pltpu.VMEM_SHARED((NP2,), jnp.float32),
        pltpu.SemaphoreType.DMA,
    ],
)


def _layer_body(g_hbm, rows_hbm, cols_hbm, zero_hbm, sp_hbm,
                row_v, cw, buf0, buf1, s_sh, semg0, semg1, semc0, semc1):
    cid = lax.axis_index("c")
    sid = lax.axis_index("s")
    wid = sid * NC + cid
    pltpu.sync_copy(zero_hbm.at[pl.ds(sid * RPT, RPT)], s_sh.at[pl.ds(sid * RPT, RPT)])
    pltpu.sync_copy(rows_hbm.at[wid], row_v)
    pltpu.sync_copy(cols_hbm.at[wid, 0], cw.at[0])
    pltpu.sync_copy(cols_hbm.at[wid, 1], cw.at[1])
    plsc.subcore_barrier()

    pltpu.async_copy(g_hbm.at[cw.at[0]], buf0, semg0)
    pltpu.async_copy(g_hbm.at[cw.at[1]], buf1, semg1)

    @pl.loop(0, CHUNKS, step=2)
    def _(jj):
        pltpu.make_async_copy(g_hbm.at[cw.at[0]], buf0, semg0).wait()

        @pl.when(jj + 2 < CHUNKS)
        def _():
            pltpu.async_copy(cols_hbm.at[wid, jj + 2], cw.at[0], semc0)

        pltpu.sync_copy(buf0, s_sh.at[row_v.at[jj]], add=True)

        @pl.when(jj + 2 < CHUNKS)
        def _():
            pltpu.make_async_copy(cols_hbm.at[wid, jj + 2], cw.at[0], semc0).wait()
            pltpu.async_copy(g_hbm.at[cw.at[0]], buf0, semg0)

        pltpu.make_async_copy(g_hbm.at[cw.at[1]], buf1, semg1).wait()

        @pl.when(jj + 3 < CHUNKS)
        def _():
            pltpu.async_copy(cols_hbm.at[wid, jj + 3], cw.at[1], semc1)

        pltpu.sync_copy(buf1, s_sh.at[row_v.at[jj + 1]], add=True)

        @pl.when(jj + 3 < CHUNKS)
        def _():
            pltpu.make_async_copy(cols_hbm.at[wid, jj + 3], cw.at[1], semc1).wait()
            pltpu.async_copy(g_hbm.at[cw.at[1]], buf1, semg1)

    plsc.subcore_barrier()
    pltpu.sync_copy(s_sh.at[pl.ds(sid * RPT, RPT)],
                    sp_hbm.at[cid, pl.ds(sid * RPT, RPT)])


_layer_call = pl.kernel(
    _layer_body,
    out_type=jax.ShapeDtypeStruct((NC, NPAD, D), jnp.float32),
    mesh=_mesh,
    scratch_types=[
        pltpu.VMEM((CHUNKS, CHUNK), jnp.int32),
        pltpu.VMEM((2, CHUNK), jnp.int32),
        pltpu.VMEM((CHUNK, D), jnp.float32),
        pltpu.VMEM((CHUNK, D), jnp.float32),
        pltpu.VMEM_SHARED((NPAD, D), jnp.float32),
        pltpu.SemaphoreType.DMA,
        pltpu.SemaphoreType.DMA,
        pltpu.SemaphoreType.DMA,
        pltpu.SemaphoreType.DMA,
    ],
)


def _prep_body(degp_ref, x_ref, g0_ref, invdeg_ref, sd_ref):
    deg = degp_ref[0, :N, 0:1] + degp_ref[1, :N, 0:1]
    a = jnp.where(deg > 0, lax.rsqrt(deg), 0.0)
    invdeg_ref[...] = a * a
    sd_ref[...] = deg * a
    g0_ref[...] = x_ref[...] * a


def _combine_body(sp_ref, invdeg_ref, gprev_ref, g_ref, gsum_ref):
    g = (sp_ref[0, :N, :] + sp_ref[1, :N, :]) * invdeg_ref[...]
    g_ref[...] = g
    gsum_ref[...] = gprev_ref[...] + g


def _final_body(sp_ref, invdeg_ref, gsum_ref, x_ref, sd_ref, w_ref, b_ref, out_ref):
    g3 = (sp_ref[0, :N, :] + sp_ref[1, :N, :]) * invdeg_ref[...]
    gs = gsum_ref[...] + g3
    f = (x_ref[...] + sd_ref[...] * gs) * 0.25
    out_ref[...] = lax.dot_general(
        f, w_ref[...], (((1,), (1,)), ((), ())),
        preferred_element_type=jnp.float32) + b_ref[...]


_f32 = jnp.float32


def kernel(x, edge_index, W_out, b_out):
    row = edge_index[0].astype(jnp.int32)
    col = edge_index[1].astype(jnp.int32)
    npad_e = EP - E
    pad_ar = jnp.arange(npad_e, dtype=jnp.int32)
    rows3 = jnp.concatenate([row, N + (pad_ar % 16)]).reshape(NT, CHUNKS, CHUNK)
    cols3 = jnp.concatenate([col, pad_ar % N]).reshape(NT, CHUNKS, CHUNK)
    zeroD = jnp.zeros((NPAD, D), _f32)

    degp = _deg_call(rows3)[:, :NPAD].reshape(NC, NPAD, 1)

    g0, invdeg, sd = pl.pallas_call(
        _prep_body,
        out_shape=[
            jax.ShapeDtypeStruct((N, D), _f32),
            jax.ShapeDtypeStruct((N, 1), _f32),
            jax.ShapeDtypeStruct((N, 1), _f32),
        ],
    )(degp, x)

    combine = pl.pallas_call(
        _combine_body,
        out_shape=[
            jax.ShapeDtypeStruct((N, D), _f32),
            jax.ShapeDtypeStruct((N, D), _f32),
        ],
    )

    sp1 = _layer_call(g0, rows3, cols3, zeroD)
    g1, gs1 = combine(sp1, invdeg, jnp.zeros((N, D), _f32))
    sp2 = _layer_call(g1, rows3, cols3, zeroD)
    g2, gs2 = combine(sp2, invdeg, gs1)
    sp3 = _layer_call(g2, rows3, cols3, zeroD)

    out = pl.pallas_call(
        _final_body,
        out_shape=jax.ShapeDtypeStruct((N, D), _f32),
    )(sp3, invdeg, gs2, x, sd, W_out, b_out.reshape(1, D))
    return out

# --- scband reference (transcript-rebuilt; emitter-appended) ---
"""Pipeline reference for scband-light-gcn-3393024164483 (READ-ONLY COPY).

The authoritative reference and input builder live on the scoring server;
editing this copy changes nothing except your own understanding.
"""

import jax, jax.numpy as jnp
import numpy as np

NUM_NODES = 10000
NUM_EDGES = 320000
IN_CH = 128
HIDDEN = 128
OUT_DIM = 128
NUM_LAYERS = 3


def setup_inputs(seed: int = 0) -> dict:
    key = jax.random.key(seed)
    k1, k2, k3, k4 = jax.random.split(key, 4)
    x = jax.random.normal(k1, (NUM_NODES, IN_CH), dtype=jnp.float32)
    edge_index = jax.random.randint(k2, (2, NUM_EDGES), 0, NUM_NODES, dtype=jnp.int64)
    # output_layer: nn.Linear(hidden_dim, 128)
    bound = 1.0 / np.sqrt(HIDDEN)
    W_out = jax.random.uniform(k3, (OUT_DIM, HIDDEN), dtype=jnp.float32, minval=-bound, maxval=bound)
    b_out = jax.random.uniform(k4, (OUT_DIM,), dtype=jnp.float32, minval=-bound, maxval=bound)
    # in_channels == hidden_dim, so input_proj is None (identity)
    return {"x": x, "edge_index": edge_index, "W_out": W_out, "b_out": b_out}


def reference(x, edge_index, W_out, b_out):
    num_nodes = x.shape[0]
    row = edge_index[0]
    col = edge_index[1]
    # D^{-1/2} A D^{-1/2} edge weights
    ones = jnp.ones(row.shape[0], dtype=x.dtype)
    deg = jnp.zeros(num_nodes, dtype=x.dtype).at[row].add(ones)
    deg_inv_sqrt = jnp.where(deg > 0, deg ** -0.5, 0.0)
    edge_weight = deg_inv_sqrt[row] * deg_inv_sqrt[col]
    embeddings = [x]
    h = x
    for _ in range(NUM_LAYERS):
        weighted_messages = h[col] * edge_weight[:, None]
        h = jnp.zeros_like(h).at[row].add(weighted_messages)
        embeddings.append(h)
    final = jnp.mean(jnp.stack(embeddings, axis=0), axis=0)
    return final @ W_out.T + b_out

if __name__ == "__main__":
    import jax
    _d = setup_inputs()
    print(jax.jit(kernel)(*tuple(_d.values())))

</pallas_src>

<mosaic_0001>
#map = affine_map<(d0, d1) -> (0, 0)>
#map1 = affine_map<(d0, d1) -> (0, 0, 0)>
module attributes {stable_mosaic.version = 14 : i64} {
  func.func @_layer_body(%arg0: i32, %arg1: i32, %arg2: memref<10000x128xf32, #tpu.memory_space<hbm>>, %arg3: memref<32x80x128xi32, #tpu.memory_space<hbm>>, %arg4: memref<32x80x128xi32, #tpu.memory_space<hbm>>, %arg5: memref<10112x128xf32, #tpu.memory_space<hbm>>, %arg6: memref<2x10112x128xf32, #tpu.memory_space<hbm>>, %arg7: memref<80x128xi32, #tpu.memory_space<vmem>>, %arg8: memref<2x128xi32, #tpu.memory_space<vmem>>, %arg9: memref<128x128xf32, #tpu.memory_space<vmem>>, %arg10: memref<128x128xf32, #tpu.memory_space<vmem>>, %arg11: memref<10112x128xf32, #tpu.memory_space<vmem_shared>>, %arg12: memref<!tpu.dma_semaphore, #tpu.memory_space<semaphore_mem>>, %arg13: memref<!tpu.dma_semaphore, #tpu.memory_space<semaphore_mem>>, %arg14: memref<!tpu.dma_semaphore, #tpu.memory_space<semaphore_mem>>, %arg15: memref<!tpu.dma_semaphore, #tpu.memory_space<semaphore_mem>>) attributes {dimension_semantics = [#tpu.dimension_semantics<core_parallel>, #tpu.dimension_semantics<subcore_parallel>], iteration_bounds = array<i64: 2, 16>, scalar_prefetch = 0 : i64, scratch_operands = 9 : i64, tpu.core_type = #tpu.core_type<sc_vector_subcore>, window_params = [{transform_indices = #map}, {transform_indices = #map1}, {transform_indices = #map1}, {transform_indices = #map}, {transform_indices = #map1}]} {
    %mul3A = arith.constant 2 : i32
    %mul3A_0 = arith.muli %arg1, %mul3A : i32
    %add3A = arith.addi %mul3A_0, %arg0 : i32
    %mul3A_1 = arith.constant 632 : i32
    %mul3A_2 = arith.muli %arg1, %mul3A_1 : i32
    %mul3A_3 = arith.constant 632 : i32
    %mul3A_4 = arith.muli %arg1, %mul3A_3 : i32
    "tpu.region"() ({
      %run_scoped3A_30 = tpu.sem_alloc : memref<!tpu.dma_semaphore, #tpu.memory_space<semaphore_mem>>
      %dma_start3A_31 = arith.constant 0 : i32
      %dma_start3A_32 = tpu.memref_slice %arg11[%mul3A_4, %dma_start3A_31] : memref<10112x128xf32, #tpu.memory_space<vmem_shared>> -> memref<632x128xf32, #tpu.memory_space<vmem_shared>>
      %dma_start3A_33 = arith.constant 0 : i32
      %dma_start3A_34 = tpu.memref_slice %arg5[%mul3A_2, %dma_start3A_33] : memref<10112x128xf32, #tpu.memory_space<hbm>> -> memref<632x128xf32, #tpu.memory_space<hbm>>
      tpu.enqueue_dma source(%dma_start3A_34 : memref<632x128xf32, #tpu.memory_space<hbm>>) target(%dma_start3A_32 : memref<632x128xf32, #tpu.memory_space<vmem_shared>>) target_semaphore(%run_scoped3A_30 : memref<!tpu.dma_semaphore, #tpu.memory_space<semaphore_mem>>)
      %dma_wait3A = arith.constant 0 : i32
      %dma_wait3A_35 = tpu.memref_slice %arg11[%mul3A_4, %dma_wait3A] : memref<10112x128xf32, #tpu.memory_space<vmem_shared>> -> memref<632x128xf32, #tpu.memory_space<vmem_shared>>
      %dma_wait3A_36 = arith.constant 0 : i32
      %dma_wait3A_37 = tpu.memref_slice %arg5[%mul3A_2, %dma_wait3A_36] : memref<10112x128xf32, #tpu.memory_space<hbm>> -> memref<632x128xf32, #tpu.memory_space<hbm>>
      tpu.wait_dma2 semaphore(%run_scoped3A_30 : memref<!tpu.dma_semaphore, #tpu.memory_space<semaphore_mem>>) src(%dma_wait3A_37 : memref<632x128xf32, #tpu.memory_space<hbm>>) dst(%dma_wait3A_35 : memref<632x128xf32, #tpu.memory_space<vmem_shared>>)
      tpu.yield
    }) : () -> ()
    "tpu.region"() ({
      %run_scoped3A_30 = tpu.sem_alloc : memref<!tpu.dma_semaphore, #tpu.memory_space<semaphore_mem>>
      %dma_start3A_31 = arith.constant 0 : i32
      %dma_start3A_32 = arith.constant 0 : i32
      %dma_start3A_33 = tpu.memref_slice %arg3[%add3A, %dma_start3A_31, %dma_start3A_32] : memref<32x80x128xi32, #tpu.memory_space<hbm>> -> memref<1x80x128xi32, #tpu.memory_space<hbm>>
      %dma_start3A_34 = tpu.memref_squeeze %dma_start3A_33 : memref<1x80x128xi32, #tpu.memory_space<hbm>> -> memref<80x128xi32, #tpu.memory_space<hbm>>
      %dma_start3A_35 = arith.constant 0 : i32
      %dma_start3A_36 = arith.constant 0 : i32
      %dma_start3A_37 = tpu.memref_slice %arg3[%add3A, %dma_start3A_35, %dma_start3A_36] : memref<32x80x128xi32, #tpu.memory_space<hbm>> -> memref<1x80x128xi32, #tpu.memory_space<hbm>>
      %dma_start3A_38 = tpu.memref_squeeze %dma_start3A_37 : memref<1x80x128xi32, #tpu.memory_space<hbm>> -> memref<80x128xi32, #tpu.memory_space<hbm>>
      tpu.enqueue_dma source(%dma_start3A_38 : memref<80x128xi32, #tpu.memory_space<hbm>>) target(%arg7 : memref<80x128xi32, #tpu.memory_space<vmem>>) target_semaphore(%run_scoped3A_30 : memref<!tpu.dma_semaphore, #tpu.memory_space<semaphore_mem>>)
      %dma_wait3A = arith.constant 0 : i32
      %dma_wait3A_39 = arith.constant 0 : i32
      %dma_wait3A_40 = tpu.memref_slice %arg3[%add3A, %dma_wait3A, %dma_wait3A_39] : memref<32x80x128xi32, #tpu.memory_space<hbm>> -> memref<1x80x128xi32, #tpu.memory_space<hbm>>
      %dma_wait3A_41 = tpu.memref_squeeze %dma_wait3A_40 : memref<1x80x128xi32, #tpu.memory_space<hbm>> -> memref<80x128xi32, #tpu.memory_space<hbm>>
      %dma_wait3A_42 = arith.constant 0 : i32
      %dma_wait3A_43 = arith.constant 0 : i32
      %dma_wait3A_44 = tpu.memref_slice %arg3[%add3A, %dma_wait3A_42, %dma_wait3A_43] : memref<32x80x128xi32, #tpu.memory_space<hbm>> -> memref<1x80x128xi32, #tpu.memory_space<hbm>>
      %dma_wait3A_45 = tpu.memref_squeeze %dma_wait3A_44 : memref<1x80x128xi32, #tpu.memory_space<hbm>> -> memref<80x128xi32, #tpu.memory_space<hbm>>
      tpu.wait_dma2 semaphore(%run_scoped3A_30 : memref<!tpu.dma_semaphore, #tpu.memory_space<semaphore_mem>>) src(%dma_wait3A_45 : memref<80x128xi32, #tpu.memory_space<hbm>>) dst(%arg7 : memref<80x128xi32, #tpu.memory_space<vmem>>)
      tpu.yield
    }) : () -> ()
    %run_scoped3A = arith.constant 0 : i32
    %run_scoped3A_5 = arith.constant 0 : i32
    "tpu.region"() ({
      %run_scoped3A_30 = tpu.sem_alloc : memref<!tpu.dma_semaphore, #tpu.memory_space<semaphore_mem>>
      %dma_start3A_31 = arith.constant 0 : i32
      %dma_start3A_32 = tpu.memref_slice %arg8[%run_scoped3A_5, %dma_start3A_31] : memref<2x128xi32, #tpu.memory_space<vmem>> -> memref<1x128xi32, #tpu.memory_space<vmem>>
      %dma_start3A_33 = tpu.memref_squeeze %dma_start3A_32 : memref<1x128xi32, #tpu.memory_space<vmem>> -> memref<128xi32, #tpu.memory_space<vmem>>
      %dma_start3A_34 = arith.constant 0 : i32
      %dma_start3A_35 = tpu.memref_slice %arg4[%add3A, %run_scoped3A, %dma_start3A_34] : memref<32x80x128xi32, #tpu.memory_space<hbm>> -> memref<1x1x128xi32, #tpu.memory_space<hbm>>
      %dma_start3A_36 = tpu.memref_squeeze %dma_start3A_35 : memref<1x1x128xi32, #tpu.memory_space<hbm>> -> memref<128xi32, #tpu.memory_space<hbm>>
      %dma_start3A_37 = arith.constant 0 : i32
      %dma_start3A_38 = tpu.memref_slice %arg8[%run_scoped3A_5, %dma_start3A_37] : memref<2x128xi32, #tpu.memory_space<vmem>> -> memref<1x128xi32, #tpu.memory_space<vmem>>
      %dma_start3A_39 = tpu.memref_squeeze %dma_start3A_38 : memref<1x128xi32, #tpu.memory_space<vmem>> -> memref<128xi32, #tpu.memory_space<vmem>>
      %dma_start3A_40 = arith.constant 0 : i32
      %dma_start3A_41 = tpu.memref_slice %arg4[%add3A, %run_scoped3A, %dma_start3A_40] : memref<32x80x128xi32, #tpu.memory_space<hbm>> -> memref<1x1x128xi32, #tpu.memory_space<hbm>>
      %dma_start3A_42 = tpu.memref_squeeze %dma_start3A_41 : memref<1x1x128xi32, #tpu.memory_space<hbm>> -> memref<128xi32, #tpu.memory_space<hbm>>
      tpu.enqueue_dma source(%dma_start3A_42 : memref<128xi32, #tpu.memory_space<hbm>>) target(%dma_start3A_39 : memref<128xi32, #tpu.memory_space<vmem>>) target_semaphore(%run_scoped3A_30 : memref<!tpu.dma_semaphore, #tpu.memory_space<semaphore_mem>>)
      %dma_wait3A = arith.constant 0 : i32
      %dma_wait3A_43 = tpu.memref_slice %arg8[%run_scoped3A_5, %dma_wait3A] : memref<2x128xi32, #tpu.memory_space<vmem>> -> memref<1x128xi32, #tpu.memory_space<vmem>>
      %dma_wait3A_44 = tpu.memref_squeeze %dma_wait3A_43 : memref<1x128xi32, #tpu.memory_space<vmem>> -> memref<128xi32, #tpu.memory_space<vmem>>
      %dma_wait3A_45 = arith.constant 0 : i32
      %dma_wait3A_46 = tpu.memref_slice %arg4[%add3A, %run_scoped3A, %dma_wait3A_45] : memref<32x80x128xi32, #tpu.memory_space<hbm>> -> memref<1x1x128xi32, #tpu.memory_space<hbm>>
      %dma_wait3A_47 = tpu.memref_squeeze %dma_wait3A_46 : memref<1x1x128xi32, #tpu.memory_space<hbm>> -> memref<128xi32, #tpu.memory_space<hbm>>
      %dma_wait3A_48 = arith.constant 0 : i32
      %dma_wait3A_49 = tpu.memref_slice %arg8[%run_scoped3A_5, %dma_wait3A_48] : memref<2x128xi32, #tpu.memory_space<vmem>> -> memref<1x128xi32, #tpu.memory_space<vmem>>
      %dma_wait3A_50 = tpu.memref_squeeze %dma_wait3A_49 : memref<1x128xi32, #tpu.memory_space<vmem>> -> memref<128xi32, #tpu.memory_space<vmem>>
      %dma_wait3A_51 = arith.constant 0 : i32
      %dma_wait3A_52 = tpu.memref_slice %arg4[%add3A, %run_scoped3A, %dma_wait3A_51] : memref<32x80x128xi32, #tpu.memory_space<hbm>> -> memref<1x1x128xi32, #tpu.memory_space<hbm>>
      %dma_wait3A_53 = tpu.memref_squeeze %dma_wait3A_52 : memref<1x1x128xi32, #tpu.memory_space<hbm>> -> memref<128xi32, #tpu.memory_space<hbm>>
      tpu.wait_dma2 semaphore(%run_scoped3A_30 : memref<!tpu.dma_semaphore, #tpu.memory_space<semaphore_mem>>) src(%dma_wait3A_53 : memref<128xi32, #tpu.memory_space<hbm>>) dst(%dma_wait3A_50 : memref<128xi32, #tpu.memory_space<vmem>>)
      tpu.yield
    }) : () -> ()
    %run_scoped3A_6 = arith.constant 1 : i32
    %run_scoped3A_7 = arith.constant 1 : i32
    "tpu.region"() ({
      %run_scoped3A_30 = tpu.sem_alloc : memref<!tpu.dma_semaphore, #tpu.memory_space<semaphore_mem>>
      %dma_start3A_31 = arith.constant 0 : i32
      %dma_start3A_32 = tpu.memref_slice %arg8[%run_scoped3A_7, %dma_start3A_31] : memref<2x128xi32, #tpu.memory_space<vmem>> -> memref<1x128xi32, #tpu.memory_space<vmem>>
      %dma_start3A_33 = tpu.memref_squeeze %dma_start3A_32 : memref<1x128xi32, #tpu.memory_space<vmem>> -> memref<128xi32, #tpu.memory_space<vmem>>
      %dma_start3A_34 = arith.constant 0 : i32
      %dma_start3A_35 = tpu.memref_slice %arg4[%add3A, %run_scoped3A_6, %dma_start3A_34] : memref<32x80x128xi32, #tpu.memory_space<hbm>> -> memref<1x1x128xi32, #tpu.memory_space<hbm>>
      %dma_start3A_36 = tpu.memref_squeeze %dma_start3A_35 : memref<1x1x128xi32, #tpu.memory_space<hbm>> -> memref<128xi32, #tpu.memory_space<hbm>>
      %dma_start3A_37 = arith.constant 0 : i32
      %dma_start3A_38 = tpu.memref_slice %arg8[%run_scoped3A_7, %dma_start3A_37] : memref<2x128xi32, #tpu.memory_space<vmem>> -> memref<1x128xi32, #tpu.memory_space<vmem>>
      %dma_start3A_39 = tpu.memref_squeeze %dma_start3A_38 : memref<1x128xi32, #tpu.memory_space<vmem>> -> memref<128xi32, #tpu.memory_space<vmem>>
      %dma_start3A_40 = arith.constant 0 : i32
      %dma_start3A_41 = tpu.memref_slice %arg4[%add3A, %run_scoped3A_6, %dma_start3A_40] : memref<32x80x128xi32, #tpu.memory_space<hbm>> -> memref<1x1x128xi32, #tpu.memory_space<hbm>>
      %dma_start3A_42 = tpu.memref_squeeze %dma_start3A_41 : memref<1x1x128xi32, #tpu.memory_space<hbm>> -> memref<128xi32, #tpu.memory_space<hbm>>
      tpu.enqueue_dma source(%dma_start3A_42 : memref<128xi32, #tpu.memory_space<hbm>>) target(%dma_start3A_39 : memref<128xi32, #tpu.memory_space<vmem>>) target_semaphore(%run_scoped3A_30 : memref<!tpu.dma_semaphore, #tpu.memory_space<semaphore_mem>>)
      %dma_wait3A = arith.constant 0 : i32
      %dma_wait3A_43 = tpu.memref_slice %arg8[%run_scoped3A_7, %dma_wait3A] : memref<2x128xi32, #tpu.memory_space<vmem>> -> memref<1x128xi32, #tpu.memory_space<vmem>>
      %dma_wait3A_44 = tpu.memref_squeeze %dma_wait3A_43 : memref<1x128xi32, #tpu.memory_space<vmem>> -> memref<128xi32, #tpu.memory_space<vmem>>
      %dma_wait3A_45 = arith.constant 0 : i32
      %dma_wait3A_46 = tpu.memref_slice %arg4[%add3A, %run_scoped3A_6, %dma_wait3A_45] : memref<32x80x128xi32, #tpu.memory_space<hbm>> -> memref<1x1x128xi32, #tpu.memory_space<hbm>>
      %dma_wait3A_47 = tpu.memref_squeeze %dma_wait3A_46 : memref<1x1x128xi32, #tpu.memory_space<hbm>> -> memref<128xi32, #tpu.memory_space<hbm>>
      %dma_wait3A_48 = arith.constant 0 : i32
      %dma_wait3A_49 = tpu.memref_slice %arg8[%run_scoped3A_7, %dma_wait3A_48] : memref<2x128xi32, #tpu.memory_space<vmem>> -> memref<1x128xi32, #tpu.memory_space<vmem>>
      %dma_wait3A_50 = tpu.memref_squeeze %dma_wait3A_49 : memref<1x128xi32, #tpu.memory_space<vmem>> -> memref<128xi32, #tpu.memory_space<vmem>>
      %dma_wait3A_51 = arith.constant 0 : i32
      %dma_wait3A_52 = tpu.memref_slice %arg4[%add3A, %run_scoped3A_6, %dma_wait3A_51] : memref<32x80x128xi32, #tpu.memory_space<hbm>> -> memref<1x1x128xi32, #tpu.memory_space<hbm>>
      %dma_wait3A_53 = tpu.memref_squeeze %dma_wait3A_52 : memref<1x1x128xi32, #tpu.memory_space<hbm>> -> memref<128xi32, #tpu.memory_space<hbm>>
      tpu.wait_dma2 semaphore(%run_scoped3A_30 : memref<!tpu.dma_semaphore, #tpu.memory_space<semaphore_mem>>) src(%dma_wait3A_53 : memref<128xi32, #tpu.memory_space<hbm>>) dst(%dma_wait3A_50 : memref<128xi32, #tpu.memory_space<vmem>>)
      tpu.yield
    }) : () -> ()
    %barrier3A = arith.constant 0 : index
    tpu.barrier barrier_id(%barrier3A)
    %dma_start3A = arith.constant 0 : i32
    %dma_start3A_8 = arith.constant 0 : i32
    %dma_start3A_9 = tpu.memref_slice %arg8[%dma_start3A, %dma_start3A_8] : memref<2x128xi32, #tpu.memory_space<vmem>> -> memref<1x128xi32, #tpu.memory_space<vmem>>
    %dma_start3A_10 = tpu.memref_squeeze %dma_start3A_9 : memref<1x128xi32, #tpu.memory_space<vmem>> -> memref<128xi32, #tpu.memory_space<vmem>>
    %dma_start3A_11 = arith.constant 0 : i32
    %dma_start3A_12 = arith.constant 0 : i32
    %dma_start3A_13 = tpu.memref_slice %arg2[%dma_start3A_11, %dma_start3A_12] : memref<10000x128xf32, #tpu.memory_space<hbm>> -> memref<10000x128xf32, #tpu.memory_space<hbm>>
    tpu.enqueue_indirect_dma source(%dma_start3A_13 : memref<10000x128xf32, #tpu.memory_space<hbm>>) target(%arg9 : memref<128x128xf32, #tpu.memory_space<vmem>>) offsets(%dma_start3A_10 : memref<128xi32, #tpu.memory_space<vmem>>) semaphore(%arg12 : memref<!tpu.dma_semaphore, #tpu.memory_space<semaphore_mem>>)
    %dma_start3A_14 = arith.constant 1 : i32
    %dma_start3A_15 = arith.constant 0 : i32
    %dma_start3A_16 = tpu.memref_slice %arg8[%dma_start3A_14, %dma_start3A_15] : memref<2x128xi32, #tpu.memory_space<vmem>> -> memref<1x128xi32, #tpu.memory_space<vmem>>
    %dma_start3A_17 = tpu.memref_squeeze %dma_start3A_16 : memref<1x128xi32, #tpu.memory_space<vmem>> -> memref<128xi32, #tpu.memory_space<vmem>>
    %dma_start3A_18 = arith.constant 0 : i32
    %dma_start3A_19 = arith.constant 0 : i32
    %dma_start3A_20 = tpu.memref_slice %arg2[%dma_start3A_18, %dma_start3A_19] : memref<10000x128xf32, #tpu.memory_space<hbm>> -> memref<10000x128xf32, #tpu.memory_space<hbm>>
    tpu.enqueue_indirect_dma source(%dma_start3A_20 : memref<10000x128xf32, #tpu.memory_space<hbm>>) target(%arg10 : memref<128x128xf32, #tpu.memory_space<vmem>>) offsets(%dma_start3A_17 : memref<128xi32, #tpu.memory_space<vmem>>) semaphore(%arg13 : memref<!tpu.dma_semaphore, #tpu.memory_space<semaphore_mem>>)
    %scan3A = arith.constant 0 : i32
    %scan3A_21 = arith.constant 40 : i32
    %scan3A_22 = arith.addi %scan3A, %scan3A_21 : i32
    %scan3A_23 = arith.constant 1 : i32
    scf.for %scan3A_30 = %scan3A to %scan3A_22 step %scan3A_23  : i32 {
      %mul3A_31 = arith.constant 2 : i32
      %mul3A_32 = arith.muli %scan3A_30, %mul3A_31 : i32
      %add3A_33 = arith.constant 0 : i32
      %add3A_34 = arith.addi %add3A_33, %mul3A_32 : i32
      %dma_wait3A = arith.constant 0 : i32
      %dma_wait3A_35 = arith.constant 0 : i32
      %dma_wait3A_36 = tpu.memref_slice %arg8[%dma_wait3A, %dma_wait3A_35] : memref<2x128xi32, #tpu.memory_space<vmem>> -> memref<1x128xi32, #tpu.memory_space<vmem>>
      %dma_wait3A_37 = tpu.memref_squeeze %dma_wait3A_36 : memref<1x128xi32, #tpu.memory_space<vmem>> -> memref<128xi32, #tpu.memory_space<vmem>>
      %dma_wait3A_38 = arith.constant 0 : i32
      %dma_wait3A_39 = arith.constant 0 : i32
      %dma_wait3A_40 = tpu.memref_slice %arg2[%dma_wait3A_38, %dma_wait3A_39] : memref<10000x128xf32, #tpu.memory_space<hbm>> -> memref<10000x128xf32, #tpu.memory_space<hbm>>
      tpu.wait_indirect_dma semaphore(%arg12 : memref<!tpu.dma_semaphore, #tpu.memory_space<semaphore_mem>>) src(%dma_wait3A_40 : memref<10000x128xf32, #tpu.memory_space<hbm>>) dst(%arg9 : memref<128x128xf32, #tpu.memory_space<vmem>>)
      %add3A_41 = arith.constant 2 : i32
      %add3A_42 = arith.addi %add3A_34, %add3A_41 : i32
      %lt3A = arith.constant 80 : i32
      %lt3A_43 = arith.cmpi slt, %add3A_42, %lt3A : i32
      %convert_element_type3A = arith.extui %lt3A_43 : i1 to i32
      %cond3A = arith.constant 0 : i32
      %cond3A_44 = arith.cmpi ne, %convert_element_type3A, %cond3A : i32
      scf.if %cond3A_44 {
        %add3A_75 = arith.constant 2 : i32
        %add3A_76 = arith.addi %add3A_34, %add3A_75 : i32
        %dma_start3A_77 = arith.constant 0 : i32
        %dma_start3A_78 = arith.constant 0 : i32
        %dma_start3A_79 = tpu.memref_slice %arg8[%dma_start3A_77, %dma_start3A_78] : memref<2x128xi32, #tpu.memory_space<vmem>> -> memref<1x128xi32, #tpu.memory_space<vmem>>
        %dma_start3A_80 = tpu.memref_squeeze %dma_start3A_79 : memref<1x128xi32, #tpu.memory_space<vmem>> -> memref<128xi32, #tpu.memory_space<vmem>>
        %dma_start3A_81 = arith.constant 0 : i32
        %dma_start3A_82 = tpu.memref_slice %arg4[%add3A, %add3A_76, %dma_start3A_81] : memref<32x80x128xi32, #tpu.memory_space<hbm>> -> memref<1x1x128xi32, #tpu.memory_space<hbm>>
        %dma_start3A_83 = tpu.memref_squeeze %dma_start3A_82 : memref<1x1x128xi32, #tpu.memory_space<hbm>> -> memref<128xi32, #tpu.memory_space<hbm>>
        %dma_start3A_84 = arith.constant 0 : i32
        %dma_start3A_85 = tpu.memref_slice %arg8[%dma_start3A_77, %dma_start3A_84] : memref<2x128xi32, #tpu.memory_space<vmem>> -> memref<1x128xi32, #tpu.memory_space<vmem>>
        %dma_start3A_86 = tpu.memref_squeeze %dma_start3A_85 : memref<1x128xi32, #tpu.memory_space<vmem>> -> memref<128xi32, #tpu.memory_space<vmem>>
        %dma_start3A_87 = arith.constant 0 : i32
        %dma_start3A_88 = tpu.memref_slice %arg4[%add3A, %add3A_76, %dma_start3A_87] : memref<32x80x128xi32, #tpu.memory_space<hbm>> -> memref<1x1x128xi32, #tpu.memory_space<hbm>>
        %dma_start3A_89 = tpu.memref_squeeze %dma_start3A_88 : memref<1x1x128xi32, #tpu.memory_space<hbm>> -> memref<128xi32, #tpu.memory_space<hbm>>
        tpu.enqueue_dma source(%dma_start3A_89 : memref<128xi32, #tpu.memory_space<hbm>>) target(%dma_start3A_86 : memref<128xi32, #tpu.memory_space<vmem>>) target_semaphore(%arg14 : memref<!tpu.dma_semaphore, #tpu.memory_space<semaphore_mem>>)
      } else {
      }
      "tpu.region"() ({
        %run_scoped3A_75 = tpu.sem_alloc : memref<!tpu.dma_semaphore, #tpu.memory_space<semaphore_mem>>
        %dma_start3A_76 = arith.constant 0 : i32
        %dma_start3A_77 = tpu.memref_slice %arg7[%add3A_34, %dma_start3A_76] : memref<80x128xi32, #tpu.memory_space<vmem>> -> memref<1x128xi32, #tpu.memory_space<vmem>>
        %dma_start3A_78 = tpu.memref_squeeze %dma_start3A_77 : memref<1x128xi32, #tpu.memory_space<vmem>> -> memref<128xi32, #tpu.memory_space<vmem>>
        %dma_start3A_79 = arith.constant 0 : i32
        %dma_start3A_80 = arith.constant 0 : i32
        %dma_start3A_81 = tpu.memref_slice %arg11[%dma_start3A_79, %dma_start3A_80] : memref<10112x128xf32, #tpu.memory_space<vmem_shared>> -> memref<10112x128xf32, #tpu.memory_space<vmem_shared>>
        tpu.enqueue_indirect_dma source(%arg9 : memref<128x128xf32, #tpu.memory_space<vmem>>) target(%dma_start3A_81 : memref<10112x128xf32, #tpu.memory_space<vmem_shared>>) offsets(%dma_start3A_78 : memref<128xi32, #tpu.memory_space<vmem>>) semaphore(%run_scoped3A_75 : memref<!tpu.dma_semaphore, #tpu.memory_space<semaphore_mem>>) {add = true}
        %dma_wait3A_82 = arith.constant 0 : i32
        %dma_wait3A_83 = tpu.memref_slice %arg7[%add3A_34, %dma_wait3A_82] : memref<80x128xi32, #tpu.memory_space<vmem>> -> memref<1x128xi32, #tpu.memory_space<vmem>>
        %dma_wait3A_84 = tpu.memref_squeeze %dma_wait3A_83 : memref<1x128xi32, #tpu.memory_space<vmem>> -> memref<128xi32, #tpu.memory_space<vmem>>
        %dma_wait3A_85 = arith.constant 0 : i32
        %dma_wait3A_86 = arith.constant 0 : i32
        %dma_wait3A_87 = tpu.memref_slice %arg11[%dma_wait3A_85, %dma_wait3A_86] : memref<10112x128xf32, #tpu.memory_space<vmem_shared>> -> memref<10112x128xf32, #tpu.memory_space<vmem_shared>>
        tpu.wait_indirect_dma semaphore(%run_scoped3A_75 : memref<!tpu.dma_semaphore, #tpu.memory_space<semaphore_mem>>) src(%arg9 : memref<128x128xf32, #tpu.memory_space<vmem>>) dst(%dma_wait3A_87 : memref<10112x128xf32, #tpu.memory_space<vmem_shared>>)
        tpu.yield
      }) : () -> ()
      %add3A_45 = arith.constant 2 : i32
      %add3A_46 = arith.addi %add3A_34, %add3A_45 : i32
      %lt3A_47 = arith.constant 80 : i32
      %lt3A_48 = arith.cmpi slt, %add3A_46, %lt3A_47 : i32
      %convert_element_type3A_49 = arith.extui %lt3A_48 : i1 to i32
      %cond3A_50 = arith.constant 0 : i32
      %cond3A_51 = arith.cmpi ne, %convert_element_type3A_49, %cond3A_50 : i32
      scf.if %cond3A_51 {
        %add3A_75 = arith.constant 2 : i32
        %add3A_76 = arith.addi %add3A_34, %add3A_75 : i32
        %dma_wait3A_77 = arith.constant 0 : i32
        %dma_wait3A_78 = arith.constant 0 : i32
        %dma_wait3A_79 = tpu.memref_slice %arg8[%dma_wait3A_77, %dma_wait3A_78] : memref<2x128xi32, #tpu.memory_space<vmem>> -> memref<1x128xi32, #tpu.memory_space<vmem>>
        %dma_wait3A_80 = tpu.memref_squeeze %dma_wait3A_79 : memref<1x128xi32, #tpu.memory_space<vmem>> -> memref<128xi32, #tpu.memory_space<vmem>>
        %dma_wait3A_81 = arith.constant 0 : i32
        %dma_wait3A_82 = tpu.memref_slice %arg4[%add3A, %add3A_76, %dma_wait3A_81] : memref<32x80x128xi32, #tpu.memory_space<hbm>> -> memref<1x1x128xi32, #tpu.memory_space<hbm>>
        %dma_wait3A_83 = tpu.memref_squeeze %dma_wait3A_82 : memref<1x1x128xi32, #tpu.memory_space<hbm>> -> memref<128xi32, #tpu.memory_space<hbm>>
        %dma_wait3A_84 = arith.constant 0 : i32
        %dma_wait3A_85 = tpu.memref_slice %arg8[%dma_wait3A_77, %dma_wait3A_84] : memref<2x128xi32, #tpu.memory_space<vmem>> -> memref<1x128xi32, #tpu.memory_space<vmem>>
        %dma_wait3A_86 = tpu.memref_squeeze %dma_wait3A_85 : memref<1x128xi32, #tpu.memory_space<vmem>> -> memref<128xi32, #tpu.memory_space<vmem>>
        %dma_wait3A_87 = arith.constant 0 : i32
        %dma_wait3A_88 = tpu.memref_slice %arg4[%add3A, %add3A_76, %dma_wait3A_87] : memref<32x80x128xi32, #tpu.memory_space<hbm>> -> memref<1x1x128xi32, #tpu.memory_space<hbm>>
        %dma_wait3A_89 = tpu.memref_squeeze %dma_wait3A_88 : memref<1x1x128xi32, #tpu.memory_space<hbm>> -> memref<128xi32, #tpu.memory_space<hbm>>
        tpu.wait_dma2 semaphore(%arg14 : memref<!tpu.dma_semaphore, #tpu.memory_space<semaphore_mem>>) src(%dma_wait3A_89 : memref<128xi32, #tpu.memory_space<hbm>>) dst(%dma_wait3A_86 : memref<128xi32, #tpu.memory_space<vmem>>)
        %dma_start3A_90 = arith.constant 0 : i32
        %dma_start3A_91 = arith.constant 0 : i32
        %dma_start3A_92 = tpu.memref_slice %arg8[%dma_start3A_90, %dma_start3A_91] : memref<2x128xi32, #tpu.memory_space<vmem>> -> memref<1x128xi32, #tpu.memory_space<vmem>>
        %dma_start3A_93 = tpu.memref_squeeze %dma_start3A_92 : memref<1x128xi32, #tpu.memory_space<vmem>> -> memref<128xi32, #tpu.memory_space<vmem>>
        %dma_start3A_94 = arith.constant 0 : i32
        %dma_start3A_95 = arith.constant 0 : i32
        %dma_start3A_96 = tpu.memref_slice %arg2[%dma_start3A_94, %dma_start3A_95] : memref<10000x128xf32, #tpu.memory_space<hbm>> -> memref<10000x128xf32, #tpu.memory_space<hbm>>
        tpu.enqueue_indirect_dma source(%dma_start3A_96 : memref<10000x128xf32, #tpu.memory_space<hbm>>) target(%arg9 : memref<128x128xf32, #tpu.memory_space<vmem>>) offsets(%dma_start3A_93 : memref<128xi32, #tpu.memory_space<vmem>>) semaphore(%arg12 : memref<!tpu.dma_semaphore, #tpu.memory_space<semaphore_mem>>)
      } else {
      }
      %dma_wait3A_52 = arith.constant 1 : i32
      %dma_wait3A_53 = arith.constant 0 : i32
      %dma_wait3A_54 = tpu.memref_slice %arg8[%dma_wait3A_52, %dma_wait3A_53] : memref<2x128xi32, #tpu.memory_space<vmem>> -> memref<1x128xi32, #tpu.memory_space<vmem>>
      %dma_wait3A_55 = tpu.memref_squeeze %dma_wait3A_54 : memref<1x128xi32, #tpu.memory_space<vmem>> -> memref<128xi32, #tpu.memory_space<vmem>>
      %dma_wait3A_56 = arith.constant 0 : i32
      %dma_wait3A_57 = arith.constant 0 : i32
      %dma_wait3A_58 = tpu.memref_slice %arg2[%dma_wait3A_56, %dma_wait3A_57] : memref<10000x128xf32, #tpu.memory_space<hbm>> -> memref<10000x128xf32, #tpu.memory_space<hbm>>
      tpu.wait_indirect_dma semaphore(%arg13 : memref<!tpu.dma_semaphore, #tpu.memory_space<semaphore_mem>>) src(%dma_wait3A_58 : memref<10000x128xf32, #tpu.memory_space<hbm>>) dst(%arg10 : memref<128x128xf32, #tpu.memory_space<vmem>>)
      %add3A_59 = arith.constant 3 : i32
      %add3A_60 = arith.addi %add3A_34, %add3A_59 : i32
      %lt3A_61 = arith.constant 80 : i32
      %lt3A_62 = arith.cmpi slt, %add3A_60, %lt3A_61 : i32
      %convert_element_type3A_63 = arith.extui %lt3A_62 : i1 to i32
      %cond3A_64 = arith.constant 0 : i32
      %cond3A_65 = arith.cmpi ne, %convert_element_type3A_63, %cond3A_64 : i32
      scf.if %cond3A_65 {
        %add3A_75 = arith.constant 3 : i32
        %add3A_76 = arith.addi %add3A_34, %add3A_75 : i32
        %dma_start3A_77 = arith.constant 1 : i32
        %dma_start3A_78 = arith.constant 0 : i32
        %dma_start3A_79 = tpu.memref_slice %arg8[%dma_start3A_77, %dma_start3A_78] : memref<2x128xi32, #tpu.memory_space<vmem>> -> memref<1x128xi32, #tpu.memory_space<vmem>>
        %dma_start3A_80 = tpu.memref_squeeze %dma_start3A_79 : memref<1x128xi32, #tpu.memory_space<vmem>> -> memref<128xi32, #tpu.memory_space<vmem>>
        %dma_start3A_81 = arith.constant 0 : i32
        %dma_start3A_82 = tpu.memref_slice %arg4[%add3A, %add3A_76, %dma_start3A_81] : memref<32x80x128xi32, #tpu.memory_space<hbm>> -> memref<1x1x128xi32, #tpu.memory_space<hbm>>
        %dma_start3A_83 = tpu.memref_squeeze %dma_start3A_82 : memref<1x1x128xi32, #tpu.memory_space<hbm>> -> memref<128xi32, #tpu.memory_space<hbm>>
        %dma_start3A_84 = arith.constant 0 : i32
        %dma_start3A_85 = tpu.memref_slice %arg8[%dma_start3A_77, %dma_start3A_84] : memref<2x128xi32, #tpu.memory_space<vmem>> -> memref<1x128xi32, #tpu.memory_space<vmem>>
        %dma_start3A_86 = tpu.memref_squeeze %dma_start3A_85 : memref<1x128xi32, #tpu.memory_space<vmem>> -> memref<128xi32, #tpu.memory_space<vmem>>
        %dma_start3A_87 = arith.constant 0 : i32
        %dma_start3A_88 = tpu.memref_slice %arg4[%add3A, %add3A_76, %dma_start3A_87] : memref<32x80x128xi32, #tpu.memory_space<hbm>> -> memref<1x1x128xi32, #tpu.memory_space<hbm>>
        %dma_start3A_89 = tpu.memref_squeeze %dma_start3A_88 : memref<1x1x128xi32, #tpu.memory_space<hbm>> -> memref<128xi32, #tpu.memory_space<hbm>>
        tpu.enqueue_dma source(%dma_start3A_89 : memref<128xi32, #tpu.memory_space<hbm>>) target(%dma_start3A_86 : memref<128xi32, #tpu.memory_space<vmem>>) target_semaphore(%arg15 : memref<!tpu.dma_semaphore, #tpu.memory_space<semaphore_mem>>)
      } else {
      }
      %add3A_66 = arith.constant 1 : i32
      %add3A_67 = arith.addi %add3A_34, %add3A_66 : i32
      "tpu.region"() ({
        %run_scoped3A_75 = tpu.sem_alloc : memref<!tpu.dma_semaphore, #tpu.memory_space<semaphore_mem>>
        %dma_start3A_76 = arith.constant 0 : i32
        %dma_start3A_77 = tpu.memref_slice %arg7[%add3A_67, %dma_start3A_76] : memref<80x128xi32, #tpu.memory_space<vmem>> -> memref<1x128xi32, #tpu.memory_space<vmem>>
        %dma_start3A_78 = tpu.memref_squeeze %dma_start3A_77 : memref<1x128xi32, #tpu.memory_space<vmem>> -> memref<128xi32, #tpu.memory_space<vmem>>
        %dma_start3A_79 = arith.constant 0 : i32
        %dma_start3A_80 = arith.constant 0 : i32
        %dma_start3A_81 = tpu.memref_slice %arg11[%dma_start3A_79, %dma_start3A_80] : memref<10112x128xf32, #tpu.memory_space<vmem_shared>> -> memref<10112x128xf32, #tpu.memory_space<vmem_shared>>
        tpu.enqueue_indirect_dma source(%arg10 : memref<128x128xf32, #tpu.memory_space<vmem>>) target(%dma_start3A_81 : memref<10112x128xf32, #tpu.memory_space<vmem_shared>>) offsets(%dma_start3A_78 : memref<128xi32, #tpu.memory_space<vmem>>) semaphore(%run_scoped3A_75 : memref<!tpu.dma_semaphore, #tpu.memory_space<semaphore_mem>>) {add = true}
        %dma_wait3A_82 = arith.constant 0 : i32
        %dma_wait3A_83 = tpu.memref_slice %arg7[%add3A_67, %dma_wait3A_82] : memref<80x128xi32, #tpu.memory_space<vmem>> -> memref<1x128xi32, #tpu.memory_space<vmem>>
        %dma_wait3A_84 = tpu.memref_squeeze %dma_wait3A_83 : memref<1x128xi32, #tpu.memory_space<vmem>> -> memref<128xi32, #tpu.memory_space<vmem>>
        %dma_wait3A_85 = arith.constant 0 : i32
        %dma_wait3A_86 = arith.constant 0 : i32
        %dma_wait3A_87 = tpu.memref_slice %arg11[%dma_wait3A_85, %dma_wait3A_86] : memref<10112x128xf32, #tpu.memory_space<vmem_shared>> -> memref<10112x128xf32, #tpu.memory_space<vmem_shared>>
        tpu.wait_indirect_dma semaphore(%run_scoped3A_75 : memref<!tpu.dma_semaphore, #tpu.memory_space<semaphore_mem>>) src(%arg10 : memref<128x128xf32, #tpu.memory_space<vmem>>) dst(%dma_wait3A_87 : memref<10112x128xf32, #tpu.memory_space<vmem_shared>>)
        tpu.yield
      }) : () -> ()
      %add3A_68 = arith.constant 3 : i32
      %add3A_69 = arith.addi %add3A_34, %add3A_68 : i32
      %lt3A_70 = arith.constant 80 : i32
      %lt3A_71 = arith.cmpi slt, %add3A_69, %lt3A_70 : i32
      %convert_element_type3A_72 = arith.extui %lt3A_71 : i1 to i32
      %cond3A_73 = arith.constant 0 : i32
      %cond3A_74 = arith.cmpi ne, %convert_element_type3A_72, %cond3A_73 : i32
      scf.if %cond3A_74 {
        %add3A_75 = arith.constant 3 : i32
        %add3A_76 = arith.addi %add3A_34, %add3A_75 : i32
        %dma_wait3A_77 = arith.constant 1 : i32
        %dma_wait3A_78 = arith.constant 0 : i32
        %dma_wait3A_79 = tpu.memref_slice %arg8[%dma_wait3A_77, %dma_wait3A_78] : memref<2x128xi32, #tpu.memory_space<vmem>> -> memref<1x128xi32, #tpu.memory_space<vmem>>
        %dma_wait3A_80 = tpu.memref_squeeze %dma_wait3A_79 : memref<1x128xi32, #tpu.memory_space<vmem>> -> memref<128xi32, #tpu.memory_space<vmem>>
        %dma_wait3A_81 = arith.constant 0 : i32
        %dma_wait3A_82 = tpu.memref_slice %arg4[%add3A, %add3A_76, %dma_wait3A_81] : memref<32x80x128xi32, #tpu.memory_space<hbm>> -> memref<1x1x128xi32, #tpu.memory_space<hbm>>
        %dma_wait3A_83 = tpu.memref_squeeze %dma_wait3A_82 : memref<1x1x128xi32, #tpu.memory_space<hbm>> -> memref<128xi32, #tpu.memory_space<hbm>>
        %dma_wait3A_84 = arith.constant 0 : i32
        %dma_wait3A_85 = tpu.memref_slice %arg8[%dma_wait3A_77, %dma_wait3A_84] : memref<2x128xi32, #tpu.memory_space<vmem>> -> memref<1x128xi32, #tpu.memory_space<vmem>>
        %dma_wait3A_86 = tpu.memref_squeeze %dma_wait3A_85 : memref<1x128xi32, #tpu.memory_space<vmem>> -> memref<128xi32, #tpu.memory_space<vmem>>
        %dma_wait3A_87 = arith.constant 0 : i32
        %dma_wait3A_88 = tpu.memref_slice %arg4[%add3A, %add3A_76, %dma_wait3A_87] : memref<32x80x128xi32, #tpu.memory_space<hbm>> -> memref<1x1x128xi32, #tpu.memory_space<hbm>>
        %dma_wait3A_89 = tpu.memref_squeeze %dma_wait3A_88 : memref<1x1x128xi32, #tpu.memory_space<hbm>> -> memref<128xi32, #tpu.memory_space<hbm>>
        tpu.wait_dma2 semaphore(%arg15 : memref<!tpu.dma_semaphore, #tpu.memory_space<semaphore_mem>>) src(%dma_wait3A_89 : memref<128xi32, #tpu.memory_space<hbm>>) dst(%dma_wait3A_86 : memref<128xi32, #tpu.memory_space<vmem>>)
        %dma_start3A_90 = arith.constant 1 : i32
        %dma_start3A_91 = arith.constant 0 : i32
        %dma_start3A_92 = tpu.memref_slice %arg8[%dma_start3A_90, %dma_start3A_91] : memref<2x128xi32, #tpu.memory_space<vmem>> -> memref<1x128xi32, #tpu.memory_space<vmem>>
        %dma_start3A_93 = tpu.memref_squeeze %dma_start3A_92 : memref<1x128xi32, #tpu.memory_space<vmem>> -> memref<128xi32, #tpu.memory_space<vmem>>
        %dma_start3A_94 = arith.constant 0 : i32
        %dma_start3A_95 = arith.constant 0 : i32
        %dma_start3A_96 = tpu.memref_slice %arg2[%dma_start3A_94, %dma_start3A_95] : memref<10000x128xf32, #tpu.memory_space<hbm>> -> memref<10000x128xf32, #tpu.memory_space<hbm>>
        tpu.enqueue_indirect_dma source(%dma_start3A_96 : memref<10000x128xf32, #tpu.memory_space<hbm>>) target(%arg10 : memref<128x128xf32, #tpu.memory_space<vmem>>) offsets(%dma_start3A_93 : memref<128xi32, #tpu.memory_space<vmem>>) semaphore(%arg13 : memref<!tpu.dma_semaphore, #tpu.memory_space<semaphore_mem>>)
      } else {
      }
    }
    %scan3A_24 = arith.constant 40 : i32
    %barrier3A_25 = arith.constant 0 : index
    tpu.barrier barrier_id(%barrier3A_25)
    %mul3A_26 = arith.constant 632 : i32
    %mul3A_27 = arith.muli %arg1, %mul3A_26 : i32
    %mul3A_28 = arith.constant 632 : i32
    %mul3A_29 = arith.muli %arg1, %mul3A_28 : i32
    "tpu.region"() ({
      %run_scoped3A_30 = tpu.sem_alloc : memref<!tpu.dma_semaphore, #tpu.memory_space<semaphore_mem>>
      %dma_start3A_31 = arith.constant 0 : i32
      %dma_start3A_32 = tpu.memref_slice %arg6[%arg0, %mul3A_29, %dma_start3A_31] : memref<2x10112x128xf32, #tpu.memory_space<hbm>> -> memref<1x632x128xf32, #tpu.memory_space<hbm>>
      %dma_start3A_33 = tpu.memref_squeeze %dma_start3A_32 : memref<1x632x128xf32, #tpu.memory_space<hbm>> -> memref<632x128xf32, #tpu.memory_space<hbm>>
      %dma_start3A_34 = arith.constant 0 : i32
      %dma_start3A_35 = tpu.memref_slice %arg11[%mul3A_27, %dma_start3A_34] : memref<10112x128xf32, #tpu.memory_space<vmem_shared>> -> memref<632x128xf32, #tpu.memory_space<vmem_shared>>
      tpu.enqueue_dma source(%dma_start3A_35 : memref<632x128xf32, #tpu.memory_space<vmem_shared>>) target(%dma_start3A_33 : memref<632x128xf32, #tpu.memory_space<hbm>>) target_semaphore(%run_scoped3A_30 : memref<!tpu.dma_semaphore, #tpu.memory_space<semaphore_mem>>)
      %dma_wait3A = arith.constant 0 : i32
      %dma_wait3A_36 = tpu.memref_slice %arg6[%arg0, %mul3A_29, %dma_wait3A] : memref<2x10112x128xf32, #tpu.memory_space<hbm>> -> memref<1x632x128xf32, #tpu.memory_space<hbm>>
      %dma_wait3A_37 = tpu.memref_squeeze %dma_wait3A_36 : memref<1x632x128xf32, #tpu.memory_space<hbm>> -> memref<632x128xf32, #tpu.memory_space<hbm>>
      %dma_wait3A_38 = arith.constant 0 : i32
      %dma_wait3A_39 = tpu.memref_slice %arg11[%mul3A_27, %dma_wait3A_38] : memref<10112x128xf32, #tpu.memory_space<vmem_shared>> -> memref<632x128xf32, #tpu.memory_space<vmem_shared>>
      tpu.wait_dma2 semaphore(%run_scoped3A_30 : memref<!tpu.dma_semaphore, #tpu.memory_space<semaphore_mem>>) src(%dma_wait3A_39 : memref<632x128xf32, #tpu.memory_space<vmem_shared>>) dst(%dma_wait3A_37 : memref<632x128xf32, #tpu.memory_space<hbm>>)
      tpu.yield
    }) : () -> ()
    return
  }
}

#map = affine_map<(d0, d1) -> (0, 0, 0)>
#map1 = affine_map<(d0, d1) -> (0, 0)>
module attributes {stable_mosaic.version = 14 : i64} {
  func.func @_deg_body(%arg0: i32, %arg1: i32, %arg2: memref<32x80x128xi32, #tpu.memory_space<hbm>>, %arg3: memref<2x10240xf32, #tpu.memory_space<hbm>>, %arg4: memref<80x128xi32, #tpu.memory_space<vmem>>, %arg5: memref<128xf32, #tpu.memory_space<vmem>>, %arg6: memref<640xf32, #tpu.memory_space<vmem>>, %arg7: memref<10240xf32, #tpu.memory_space<vmem_shared>>, %arg8: memref<!tpu.dma_semaphore, #tpu.memory_space<semaphore_mem>>) attributes {dimension_semantics = [#tpu.dimension_semantics<core_parallel>, #tpu.dimension_semantics<subcore_parallel>], iteration_bounds = array<i64: 2, 16>, scalar_prefetch = 0 : i64, scratch_operands = 5 : i64, tpu.core_type = #tpu.core_type<sc_vector_subcore>, window_params = [{transform_indices = #map}, {transform_indices = #map1}]} {
    %mul3A = arith.constant 2 : i32
    %mul3A_0 = arith.muli %arg1, %mul3A : i32
    %add3A = arith.addi %mul3A_0, %arg0 : i32
    %scan3A = arith.constant 0 : i32
    %scan3A_1 = arith.constant 8 : i32
    %scan3A_2 = arith.addi %scan3A, %scan3A_1 : i32
    %scan3A_3 = arith.constant 1 : i32
    scf.for %scan3A_20 = %scan3A to %scan3A_2 step %scan3A_3  : i32 {
      %mul3A_21 = arith.constant 1 : i32
      %mul3A_22 = arith.muli %scan3A_20, %mul3A_21 : i32
      %add3A_23 = arith.constant 0 : i32
      %add3A_24 = arith.addi %add3A_23, %mul3A_22 : i32
      %broadcast_in_dim3A = arith.constant 1.000000e+00 : f32
      %broadcast_in_dim3A_25 = vector.broadcast %broadcast_in_dim3A : f32 to vector<16xf32>
      %mul3A_26 = arith.constant 16 : i32
      %mul3A_27 = arith.muli %add3A_24, %mul3A_26 : i32
      %swap3A = arith.index_cast %mul3A_27 : i32 to index
      %swap3A_28 = tpu.vector_load %arg5[%swap3A] {strides = array<i32>} : memref<128xf32, #tpu.memory_space<vmem>>, vector<16xf32>,
      %swap3A_29 = vector.shape_cast %swap3A_28 : vector<16xf32> to vector<16xf32>
      %swap3A_30 = vector.shape_cast %broadcast_in_dim3A_25 : vector<16xf32> to vector<16xf32>
      tpu.vector_store %arg5[%swap3A], %swap3A_30 {strides = array<i32>} : memref<128xf32, #tpu.memory_space<vmem>>, vector<16xf32>,
    }
    %scan3A_4 = arith.constant 8 : i32
    %scan3A_5 = arith.constant 0 : i32
    %scan3A_6 = arith.constant 40 : i32
    %scan3A_7 = arith.addi %scan3A_5, %scan3A_6 : i32
    %scan3A_8 = arith.constant 1 : i32
    scf.for %scan3A_20 = %scan3A_5 to %scan3A_7 step %scan3A_8  : i32 {
      %mul3A_21 = arith.constant 1 : i32
      %mul3A_22 = arith.muli %scan3A_20, %mul3A_21 : i32
      %add3A_23 = arith.constant 0 : i32
      %add3A_24 = arith.addi %add3A_23, %mul3A_22 : i32
      %broadcast_in_dim3A = arith.constant 0.000000e+00 : f32
      %broadcast_in_dim3A_25 = vector.broadcast %broadcast_in_dim3A : f32 to vector<16xf32>
      %mul3A_26 = arith.constant 16 : i32
      %mul3A_27 = arith.muli %add3A_24, %mul3A_26 : i32
      %swap3A = arith.index_cast %mul3A_27 : i32 to index
      %swap3A_28 = tpu.vector_load %arg6[%swap3A] {strides = array<i32>} : memref<640xf32, #tpu.memory_space<vmem>>, vector<16xf32>,
      %swap3A_29 = vector.shape_cast %swap3A_28 : vector<16xf32> to vector<16xf32>
      %swap3A_30 = vector.shape_cast %broadcast_in_dim3A_25 : vector<16xf32> to vector<16xf32>
      tpu.vector_store %arg6[%swap3A], %swap3A_30 {strides = array<i32>} : memref<640xf32, #tpu.memory_space<vmem>>, vector<16xf32>,
    }
    %scan3A_9 = arith.constant 40 : i32
    "tpu.region"() ({
      %run_scoped3A = tpu.sem_alloc : memref<!tpu.dma_semaphore, #tpu.memory_space<semaphore_mem>>
      %dma_start3A = arith.constant 0 : i32
      %dma_start3A_20 = arith.constant 0 : i32
      %dma_start3A_21 = tpu.memref_slice %arg2[%add3A, %dma_start3A, %dma_start3A_20] : memref<32x80x128xi32, #tpu.memory_space<hbm>> -> memref<1x80x128xi32, #tpu.memory_space<hbm>>
      %dma_start3A_22 = tpu.memref_squeeze %dma_start3A_21 : memref<1x80x128xi32, #tpu.memory_space<hbm>> -> memref<80x128xi32, #tpu.memory_space<hbm>>
      %dma_start3A_23 = arith.constant 0 : i32
      %dma_start3A_24 = arith.constant 0 : i32
      %dma_start3A_25 = tpu.memref_slice %arg2[%add3A, %dma_start3A_23, %dma_start3A_24] : memref<32x80x128xi32, #tpu.memory_space<hbm>> -> memref<1x80x128xi32, #tpu.memory_space<hbm>>
      %dma_start3A_26 = tpu.memref_squeeze %dma_start3A_25 : memref<1x80x128xi32, #tpu.memory_space<hbm>> -> memref<80x128xi32, #tpu.memory_space<hbm>>
      tpu.enqueue_dma source(%dma_start3A_26 : memref<80x128xi32, #tpu.memory_space<hbm>>) target(%arg4 : memref<80x128xi32, #tpu.memory_space<vmem>>) target_semaphore(%run_scoped3A : memref<!tpu.dma_semaphore, #tpu.memory_space<semaphore_mem>>)
      %dma_wait3A = arith.constant 0 : i32
      %dma_wait3A_27 = arith.constant 0 : i32
      %dma_wait3A_28 = tpu.memref_slice %arg2[%add3A, %dma_wait3A, %dma_wait3A_27] : memref<32x80x128xi32, #tpu.memory_space<hbm>> -> memref<1x80x128xi32, #tpu.memory_space<hbm>>
      %dma_wait3A_29 = tpu.memref_squeeze %dma_wait3A_28 : memref<1x80x128xi32, #tpu.memory_space<hbm>> -> memref<80x128xi32, #tpu.memory_space<hbm>>
      %dma_wait3A_30 = arith.constant 0 : i32
      %dma_wait3A_31 = arith.constant 0 : i32
      %dma_wait3A_32 = tpu.memref_slice %arg2[%add3A, %dma_wait3A_30, %dma_wait3A_31] : memref<32x80x128xi32, #tpu.memory_space<hbm>> -> memref<1x80x128xi32, #tpu.memory_space<hbm>>
      %dma_wait3A_33 = tpu.memref_squeeze %dma_wait3A_32 : memref<1x80x128xi32, #tpu.memory_space<hbm>> -> memref<80x128xi32, #tpu.memory_space<hbm>>
      tpu.wait_dma2 semaphore(%run_scoped3A : memref<!tpu.dma_semaphore, #tpu.memory_space<semaphore_mem>>) src(%dma_wait3A_33 : memref<80x128xi32, #tpu.memory_space<hbm>>) dst(%arg4 : memref<80x128xi32, #tpu.memory_space<vmem>>)
      tpu.yield
    }) : () -> ()
    %mul3A_10 = arith.constant 640 : i32
    %mul3A_11 = arith.muli %arg1, %mul3A_10 : i32
    "tpu.region"() ({
      %run_scoped3A = tpu.sem_alloc : memref<!tpu.dma_semaphore, #tpu.memory_space<semaphore_mem>>
      %dma_start3A = tpu.memref_slice %arg7[%mul3A_11] : memref<10240xf32, #tpu.memory_space<vmem_shared>> -> memref<640xf32, #tpu.memory_space<vmem_shared>>
      %dma_start3A_20 = tpu.memref_slice %arg7[%mul3A_11] : memref<10240xf32, #tpu.memory_space<vmem_shared>> -> memref<640xf32, #tpu.memory_space<vmem_shared>>
      tpu.enqueue_dma source(%arg6 : memref<640xf32, #tpu.memory_space<vmem>>) target(%dma_start3A_20 : memref<640xf32, #tpu.memory_space<vmem_shared>>) target_semaphore(%run_scoped3A : memref<!tpu.dma_semaphore, #tpu.memory_space<semaphore_mem>>)
      %dma_wait3A = tpu.memref_slice %arg7[%mul3A_11] : memref<10240xf32, #tpu.memory_space<vmem_shared>> -> memref<640xf32, #tpu.memory_space<vmem_shared>>
      %dma_wait3A_21 = tpu.memref_slice %arg7[%mul3A_11] : memref<10240xf32, #tpu.memory_space<vmem_shared>> -> memref<640xf32, #tpu.memory_space<vmem_shared>>
      tpu.wait_dma2 semaphore(%run_scoped3A : memref<!tpu.dma_semaphore, #tpu.memory_space<semaphore_mem>>) src(%arg6 : memref<640xf32, #tpu.memory_space<vmem>>) dst(%dma_wait3A_21 : memref<640xf32, #tpu.memory_space<vmem_shared>>)
      tpu.yield
    }) : () -> ()
    %barrier3A = arith.constant 0 : index
    tpu.barrier barrier_id(%barrier3A)
    %scan3A_12 = arith.constant 0 : i32
    %scan3A_13 = arith.constant 80 : i32
    %scan3A_14 = arith.addi %scan3A_12, %scan3A_13 : i32
    %scan3A_15 = arith.constant 1 : i32
    scf.for %scan3A_20 = %scan3A_12 to %scan3A_14 step %scan3A_15  : i32 {
      %mul3A_21 = arith.constant 1 : i32
      %mul3A_22 = arith.muli %scan3A_20, %mul3A_21 : i32
      %add3A_23 = arith.constant 0 : i32
      %add3A_24 = arith.addi %add3A_23, %mul3A_22 : i32
      "tpu.region"() ({
        %run_scoped3A = tpu.sem_alloc : memref<!tpu.dma_semaphore, #tpu.memory_space<semaphore_mem>>
        %dma_start3A = arith.constant 0 : i32
        %dma_start3A_25 = tpu.memref_slice %arg4[%add3A_24, %dma_start3A] : memref<80x128xi32, #tpu.memory_space<vmem>> -> memref<1x128xi32, #tpu.memory_space<vmem>>
        %dma_start3A_26 = tpu.memref_squeeze %dma_start3A_25 : memref<1x128xi32, #tpu.memory_space<vmem>> -> memref<128xi32, #tpu.memory_space<vmem>>
        %dma_start3A_27 = arith.constant 0 : i32
        %dma_start3A_28 = tpu.memref_slice %arg7[%dma_start3A_27] : memref<10240xf32, #tpu.memory_space<vmem_shared>> -> memref<10240xf32, #tpu.memory_space<vmem_shared>>
        tpu.enqueue_indirect_dma source(%arg5 : memref<128xf32, #tpu.memory_space<vmem>>) target(%dma_start3A_28 : memref<10240xf32, #tpu.memory_space<vmem_shared>>) offsets(%dma_start3A_26 : memref<128xi32, #tpu.memory_space<vmem>>) semaphore(%run_scoped3A : memref<!tpu.dma_semaphore, #tpu.memory_space<semaphore_mem>>) {add = true}
        %dma_wait3A = arith.constant 0 : i32
        %dma_wait3A_29 = tpu.memref_slice %arg4[%add3A_24, %dma_wait3A] : memref<80x128xi32, #tpu.memory_space<vmem>> -> memref<1x128xi32, #tpu.memory_space<vmem>>
        %dma_wait3A_30 = tpu.memref_squeeze %dma_wait3A_29 : memref<1x128xi32, #tpu.memory_space<vmem>> -> memref<128xi32, #tpu.memory_space<vmem>>
        %dma_wait3A_31 = arith.constant 0 : i32
        %dma_wait3A_32 = tpu.memref_slice %arg7[%dma_wait3A_31] : memref<10240xf32, #tpu.memory_space<vmem_shared>> -> memref<10240xf32, #tpu.memory_space<vmem_shared>>
        tpu.wait_indirect_dma semaphore(%run_scoped3A : memref<!tpu.dma_semaphore, #tpu.memory_space<semaphore_mem>>) src(%arg5 : memref<128xf32, #tpu.memory_space<vmem>>) dst(%dma_wait3A_32 : memref<10240xf32, #tpu.memory_space<vmem_shared>>)
        tpu.yield
      }) : () -> ()
    }
    %scan3A_16 = arith.constant 80 : i32
    %barrier3A_17 = arith.constant 0 : index
    tpu.barrier barrier_id(%barrier3A_17)
    %eq3A = arith.constant 0 : i32
    %eq3A_18 = arith.cmpi eq, %arg1, %eq3A : i32
    %convert_element_type3A = arith.extui %eq3A_18 : i1 to i32
    %cond3A = arith.constant 0 : i32
    %cond3A_19 = arith.cmpi ne, %convert_element_type3A, %cond3A : i32
    scf.if %cond3A_19 {
      "tpu.region"() ({
        %run_scoped3A = tpu.sem_alloc : memref<!tpu.dma_semaphore, #tpu.memory_space<semaphore_mem>>
        %dma_start3A = arith.constant 0 : i32
        %dma_start3A_20 = tpu.memref_slice %arg3[%arg0, %dma_start3A] : memref<2x10240xf32, #tpu.memory_space<hbm>> -> memref<1x10240xf32, #tpu.memory_space<hbm>>
        %dma_start3A_21 = tpu.memref_squeeze %dma_start3A_20 : memref<1x10240xf32, #tpu.memory_space<hbm>> -> memref<10240xf32, #tpu.memory_space<hbm>>
        tpu.enqueue_dma source(%arg7 : memref<10240xf32, #tpu.memory_space<vmem_shared>>) target(%dma_start3A_21 : memref<10240xf32, #tpu.memory_space<hbm>>) target_semaphore(%run_scoped3A : memref<!tpu.dma_semaphore, #tpu.memory_space<semaphore_mem>>)
        %dma_wait3A = arith.constant 0 : i32
        %dma_wait3A_22 = tpu.memref_slice %arg3[%arg0, %dma_wait3A] : memref<2x10240xf32, #tpu.memory_space<hbm>> -> memref<1x10240xf32, #tpu.memory_space<hbm>>
        %dma_wait3A_23 = tpu.memref_squeeze %dma_wait3A_22 : memref<1x10240xf32, #tpu.memory_space<hbm>> -> memref<10240xf32, #tpu.memory_space<hbm>>
        tpu.wait_dma2 semaphore(%run_scoped3A : memref<!tpu.dma_semaphore, #tpu.memory_space<semaphore_mem>>) src(%arg7 : memref<10240xf32, #tpu.memory_space<vmem_shared>>) dst(%dma_wait3A_23 : memref<10240xf32, #tpu.memory_space<hbm>>)
        tpu.yield
      }) : () -> ()
    } else {
    }
    return
  }
}

#map = affine_map<(d0, d1) -> (0, 0)>
#map1 = affine_map<(d0, d1) -> (0, 0, 0)>
module attributes {stable_mosaic.version = 14 : i64} {
  func.func @_layer_body(%arg0: i32, %arg1: i32, %arg2: memref<10000x128xf32, #tpu.memory_space<hbm>>, %arg3: memref<32x80x128xi32, #tpu.memory_space<hbm>>, %arg4: memref<32x80x128xi32, #tpu.memory_space<hbm>>, %arg5: memref<10112x128xf32, #tpu.memory_space<hbm>>, %arg6: memref<2x10112x128xf32, #tpu.memory_space<hbm>>, %arg7: memref<80x128xi32, #tpu.memory_space<vmem>>, %arg8: memref<2x128xi32, #tpu.memory_space<vmem>>, %arg9: memref<128x128xf32, #tpu.memory_space<vmem>>, %arg10: memref<128x128xf32, #tpu.memory_space<vmem>>, %arg11: memref<10112x128xf32, #tpu.memory_space<vmem_shared>>, %arg12: memref<!tpu.dma_semaphore, #tpu.memory_space<semaphore_mem>>, %arg13: memref<!tpu.dma_semaphore, #tpu.memory_space<semaphore_mem>>, %arg14: memref<!tpu.dma_semaphore, #tpu.memory_space<semaphore_mem>>, %arg15: memref<!tpu.dma_semaphore, #tpu.memory_space<semaphore_mem>>) attributes {dimension_semantics = [#tpu.dimension_semantics<core_parallel>, #tpu.dimension_semantics<subcore_parallel>], iteration_bounds = array<i64: 2, 16>, scalar_prefetch = 0 : i64, scratch_operands = 9 : i64, tpu.core_type = #tpu.core_type<sc_vector_subcore>, window_params = [{transform_indices = #map}, {transform_indices = #map1}, {transform_indices = #map1}, {transform_indices = #map}, {transform_indices = #map1}]} {
    %mul3A = arith.constant 2 : i32
    %mul3A_0 = arith.muli %arg1, %mul3A : i32
    %add3A = arith.addi %mul3A_0, %arg0 : i32
    %mul3A_1 = arith.constant 632 : i32
    %mul3A_2 = arith.muli %arg1, %mul3A_1 : i32
    %mul3A_3 = arith.constant 632 : i32
    %mul3A_4 = arith.muli %arg1, %mul3A_3 : i32
    "tpu.region"() ({
      %run_scoped3A_30 = tpu.sem_alloc : memref<!tpu.dma_semaphore, #tpu.memory_space<semaphore_mem>>
      %dma_start3A_31 = arith.constant 0 : i32
      %dma_start3A_32 = tpu.memref_slice %arg11[%mul3A_4, %dma_start3A_31] : memref<10112x128xf32, #tpu.memory_space<vmem_shared>> -> memref<632x128xf32, #tpu.memory_space<vmem_shared>>
      %dma_start3A_33 = arith.constant 0 : i32
      %dma_start3A_34 = tpu.memref_slice %arg5[%mul3A_2, %dma_start3A_33] : memref<10112x128xf32, #tpu.memory_space<hbm>> -> memref<632x128xf32, #tpu.memory_space<hbm>>
      tpu.enqueue_dma source(%dma_start3A_34 : memref<632x128xf32, #tpu.memory_space<hbm>>) target(%dma_start3A_32 : memref<632x128xf32, #tpu.memory_space<vmem_shared>>) target_semaphore(%run_scoped3A_30 : memref<!tpu.dma_semaphore, #tpu.memory_space<semaphore_mem>>)
      %dma_wait3A = arith.constant 0 : i32
      %dma_wait3A_35 = tpu.memref_slice %arg11[%mul3A_4, %dma_wait3A] : memref<10112x128xf32, #tpu.memory_space<vmem_shared>> -> memref<632x128xf32, #tpu.memory_space<vmem_shared>>
      %dma_wait3A_36 = arith.constant 0 : i32
      %dma_wait3A_37 = tpu.memref_slice %arg5[%mul3A_2, %dma_wait3A_36] : memref<10112x128xf32, #tpu.memory_space<hbm>> -> memref<632x128xf32, #tpu.memory_space<hbm>>
      tpu.wait_dma2 semaphore(%run_scoped3A_30 : memref<!tpu.dma_semaphore, #tpu.memory_space<semaphore_mem>>) src(%dma_wait3A_37 : memref<632x128xf32, #tpu.memory_space<hbm>>) dst(%dma_wait3A_35 : memref<632x128xf32, #tpu.memory_space<vmem_shared>>)
      tpu.yield
    }) : () -> ()
    "tpu.region"() ({
      %run_scoped3A_30 = tpu.sem_alloc : memref<!tpu.dma_semaphore, #tpu.memory_space<semaphore_mem>>
      %dma_start3A_31 = arith.constant 0 : i32
      %dma_start3A_32 = arith.constant 0 : i32
      %dma_start3A_33 = tpu.memref_slice %arg3[%add3A, %dma_start3A_31, %dma_start3A_32] : memref<32x80x128xi32, #tpu.memory_space<hbm>> -> memref<1x80x128xi32, #tpu.memory_space<hbm>>
      %dma_start3A_34 = tpu.memref_squeeze %dma_start3A_33 : memref<1x80x128xi32, #tpu.memory_space<hbm>> -> memref<80x128xi32, #tpu.memory_space<hbm>>
      %dma_start3A_35 = arith.constant 0 : i32
      %dma_start3A_36 = arith.constant 0 : i32
      %dma_start3A_37 = tpu.memref_slice %arg3[%add3A, %dma_start3A_35, %dma_start3A_36] : memref<32x80x128xi32, #tpu.memory_space<hbm>> -> memref<1x80x128xi32, #tpu.memory_space<hbm>>
      %dma_start3A_38 = tpu.memref_squeeze %dma_start3A_37 : memref<1x80x128xi32, #tpu.memory_space<hbm>> -> memref<80x128xi32, #tpu.memory_space<hbm>>
      tpu.enqueue_dma source(%dma_start3A_38 : memref<80x128xi32, #tpu.memory_space<hbm>>) target(%arg7 : memref<80x128xi32, #tpu.memory_space<vmem>>) target_semaphore(%run_scoped3A_30 : memref<!tpu.dma_semaphore, #tpu.memory_space<semaphore_mem>>)
      %dma_wait3A = arith.constant 0 : i32
      %dma_wait3A_39 = arith.constant 0 : i32
      %dma_wait3A_40 = tpu.memref_slice %arg3[%add3A, %dma_wait3A, %dma_wait3A_39] : memref<32x80x128xi32, #tpu.memory_space<hbm>> -> memref<1x80x128xi32, #tpu.memory_space<hbm>>
      %dma_wait3A_41 = tpu.memref_squeeze %dma_wait3A_40 : memref<1x80x128xi32, #tpu.memory_space<hbm>> -> memref<80x128xi32, #tpu.memory_space<hbm>>
      %dma_wait3A_42 = arith.constant 0 : i32
      %dma_wait3A_43 = arith.constant 0 : i32
      %dma_wait3A_44 = tpu.memref_slice %arg3[%add3A, %dma_wait3A_42, %dma_wait3A_43] : memref<32x80x128xi32, #tpu.memory_space<hbm>> -> memref<1x80x128xi32, #tpu.memory_space<hbm>>
      %dma_wait3A_45 = tpu.memref_squeeze %dma_wait3A_44 : memref<1x80x128xi32, #tpu.memory_space<hbm>> -> memref<80x128xi32, #tpu.memory_space<hbm>>
      tpu.wait_dma2 semaphore(%run_scoped3A_30 : memref<!tpu.dma_semaphore, #tpu.memory_space<semaphore_mem>>) src(%dma_wait3A_45 : memref<80x128xi32, #tpu.memory_space<hbm>>) dst(%arg7 : memref<80x128xi32, #tpu.memory_space<vmem>>)
      tpu.yield
    }) : () -> ()
    %run_scoped3A = arith.constant 0 : i32
    %run_scoped3A_5 = arith.constant 0 : i32
    "tpu.region"() ({
      %run_scoped3A_30 = tpu.sem_alloc : memref<!tpu.dma_semaphore, #tpu.memory_space<semaphore_mem>>
      %dma_start3A_31 = arith.constant 0 : i32
      %dma_start3A_32 = tpu.memref_slice %arg8[%run_scoped3A_5, %dma_start3A_31] : memref<2x128xi32, #tpu.memory_space<vmem>> -> memref<1x128xi32, #tpu.memory_space<vmem>>
      %dma_start3A_33 = tpu.memref_squeeze %dma_start3A_32 : memref<1x128xi32, #tpu.memory_space<vmem>> -> memref<128xi32, #tpu.memory_space<vmem>>
      %dma_start3A_34 = arith.constant 0 : i32
      %dma_start3A_35 = tpu.memref_slice %arg4[%add3A, %run_scoped3A, %dma_start3A_34] : memref<32x80x128xi32, #tpu.memory_space<hbm>> -> memref<1x1x128xi32, #tpu.memory_space<hbm>>
      %dma_start3A_36 = tpu.memref_squeeze %dma_start3A_35 : memref<1x1x128xi32, #tpu.memory_space<hbm>> -> memref<128xi32, #tpu.memory_space<hbm>>
      %dma_start3A_37 = arith.constant 0 : i32
      %dma_start3A_38 = tpu.memref_slice %arg8[%run_scoped3A_5, %dma_start3A_37] : memref<2x128xi32, #tpu.memory_space<vmem>> -> memref<1x128xi32, #tpu.memory_space<vmem>>
      %dma_start3A_39 = tpu.memref_squeeze %dma_start3A_38 : memref<1x128xi32, #tpu.memory_space<vmem>> -> memref<128xi32, #tpu.memory_space<vmem>>
      %dma_start3A_40 = arith.constant 0 : i32
      %dma_start3A_41 = tpu.memref_slice %arg4[%add3A, %run_scoped3A, %dma_start3A_40] : memref<32x80x128xi32, #tpu.memory_space<hbm>> -> memref<1x1x128xi32, #tpu.memory_space<hbm>>
      %dma_start3A_42 = tpu.memref_squeeze %dma_start3A_41 : memref<1x1x128xi32, #tpu.memory_space<hbm>> -> memref<128xi32, #tpu.memory_space<hbm>>
      tpu.enqueue_dma source(%dma_start3A_42 : memref<128xi32, #tpu.memory_space<hbm>>) target(%dma_start3A_39 : memref<128xi32, #tpu.memory_space<vmem>>) target_semaphore(%run_scoped3A_30 : memref<!tpu.dma_semaphore, #tpu.memory_space<semaphore_mem>>)
      %dma_wait3A = arith.constant 0 : i32
      %dma_wait3A_43 = tpu.memref_slice %arg8[%run_scoped3A_5, %dma_wait3A] : memref<2x128xi32, #tpu.memory_space<vmem>> -> memref<1x128xi32, #tpu.memory_space<vmem>>
      %dma_wait3A_44 = tpu.memref_squeeze %dma_wait3A_43 : memref<1x128xi32, #tpu.memory_space<vmem>> -> memref<128xi32, #tpu.memory_space<vmem>>
      %dma_wait3A_45 = arith.constant 0 : i32
      %dma_wait3A_46 = tpu.memref_slice %arg4[%add3A, %run_scoped3A, %dma_wait3A_45] : memref<32x80x128xi32, #tpu.memory_space<hbm>> -> memref<1x1x128xi32, #tpu.memory_space<hbm>>
      %dma_wait3A_47 = tpu.memref_squeeze %dma_wait3A_46 : memref<1x1x128xi32, #tpu.memory_space<hbm>> -> memref<128xi32, #tpu.memory_space<hbm>>
      %dma_wait3A_48 = arith.constant 0 : i32
      %dma_wait3A_49 = tpu.memref_slice %arg8[%run_scoped3A_5, %dma_wait3A_48] : memref<2x128xi32, #tpu.memory_space<vmem>> -> memref<1x128xi32, #tpu.memory_space<vmem>>
      %dma_wait3A_50 = tpu.memref_squeeze %dma_wait3A_49 : memref<1x128xi32, #tpu.memory_space<vmem>> -> memref<128xi32, #tpu.memory_space<vmem>>
      %dma_wait3A_51 = arith.constant 0 : i32
      %dma_wait3A_52 = tpu.memref_slice %arg4[%add3A, %run_scoped3A, %dma_wait3A_51] : memref<32x80x128xi32, #tpu.memory_space<hbm>> -> memref<1x1x128xi32, #tpu.memory_space<hbm>>
      %dma_wait3A_53 = tpu.memref_squeeze %dma_wait3A_52 : memref<1x1x128xi32, #tpu.memory_space<hbm>> -> memref<128xi32, #tpu.memory_space<hbm>>
      tpu.wait_dma2 semaphore(%run_scoped3A_30 : memref<!tpu.dma_semaphore, #tpu.memory_space<semaphore_mem>>) src(%dma_wait3A_53 : memref<128xi32, #tpu.memory_space<hbm>>) dst(%dma_wait3A_50 : memref<128xi32, #tpu.memory_space<vmem>>)
      tpu.yield
    }) : () -> ()
    %run_scoped3A_6 = arith.constant 1 : i32
    %run_scoped3A_7 = arith.constant 1 : i32
    "tpu.region"() ({
      %run_scoped3A_30 = tpu.sem_alloc : memref<!tpu.dma_semaphore, #tpu.memory_space<semaphore_mem>>
      %dma_start3A_31 = arith.constant 0 : i32
      %dma_start3A_32 = tpu.memref_slice %arg8[%run_scoped3A_7, %dma_start3A_31] : memref<2x128xi32, #tpu.memory_space<vmem>> -> memref<1x128xi32, #tpu.memory_space<vmem>>
      %dma_start3A_33 = tpu.memref_squeeze %dma_start3A_32 : memref<1x128xi32, #tpu.memory_space<vmem>> -> memref<128xi32, #tpu.memory_space<vmem>>
      %dma_start3A_34 = arith.constant 0 : i32
      %dma_start3A_35 = tpu.memref_slice %arg4[%add3A, %run_scoped3A_6, %dma_start3A_34] : memref<32x80x128xi32, #tpu.memory_space<hbm>> -> memref<1x1x128xi32, #tpu.memory_space<hbm>>
      %dma_start3A_36 = tpu.memref_squeeze %dma_start3A_35 : memref<1x1x128xi32, #tpu.memory_space<hbm>> -> memref<128xi32, #tpu.memory_space<hbm>>
      %dma_start3A_37 = arith.constant 0 : i32
      %dma_start3A_38 = tpu.memref_slice %arg8[%run_scoped3A_7, %dma_start3A_37] : memref<2x128xi32, #tpu.memory_space<vmem>> -> memref<1x128xi32, #tpu.memory_space<vmem>>
      %dma_start3A_39 = tpu.memref_squeeze %dma_start3A_38 : memref<1x128xi32, #tpu.memory_space<vmem>> -> memref<128xi32, #tpu.memory_space<vmem>>
      %dma_start3A_40 = arith.constant 0 : i32
      %dma_start3A_41 = tpu.memref_slice %arg4[%add3A, %run_scoped3A_6, %dma_start3A_40] : memref<32x80x128xi32, #tpu.memory_space<hbm>> -> memref<1x1x128xi32, #tpu.memory_space<hbm>>
      %dma_start3A_42 = tpu.memref_squeeze %dma_start3A_41 : memref<1x1x128xi32, #tpu.memory_space<hbm>> -> memref<128xi32, #tpu.memory_space<hbm>>
      tpu.enqueue_dma source(%dma_start3A_42 : memref<128xi32, #tpu.memory_space<hbm>>) target(%dma_start3A_39 : memref<128xi32, #tpu.memory_space<vmem>>) target_semaphore(%run_scoped3A_30 : memref<!tpu.dma_semaphore, #tpu.memory_space<semaphore_mem>>)
      %dma_wait3A = arith.constant 0 : i32
      %dma_wait3A_43 = tpu.memref_slice %arg8[%run_scoped3A_7, %dma_wait3A] : memref<2x128xi32, #tpu.memory_space<vmem>> -> memref<1x128xi32, #tpu.memory_space<vmem>>
      %dma_wait3A_44 = tpu.memref_squeeze %dma_wait3A_43 : memref<1x128xi32, #tpu.memory_space<vmem>> -> memref<128xi32, #tpu.memory_space<vmem>>
      %dma_wait3A_45 = arith.constant 0 : i32
      %dma_wait3A_46 = tpu.memref_slice %arg4[%add3A, %run_scoped3A_6, %dma_wait3A_45] : memref<32x80x128xi32, #tpu.memory_space<hbm>> -> memref<1x1x128xi32, #tpu.memory_space<hbm>>
      %dma_wait3A_47 = tpu.memref_squeeze %dma_wait3A_46 : memref<1x1x128xi32, #tpu.memory_space<hbm>> -> memref<128xi32, #tpu.memory_space<hbm>>
      %dma_wait3A_48 = arith.constant 0 : i32
      %dma_wait3A_49 = tpu.memref_slice %arg8[%run_scoped3A_7, %dma_wait3A_48] : memref<2x128xi32, #tpu.memory_space<vmem>> -> memref<1x128xi32, #tpu.memory_space<vmem>>
      %dma_wait3A_50 = tpu.memref_squeeze %dma_wait3A_49 : memref<1x128xi32, #tpu.memory_space<vmem>> -> memref<128xi32, #tpu.memory_space<vmem>>
      %dma_wait3A_51 = arith.constant 0 : i32
      %dma_wait3A_52 = tpu.memref_slice %arg4[%add3A, %run_scoped3A_6, %dma_wait3A_51] : memref<32x80x128xi32, #tpu.memory_space<hbm>> -> memref<1x1x128xi32, #tpu.memory_space<hbm>>
      %dma_wait3A_53 = tpu.memref_squeeze %dma_wait3A_52 : memref<1x1x128xi32, #tpu.memory_space<hbm>> -> memref<128xi32, #tpu.memory_space<hbm>>
      tpu.wait_dma2 semaphore(%run_scoped3A_30 : memref<!tpu.dma_semaphore, #tpu.memory_space<semaphore_mem>>) src(%dma_wait3A_53 : memref<128xi32, #tpu.memory_space<hbm>>) dst(%dma_wait3A_50 : memref<128xi32, #tpu.memory_space<vmem>>)
      tpu.yield
    }) : () -> ()
    %barrier3A = arith.constant 0 : index
    tpu.barrier barrier_id(%barrier3A)
    %dma_start3A = arith.constant 0 : i32
    %dma_start3A_8 = arith.constant 0 : i32
    %dma_start3A_9 = tpu.memref_slice %arg8[%dma_start3A, %dma_start3A_8] : memref<2x128xi32, #tpu.memory_space<vmem>> -> memref<1x128xi32, #tpu.memory_space<vmem>>
    %dma_start3A_10 = tpu.memref_squeeze %dma_start3A_9 : memref<1x128xi32, #tpu.memory_space<vmem>> -> memref<128xi32, #tpu.memory_space<vmem>>
    %dma_start3A_11 = arith.constant 0 : i32
    %dma_start3A_12 = arith.constant 0 : i32
    %dma_start3A_13 = tpu.memref_slice %arg2[%dma_start3A_11, %dma_start3A_12] : memref<10000x128xf32, #tpu.memory_space<hbm>> -> memref<10000x128xf32, #tpu.memory_space<hbm>>
    tpu.enqueue_indirect_dma source(%dma_start3A_13 : memref<10000x128xf32, #tpu.memory_space<hbm>>) target(%arg9 : memref<128x128xf32, #tpu.memory_space<vmem>>) offsets(%dma_start3A_10 : memref<128xi32, #tpu.memory_space<vmem>>) semaphore(%arg12 : memref<!tpu.dma_semaphore, #tpu.memory_space<semaphore_mem>>)
    %dma_start3A_14 = arith.constant 1 : i32
    %dma_start3A_15 = arith.constant 0 : i32
    %dma_start3A_16 = tpu.memref_slice %arg8[%dma_start3A_14, %dma_start3A_15] : memref<2x128xi32, #tpu.memory_space<vmem>> -> memref<1x128xi32, #tpu.memory_space<vmem>>
    %dma_start3A_17 = tpu.memref_squeeze %dma_start3A_16 : memref<1x128xi32, #tpu.memory_space<vmem>> -> memref<128xi32, #tpu.memory_space<vmem>>
    %dma_start3A_18 = arith.constant 0 : i32
    %dma_start3A_19 = arith.constant 0 : i32
    %dma_start3A_20 = tpu.memref_slice %arg2[%dma_start3A_18, %dma_start3A_19] : memref<10000x128xf32, #tpu.memory_space<hbm>> -> memref<10000x128xf32, #tpu.memory_space<hbm>>
    tpu.enqueue_indirect_dma source(%dma_start3A_20 : memref<10000x128xf32, #tpu.memory_space<hbm>>) target(%arg10 : memref<128x128xf32, #tpu.memory_space<vmem>>) offsets(%dma_start3A_17 : memref<128xi32, #tpu.memory_space<vmem>>) semaphore(%arg13 : memref<!tpu.dma_semaphore, #tpu.memory_space<semaphore_mem>>)
    %scan3A = arith.constant 0 : i32
    %scan3A_21 = arith.constant 40 : i32
    %scan3A_22 = arith.addi %scan3A, %scan3A_21 : i32
    %scan3A_23 = arith.constant 1 : i32
    scf.for %scan3A_30 = %scan3A to %scan3A_22 step %scan3A_23  : i32 {
      %mul3A_31 = arith.constant 2 : i32
      %mul3A_32 = arith.muli %scan3A_30, %mul3A_31 : i32
      %add3A_33 = arith.constant 0 : i32
      %add3A_34 = arith.addi %add3A_33, %mul3A_32 : i32
      %dma_wait3A = arith.constant 0 : i32
      %dma_wait3A_35 = arith.constant 0 : i32
      %dma_wait3A_36 = tpu.memref_slice %arg8[%dma_wait3A, %dma_wait3A_35] : memref<2x128xi32, #tpu.memory_space<vmem>> -> memref<1x128xi32, #tpu.memory_space<vmem>>
      %dma_wait3A_37 = tpu.memref_squeeze %dma_wait3A_36 : memref<1x128xi32, #tpu.memory_space<vmem>> -> memref<128xi32, #tpu.memory_space<vmem>>
      %dma_wait3A_38 = arith.constant 0 : i32
      %dma_wait3A_39 = arith.constant 0 : i32
      %dma_wait3A_40 = tpu.memref_slice %arg2[%dma_wait3A_38, %dma_wait3A_39] : memref<10000x128xf32, #tpu.memory_space<hbm>> -> memref<10000x128xf32, #tpu.memory_space<hbm>>
      tpu.wait_indirect_dma semaphore(%arg12 : memref<!tpu.dma_semaphore, #tpu.memory_space<semaphore_mem>>) src(%dma_wait3A_40 : memref<10000x128xf32, #tpu.memory_space<hbm>>) dst(%arg9 : memref<128x128xf32, #tpu.memory_space<vmem>>)
      %add3A_41 = arith.constant 2 : i32
      %add3A_42 = arith.addi %add3A_34, %add3A_41 : i32
      %lt3A = arith.constant 80 : i32
      %lt3A_43 = arith.cmpi slt, %add3A_42, %lt3A : i32
      %convert_element_type3A = arith.extui %lt3A_43 : i1 to i32
      %cond3A = arith.constant 0 : i32
      %cond3A_44 = arith.cmpi ne, %convert_element_type3A, %cond3A : i32
      scf.if %cond3A_44 {
        %add3A_75 = arith.constant 2 : i32
        %add3A_76 = arith.addi %add3A_34, %add3A_75 : i32
        %dma_start3A_77 = arith.constant 0 : i32
        %dma_start3A_78 = arith.constant 0 : i32
        %dma_start3A_79 = tpu.memref_slice %arg8[%dma_start3A_77, %dma_start3A_78] : memref<2x128xi32, #tpu.memory_space<vmem>> -> memref<1x128xi32, #tpu.memory_space<vmem>>
        %dma_start3A_80 = tpu.memref_squeeze %dma_start3A_79 : memref<1x128xi32, #tpu.memory_space<vmem>> -> memref<128xi32, #tpu.memory_space<vmem>>
        %dma_start3A_81 = arith.constant 0 : i32
        %dma_start3A_82 = tpu.memref_slice %arg4[%add3A, %add3A_76, %dma_start3A_81] : memref<32x80x128xi32, #tpu.memory_space<hbm>> -> memref<1x1x128xi32, #tpu.memory_space<hbm>>
        %dma_start3A_83 = tpu.memref_squeeze %dma_start3A_82 : memref<1x1x128xi32, #tpu.memory_space<hbm>> -> memref<128xi32, #tpu.memory_space<hbm>>
        %dma_start3A_84 = arith.constant 0 : i32
        %dma_start3A_85 = tpu.memref_slice %arg8[%dma_start3A_77, %dma_start3A_84] : memref<2x128xi32, #tpu.memory_space<vmem>> -> memref<1x128xi32, #tpu.memory_space<vmem>>
        %dma_start3A_86 = tpu.memref_squeeze %dma_start3A_85 : memref<1x128xi32, #tpu.memory_space<vmem>> -> memref<128xi32, #tpu.memory_space<vmem>>
        %dma_start3A_87 = arith.constant 0 : i32
        %dma_start3A_88 = tpu.memref_slice %arg4[%add3A, %add3A_76, %dma_start3A_87] : memref<32x80x128xi32, #tpu.memory_space<hbm>> -> memref<1x1x128xi32, #tpu.memory_space<hbm>>
        %dma_start3A_89 = tpu.memref_squeeze %dma_start3A_88 : memref<1x1x128xi32, #tpu.memory_space<hbm>> -> memref<128xi32, #tpu.memory_space<hbm>>
        tpu.enqueue_dma source(%dma_start3A_89 : memref<128xi32, #tpu.memory_space<hbm>>) target(%dma_start3A_86 : memref<128xi32, #tpu.memory_space<vmem>>) target_semaphore(%arg14 : memref<!tpu.dma_semaphore, #tpu.memory_space<semaphore_mem>>)
      } else {
      }
      "tpu.region"() ({
        %run_scoped3A_75 = tpu.sem_alloc : memref<!tpu.dma_semaphore, #tpu.memory_space<semaphore_mem>>
        %dma_start3A_76 = arith.constant 0 : i32
        %dma_start3A_77 = tpu.memref_slice %arg7[%add3A_34, %dma_start3A_76] : memref<80x128xi32, #tpu.memory_space<vmem>> -> memref<1x128xi32, #tpu.memory_space<vmem>>
        %dma_start3A_78 = tpu.memref_squeeze %dma_start3A_77 : memref<1x128xi32, #tpu.memory_space<vmem>> -> memref<128xi32, #tpu.memory_space<vmem>>
        %dma_start3A_79 = arith.constant 0 : i32
        %dma_start3A_80 = arith.constant 0 : i32
        %dma_start3A_81 = tpu.memref_slice %arg11[%dma_start3A_79, %dma_start3A_80] : memref<10112x128xf32, #tpu.memory_space<vmem_shared>> -> memref<10112x128xf32, #tpu.memory_space<vmem_shared>>
        tpu.enqueue_indirect_dma source(%arg9 : memref<128x128xf32, #tpu.memory_space<vmem>>) target(%dma_start3A_81 : memref<10112x128xf32, #tpu.memory_space<vmem_shared>>) offsets(%dma_start3A_78 : memref<128xi32, #tpu.memory_space<vmem>>) semaphore(%run_scoped3A_75 : memref<!tpu.dma_semaphore, #tpu.memory_space<semaphore_mem>>) {add = true}
        %dma_wait3A_82 = arith.constant 0 : i32
        %dma_wait3A_83 = tpu.memref_slice %arg7[%add3A_34, %dma_wait3A_82] : memref<80x128xi32, #tpu.memory_space<vmem>> -> memref<1x128xi32, #tpu.memory_space<vmem>>
        %dma_wait3A_84 = tpu.memref_squeeze %dma_wait3A_83 : memref<1x128xi32, #tpu.memory_space<vmem>> -> memref<128xi32, #tpu.memory_space<vmem>>
        %dma_wait3A_85 = arith.constant 0 : i32
        %dma_wait3A_86 = arith.constant 0 : i32
        %dma_wait3A_87 = tpu.memref_slice %arg11[%dma_wait3A_85, %dma_wait3A_86] : memref<10112x128xf32, #tpu.memory_space<vmem_shared>> -> memref<10112x128xf32, #tpu.memory_space<vmem_shared>>
        tpu.wait_indirect_dma semaphore(%run_scoped3A_75 : memref<!tpu.dma_semaphore, #tpu.memory_space<semaphore_mem>>) src(%arg9 : memref<128x128xf32, #tpu.memory_space<vmem>>) dst(%dma_wait3A_87 : memref<10112x128xf32, #tpu.memory_space<vmem_shared>>)
        tpu.yield
      }) : () -> ()
      %add3A_45 = arith.constant 2 : i32
      %add3A_46 = arith.addi %add3A_34, %add3A_45 : i32
      %lt3A_47 = arith.constant 80 : i32
      %lt3A_48 = arith.cmpi slt, %add3A_46, %lt3A_47 : i32
      %convert_element_type3A_49 = arith.extui %lt3A_48 : i1 to i32
      %cond3A_50 = arith.constant 0 : i32
      %cond3A_51 = arith.cmpi ne, %convert_element_type3A_49, %cond3A_50 : i32
      scf.if %cond3A_51 {
        %add3A_75 = arith.constant 2 : i32
        %add3A_76 = arith.addi %add3A_34, %add3A_75 : i32
        %dma_wait3A_77 = arith.constant 0 : i32
        %dma_wait3A_78 = arith.constant 0 : i32
        %dma_wait3A_79 = tpu.memref_slice %arg8[%dma_wait3A_77, %dma_wait3A_78] : memref<2x128xi32, #tpu.memory_space<vmem>> -> memref<1x128xi32, #tpu.memory_space<vmem>>
        %dma_wait3A_80 = tpu.memref_squeeze %dma_wait3A_79 : memref<1x128xi32, #tpu.memory_space<vmem>> -> memref<128xi32, #tpu.memory_space<vmem>>
        %dma_wait3A_81 = arith.constant 0 : i32
        %dma_wait3A_82 = tpu.memref_slice %arg4[%add3A, %add3A_76, %dma_wait3A_81] : memref<32x80x128xi32, #tpu.memory_space<hbm>> -> memref<1x1x128xi32, #tpu.memory_space<hbm>>
        %dma_wait3A_83 = tpu.memref_squeeze %dma_wait3A_82 : memref<1x1x128xi32, #tpu.memory_space<hbm>> -> memref<128xi32, #tpu.memory_space<hbm>>
        %dma_wait3A_84 = arith.constant 0 : i32
        %dma_wait3A_85 = tpu.memref_slice %arg8[%dma_wait3A_77, %dma_wait3A_84] : memref<2x128xi32, #tpu.memory_space<vmem>> -> memref<1x128xi32, #tpu.memory_space<vmem>>
        %dma_wait3A_86 = tpu.memref_squeeze %dma_wait3A_85 : memref<1x128xi32, #tpu.memory_space<vmem>> -> memref<128xi32, #tpu.memory_space<vmem>>
        %dma_wait3A_87 = arith.constant 0 : i32
        %dma_wait3A_88 = tpu.memref_slice %arg4[%add3A, %add3A_76, %dma_wait3A_87] : memref<32x80x128xi32, #tpu.memory_space<hbm>> -> memref<1x1x128xi32, #tpu.memory_space<hbm>>
        %dma_wait3A_89 = tpu.memref_squeeze %dma_wait3A_88 : memref<1x1x128xi32, #tpu.memory_space<hbm>> -> memref<128xi32, #tpu.memory_space<hbm>>
        tpu.wait_dma2 semaphore(%arg14 : memref<!tpu.dma_semaphore, #tpu.memory_space<semaphore_mem>>) src(%dma_wait3A_89 : memref<128xi32, #tpu.memory_space<hbm>>) dst(%dma_wait3A_86 : memref<128xi32, #tpu.memory_space<vmem>>)
        %dma_start3A_90 = arith.constant 0 : i32
        %dma_start3A_91 = arith.constant 0 : i32
        %dma_start3A_92 = tpu.memref_slice %arg8[%dma_start3A_90, %dma_start3A_91] : memref<2x128xi32, #tpu.memory_space<vmem>> -> memref<1x128xi32, #tpu.memory_space<vmem>>
        %dma_start3A_93 = tpu.memref_squeeze %dma_start3A_92 : memref<1x128xi32, #tpu.memory_space<vmem>> -> memref<128xi32, #tpu.memory_space<vmem>>
        %dma_start3A_94 = arith.constant 0 : i32
        %dma_start3A_95 = arith.constant 0 : i32
        %dma_start3A_96 = tpu.memref_slice %arg2[%dma_start3A_94, %dma_start3A_95] : memref<10000x128xf32, #tpu.memory_space<hbm>> -> memref<10000x128xf32, #tpu.memory_space<hbm>>
        tpu.enqueue_indirect_dma source(%dma_start3A_96 : memref<10000x128xf32, #tpu.memory_space<hbm>>) target(%arg9 : memref<128x128xf32, #tpu.memory_space<vmem>>) offsets(%dma_start3A_93 : memref<128xi32, #tpu.memory_space<vmem>>) semaphore(%arg12 : memref<!tpu.dma_semaphore, #tpu.memory_space<semaphore_mem>>)
      } else {
      }
      %dma_wait3A_52 = arith.constant 1 : i32
      %dma_wait3A_53 = arith.constant 0 : i32
      %dma_wait3A_54 = tpu.memref_slice %arg8[%dma_wait3A_52, %dma_wait3A_53] : memref<2x128xi32, #tpu.memory_space<vmem>> -> memref<1x128xi32, #tpu.memory_space<vmem>>
      %dma_wait3A_55 = tpu.memref_squeeze %dma_wait3A_54 : memref<1x128xi32, #tpu.memory_space<vmem>> -> memref<128xi32, #tpu.memory_space<vmem>>
      %dma_wait3A_56 = arith.constant 0 : i32
      %dma_wait3A_57 = arith.constant 0 : i32
      %dma_wait3A_58 = tpu.memref_slice %arg2[%dma_wait3A_56, %dma_wait3A_57] : memref<10000x128xf32, #tpu.memory_space<hbm>> -> memref<10000x128xf32, #tpu.memory_space<hbm>>
      tpu.wait_indirect_dma semaphore(%arg13 : memref<!tpu.dma_semaphore, #tpu.memory_space<semaphore_mem>>) src(%dma_wait3A_58 : memref<10000x128xf32, #tpu.memory_space<hbm>>) dst(%arg10 : memref<128x128xf32, #tpu.memory_space<vmem>>)
      %add3A_59 = arith.constant 3 : i32
      %add3A_60 = arith.addi %add3A_34, %add3A_59 : i32
      %lt3A_61 = arith.constant 80 : i32
      %lt3A_62 = arith.cmpi slt, %add3A_60, %lt3A_61 : i32
      %convert_element_type3A_63 = arith.extui %lt3A_62 : i1 to i32
      %cond3A_64 = arith.constant 0 : i32
      %cond3A_65 = arith.cmpi ne, %convert_element_type3A_63, %cond3A_64 : i32
      scf.if %cond3A_65 {
        %add3A_75 = arith.constant 3 : i32
        %add3A_76 = arith.addi %add3A_34, %add3A_75 : i32
        %dma_start3A_77 = arith.constant 1 : i32
        %dma_start3A_78 = arith.constant 0 : i32
        %dma_start3A_79 = tpu.memref_slice %arg8[%dma_start3A_77, %dma_start3A_78] : memref<2x128xi32, #tpu.memory_space<vmem>> -> memref<1x128xi32, #tpu.memory_space<vmem>>
        %dma_start3A_80 = tpu.memref_squeeze %dma_start3A_79 : memref<1x128xi32, #tpu.memory_space<vmem>> -> memref<128xi32, #tpu.memory_space<vmem>>
        %dma_start3A_81 = arith.constant 0 : i32
        %dma_start3A_82 = tpu.memref_slice %arg4[%add3A, %add3A_76, %dma_start3A_81] : memref<32x80x128xi32, #tpu.memory_space<hbm>> -> memref<1x1x128xi32, #tpu.memory_space<hbm>>
        %dma_start3A_83 = tpu.memref_squeeze %dma_start3A_82 : memref<1x1x128xi32, #tpu.memory_space<hbm>> -> memref<128xi32, #tpu.memory_space<hbm>>
        %dma_start3A_84 = arith.constant 0 : i32
        %dma_start3A_85 = tpu.memref_slice %arg8[%dma_start3A_77, %dma_start3A_84] : memref<2x128xi32, #tpu.memory_space<vmem>> -> memref<1x128xi32, #tpu.memory_space<vmem>>
        %dma_start3A_86 = tpu.memref_squeeze %dma_start3A_85 : memref<1x128xi32, #tpu.memory_space<vmem>> -> memref<128xi32, #tpu.memory_space<vmem>>
        %dma_start3A_87 = arith.constant 0 : i32
        %dma_start3A_88 = tpu.memref_slice %arg4[%add3A, %add3A_76, %dma_start3A_87] : memref<32x80x128xi32, #tpu.memory_space<hbm>> -> memref<1x1x128xi32, #tpu.memory_space<hbm>>
        %dma_start3A_89 = tpu.memref_squeeze %dma_start3A_88 : memref<1x1x128xi32, #tpu.memory_space<hbm>> -> memref<128xi32, #tpu.memory_space<hbm>>
        tpu.enqueue_dma source(%dma_start3A_89 : memref<128xi32, #tpu.memory_space<hbm>>) target(%dma_start3A_86 : memref<128xi32, #tpu.memory_space<vmem>>) target_semaphore(%arg15 : memref<!tpu.dma_semaphore, #tpu.memory_space<semaphore_mem>>)
      } else {
      }
      %add3A_66 = arith.constant 1 : i32
      %add3A_67 = arith.addi %add3A_34, %add3A_66 : i32
      "tpu.region"() ({
        %run_scoped3A_75 = tpu.sem_alloc : memref<!tpu.dma_semaphore, #tpu.memory_space<semaphore_mem>>
        %dma_start3A_76 = arith.constant 0 : i32
        %dma_start3A_77 = tpu.memref_slice %arg7[%add3A_67, %dma_start3A_76] : memref<80x128xi32, #tpu.memory_space<vmem>> -> memref<1x128xi32, #tpu.memory_space<vmem>>
        %dma_start3A_78 = tpu.memref_squeeze %dma_start3A_77 : memref<1x128xi32, #tpu.memory_space<vmem>> -> memref<128xi32, #tpu.memory_space<vmem>>
        %dma_start3A_79 = arith.constant 0 : i32
        %dma_start3A_80 = arith.constant 0 : i32
        %dma_start3A_81 = tpu.memref_slice %arg11[%dma_start3A_79, %dma_start3A_80] : memref<10112x128xf32, #tpu.memory_space<vmem_shared>> -> memref<10112x128xf32, #tpu.memory_space<vmem_shared>>
        tpu.enqueue_indirect_dma source(%arg10 : memref<128x128xf32, #tpu.memory_space<vmem>>) target(%dma_start3A_81 : memref<10112x128xf32, #tpu.memory_space<vmem_shared>>) offsets(%dma_start3A_78 : memref<128xi32, #tpu.memory_space<vmem>>) semaphore(%run_scoped3A_75 : memref<!tpu.dma_semaphore, #tpu.memory_space<semaphore_mem>>) {add = true}
        %dma_wait3A_82 = arith.constant 0 : i32
        %dma_wait3A_83 = tpu.memref_slice %arg7[%add3A_67, %dma_wait3A_82] : memref<80x128xi32, #tpu.memory_space<vmem>> -> memref<1x128xi32, #tpu.memory_space<vmem>>
        %dma_wait3A_84 = tpu.memref_squeeze %dma_wait3A_83 : memref<1x128xi32, #tpu.memory_space<vmem>> -> memref<128xi32, #tpu.memory_space<vmem>>
        %dma_wait3A_85 = arith.constant 0 : i32
        %dma_wait3A_86 = arith.constant 0 : i32
        %dma_wait3A_87 = tpu.memref_slice %arg11[%dma_wait3A_85, %dma_wait3A_86] : memref<10112x128xf32, #tpu.memory_space<vmem_shared>> -> memref<10112x128xf32, #tpu.memory_space<vmem_shared>>
        tpu.wait_indirect_dma semaphore(%run_scoped3A_75 : memref<!tpu.dma_semaphore, #tpu.memory_space<semaphore_mem>>) src(%arg10 : memref<128x128xf32, #tpu.memory_space<vmem>>) dst(%dma_wait3A_87 : memref<10112x128xf32, #tpu.memory_space<vmem_shared>>)
        tpu.yield
      }) : () -> ()
      %add3A_68 = arith.constant 3 : i32
      %add3A_69 = arith.addi %add3A_34, %add3A_68 : i32
      %lt3A_70 = arith.constant 80 : i32
      %lt3A_71 = arith.cmpi slt, %add3A_69, %lt3A_70 : i32
      %convert_element_type3A_72 = arith.extui %lt3A_71 : i1 to i32
      %cond3A_73 = arith.constant 0 : i32
      %cond3A_74 = arith.cmpi ne, %convert_element_type3A_72, %cond3A_73 : i32
      scf.if %cond3A_74 {
        %add3A_75 = arith.constant 3 : i32
        %add3A_76 = arith.addi %add3A_34, %add3A_75 : i32
        %dma_wait3A_77 = arith.constant 1 : i32
        %dma_wait3A_78 = arith.constant 0 : i32
        %dma_wait3A_79 = tpu.memref_slice %arg8[%dma_wait3A_77, %dma_wait3A_78] : memref<2x128xi32, #tpu.memory_space<vmem>> -> memref<1x128xi32, #tpu.memory_space<vmem>>
        %dma_wait3A_80 = tpu.memref_squeeze %dma_wait3A_79 : memref<1x128xi32, #tpu.memory_space<vmem>> -> memref<128xi32, #tpu.memory_space<vmem>>
        %dma_wait3A_81 = arith.constant 0 : i32
        %dma_wait3A_82 = tpu.memref_slice %arg4[%add3A, %add3A_76, %dma_wait3A_81] : memref<32x80x128xi32, #tpu.memory_space<hbm>> -> memref<1x1x128xi32, #tpu.memory_space<hbm>>
        %dma_wait3A_83 = tpu.memref_squeeze %dma_wait3A_82 : memref<1x1x128xi32, #tpu.memory_space<hbm>> -> memref<128xi32, #tpu.memory_space<hbm>>
        %dma_wait3A_84 = arith.constant 0 : i32
        %dma_wait3A_85 = tpu.memref_slice %arg8[%dma_wait3A_77, %dma_wait3A_84] : memref<2x128xi32, #tpu.memory_space<vmem>> -> memref<1x128xi32, #tpu.memory_space<vmem>>
        %dma_wait3A_86 = tpu.memref_squeeze %dma_wait3A_85 : memref<1x128xi32, #tpu.memory_space<vmem>> -> memref<128xi32, #tpu.memory_space<vmem>>
        %dma_wait3A_87 = arith.constant 0 : i32
        %dma_wait3A_88 = tpu.memref_slice %arg4[%add3A, %add3A_76, %dma_wait3A_87] : memref<32x80x128xi32, #tpu.memory_space<hbm>> -> memref<1x1x128xi32, #tpu.memory_space<hbm>>
        %dma_wait3A_89 = tpu.memref_squeeze %dma_wait3A_88 : memref<1x1x128xi32, #tpu.memory_space<hbm>> -> memref<128xi32, #tpu.memory_space<hbm>>
        tpu.wait_dma2 semaphore(%arg15 : memref<!tpu.dma_semaphore, #tpu.memory_space<semaphore_mem>>) src(%dma_wait3A_89 : memref<128xi32, #tpu.memory_space<hbm>>) dst(%dma_wait3A_86 : memref<128xi32, #tpu.memory_space<vmem>>)
        %dma_start3A_90 = arith.constant 1 : i32
        %dma_start3A_91 = arith.constant 0 : i32
        %dma_start3A_92 = tpu.memref_slice %arg8[%dma_start3A_90, %dma_start3A_91] : memref<2x128xi32, #tpu.memory_space<vmem>> -> memref<1x128xi32, #tpu.memory_space<vmem>>
        %dma_start3A_93 = tpu.memref_squeeze %dma_start3A_92 : memref<1x128xi32, #tpu.memory_space<vmem>> -> memref<128xi32, #tpu.memory_space<vmem>>
        %dma_start3A_94 = arith.constant 0 : i32
        %dma_start3A_95 = arith.constant 0 : i32
        %dma_start3A_96 = tpu.memref_slice %arg2[%dma_start3A_94, %dma_start3A_95] : memref<10000x128xf32, #tpu.memory_space<hbm>> -> memref<10000x128xf32, #tpu.memory_space<hbm>>
        tpu.enqueue_indirect_dma source(%dma_start3A_96 : memref<10000x128xf32, #tpu.memory_space<hbm>>) target(%arg10 : memref<128x128xf32, #tpu.memory_space<vmem>>) offsets(%dma_start3A_93 : memref<128xi32, #tpu.memory_space<vmem>>) semaphore(%arg13 : memref<!tpu.dma_semaphore, #tpu.memory_space<semaphore_mem>>)
      } else {
      }
    }
    %scan3A_24 = arith.constant 40 : i32
    %barrier3A_25 = arith.constant 0 : index
    tpu.barrier barrier_id(%barrier3A_25)
    %mul3A_26 = arith.constant 632 : i32
    %mul3A_27 = arith.muli %arg1, %mul3A_26 : i32
    %mul3A_28 = arith.constant 632 : i32
    %mul3A_29 = arith.muli %arg1, %mul3A_28 : i32
    "tpu.region"() ({
      %run_scoped3A_30 = tpu.sem_alloc : memref<!tpu.dma_semaphore, #tpu.memory_space<semaphore_mem>>
      %dma_start3A_31 = arith.constant 0 : i32
      %dma_start3A_32 = tpu.memref_slice %arg6[%arg0, %mul3A_29, %dma_start3A_31] : memref<2x10112x128xf32, #tpu.memory_space<hbm>> -> memref<1x632x128xf32, #tpu.memory_space<hbm>>
      %dma_start3A_33 = tpu.memref_squeeze %dma_start3A_32 : memref<1x632x128xf32, #tpu.memory_space<hbm>> -> memref<632x128xf32, #tpu.memory_space<hbm>>
      %dma_start3A_34 = arith.constant 0 : i32
      %dma_start3A_35 = tpu.memref_slice %arg11[%mul3A_27, %dma_start3A_34] : memref<10112x128xf32, #tpu.memory_space<vmem_shared>> -> memref<632x128xf32, #tpu.memory_space<vmem_shared>>
      tpu.enqueue_dma source(%dma_start3A_35 : memref<632x128xf32, #tpu.memory_space<vmem_shared>>) target(%dma_start3A_33 : memref<632x128xf32, #tpu.memory_space<hbm>>) target_semaphore(%run_scoped3A_30 : memref<!tpu.dma_semaphore, #tpu.memory_space<semaphore_mem>>)
      %dma_wait3A = arith.constant 0 : i32
      %dma_wait3A_36 = tpu.memref_slice %arg6[%arg0, %mul3A_29, %dma_wait3A] : memref<2x10112x128xf32, #tpu.memory_space<hbm>> -> memref<1x632x128xf32, #tpu.memory_space<hbm>>
      %dma_wait3A_37 = tpu.memref_squeeze %dma_wait3A_36 : memref<1x632x128xf32, #tpu.memory_space<hbm>> -> memref<632x128xf32, #tpu.memory_space<hbm>>
      %dma_wait3A_38 = arith.constant 0 : i32
      %dma_wait3A_39 = tpu.memref_slice %arg11[%mul3A_27, %dma_wait3A_38] : memref<10112x128xf32, #tpu.memory_space<vmem_shared>> -> memref<632x128xf32, #tpu.memory_space<vmem_shared>>
      tpu.wait_dma2 semaphore(%run_scoped3A_30 : memref<!tpu.dma_semaphore, #tpu.memory_space<semaphore_mem>>) src(%dma_wait3A_39 : memref<632x128xf32, #tpu.memory_space<vmem_shared>>) dst(%dma_wait3A_37 : memref<632x128xf32, #tpu.memory_space<hbm>>)
      tpu.yield
    }) : () -> ()
    return
  }
}

#map = affine_map<(d0, d1) -> (0, 0)>
#map1 = affine_map<(d0, d1) -> (0, 0, 0)>
module attributes {stable_mosaic.version = 14 : i64} {
  func.func @_layer_body(%arg0: i32, %arg1: i32, %arg2: memref<10000x128xf32, #tpu.memory_space<hbm>>, %arg3: memref<32x80x128xi32, #tpu.memory_space<hbm>>, %arg4: memref<32x80x128xi32, #tpu.memory_space<hbm>>, %arg5: memref<10112x128xf32, #tpu.memory_space<hbm>>, %arg6: memref<2x10112x128xf32, #tpu.memory_space<hbm>>, %arg7: memref<80x128xi32, #tpu.memory_space<vmem>>, %arg8: memref<2x128xi32, #tpu.memory_space<vmem>>, %arg9: memref<128x128xf32, #tpu.memory_space<vmem>>, %arg10: memref<128x128xf32, #tpu.memory_space<vmem>>, %arg11: memref<10112x128xf32, #tpu.memory_space<vmem_shared>>, %arg12: memref<!tpu.dma_semaphore, #tpu.memory_space<semaphore_mem>>, %arg13: memref<!tpu.dma_semaphore, #tpu.memory_space<semaphore_mem>>, %arg14: memref<!tpu.dma_semaphore, #tpu.memory_space<semaphore_mem>>, %arg15: memref<!tpu.dma_semaphore, #tpu.memory_space<semaphore_mem>>) attributes {dimension_semantics = [#tpu.dimension_semantics<core_parallel>, #tpu.dimension_semantics<subcore_parallel>], iteration_bounds = array<i64: 2, 16>, scalar_prefetch = 0 : i64, scratch_operands = 9 : i64, tpu.core_type = #tpu.core_type<sc_vector_subcore>, window_params = [{transform_indices = #map}, {transform_indices = #map1}, {transform_indices = #map1}, {transform_indices = #map}, {transform_indices = #map1}]} {
    %mul3A = arith.constant 2 : i32
    %mul3A_0 = arith.muli %arg1, %mul3A : i32
    %add3A = arith.addi %mul3A_0, %arg0 : i32
    %mul3A_1 = arith.constant 632 : i32
    %mul3A_2 = arith.muli %arg1, %mul3A_1 : i32
    %mul3A_3 = arith.constant 632 : i32
    %mul3A_4 = arith.muli %arg1, %mul3A_3 : i32
    "tpu.region"() ({
      %run_scoped3A_30 = tpu.sem_alloc : memref<!tpu.dma_semaphore, #tpu.memory_space<semaphore_mem>>
      %dma_start3A_31 = arith.constant 0 : i32
      %dma_start3A_32 = tpu.memref_slice %arg11[%mul3A_4, %dma_start3A_31] : memref<10112x128xf32, #tpu.memory_space<vmem_shared>> -> memref<632x128xf32, #tpu.memory_space<vmem_shared>>
      %dma_start3A_33 = arith.constant 0 : i32
      %dma_start3A_34 = tpu.memref_slice %arg5[%mul3A_2, %dma_start3A_33] : memref<10112x128xf32, #tpu.memory_space<hbm>> -> memref<632x128xf32, #tpu.memory_space<hbm>>
      tpu.enqueue_dma source(%dma_start3A_34 : memref<632x128xf32, #tpu.memory_space<hbm>>) target(%dma_start3A_32 : memref<632x128xf32, #tpu.memory_space<vmem_shared>>) target_semaphore(%run_scoped3A_30 : memref<!tpu.dma_semaphore, #tpu.memory_space<semaphore_mem>>)
      %dma_wait3A = arith.constant 0 : i32
      %dma_wait3A_35 = tpu.memref_slice %arg11[%mul3A_4, %dma_wait3A] : memref<10112x128xf32, #tpu.memory_space<vmem_shared>> -> memref<632x128xf32, #tpu.memory_space<vmem_shared>>
      %dma_wait3A_36 = arith.constant 0 : i32
      %dma_wait3A_37 = tpu.memref_slice %arg5[%mul3A_2, %dma_wait3A_36] : memref<10112x128xf32, #tpu.memory_space<hbm>> -> memref<632x128xf32, #tpu.memory_space<hbm>>
      tpu.wait_dma2 semaphore(%run_scoped3A_30 : memref<!tpu.dma_semaphore, #tpu.memory_space<semaphore_mem>>) src(%dma_wait3A_37 : memref<632x128xf32, #tpu.memory_space<hbm>>) dst(%dma_wait3A_35 : memref<632x128xf32, #tpu.memory_space<vmem_shared>>)
      tpu.yield
    }) : () -> ()
    "tpu.region"() ({
      %run_scoped3A_30 = tpu.sem_alloc : memref<!tpu.dma_semaphore, #tpu.memory_space<semaphore_mem>>
      %dma_start3A_31 = arith.constant 0 : i32
      %dma_start3A_32 = arith.constant 0 : i32
      %dma_start3A_33 = tpu.memref_slice %arg3[%add3A, %dma_start3A_31, %dma_start3A_32] : memref<32x80x128xi32, #tpu.memory_space<hbm>> -> memref<1x80x128xi32, #tpu.memory_space<hbm>>
      %dma_start3A_34 = tpu.memref_squeeze %dma_start3A_33 : memref<1x80x128xi32, #tpu.memory_space<hbm>> -> memref<80x128xi32, #tpu.memory_space<hbm>>
      %dma_start3A_35 = arith.constant 0 : i32
      %dma_start3A_36 = arith.constant 0 : i32
      %dma_start3A_37 = tpu.memref_slice %arg3[%add3A, %dma_start3A_35, %dma_start3A_36] : memref<32x80x128xi32, #tpu.memory_space<hbm>> -> memref<1x80x128xi32, #tpu.memory_space<hbm>>
      %dma_start3A_38 = tpu.memref_squeeze %dma_start3A_37 : memref<1x80x128xi32, #tpu.memory_space<hbm>> -> memref<80x128xi32, #tpu.memory_space<hbm>>
      tpu.enqueue_dma source(%dma_start3A_38 : memref<80x128xi32, #tpu.memory_space<hbm>>) target(%arg7 : memref<80x128xi32, #tpu.memory_space<vmem>>) target_semaphore(%run_scoped3A_30 : memref<!tpu.dma_semaphore, #tpu.memory_space<semaphore_mem>>)
      %dma_wait3A = arith.constant 0 : i32
      %dma_wait3A_39 = arith.constant 0 : i32
      %dma_wait3A_40 = tpu.memref_slice %arg3[%add3A, %dma_wait3A, %dma_wait3A_39] : memref<32x80x128xi32, #tpu.memory_space<hbm>> -> memref<1x80x128xi32, #tpu.memory_space<hbm>>
      %dma_wait3A_41 = tpu.memref_squeeze %dma_wait3A_40 : memref<1x80x128xi32, #tpu.memory_space<hbm>> -> memref<80x128xi32, #tpu.memory_space<hbm>>
      %dma_wait3A_42 = arith.constant 0 : i32
      %dma_wait3A_43 = arith.constant 0 : i32
      %dma_wait3A_44 = tpu.memref_slice %arg3[%add3A, %dma_wait3A_42, %dma_wait3A_43] : memref<32x80x128xi32, #tpu.memory_space<hbm>> -> memref<1x80x128xi32, #tpu.memory_space<hbm>>
      %dma_wait3A_45 = tpu.memref_squeeze %dma_wait3A_44 : memref<1x80x128xi32, #tpu.memory_space<hbm>> -> memref<80x128xi32, #tpu.memory_space<hbm>>
      tpu.wait_dma2 semaphore(%run_scoped3A_30 : memref<!tpu.dma_semaphore, #tpu.memory_space<semaphore_mem>>) src(%dma_wait3A_45 : memref<80x128xi32, #tpu.memory_space<hbm>>) dst(%arg7 : memref<80x128xi32, #tpu.memory_space<vmem>>)
      tpu.yield
    }) : () -> ()
    %run_scoped3A = arith.constant 0 : i32
    %run_scoped3A_5 = arith.constant 0 : i32
    "tpu.region"() ({
      %run_scoped3A_30 = tpu.sem_alloc : memref<!tpu.dma_semaphore, #tpu.memory_space<semaphore_mem>>
      %dma_start3A_31 = arith.constant 0 : i32
      %dma_start3A_32 = tpu.memref_slice %arg8[%run_scoped3A_5, %dma_start3A_31] : memref<2x128xi32, #tpu.memory_space<vmem>> -> memref<1x128xi32, #tpu.memory_space<vmem>>
      %dma_start3A_33 = tpu.memref_squeeze %dma_start3A_32 : memref<1x128xi32, #tpu.memory_space<vmem>> -> memref<128xi32, #tpu.memory_space<vmem>>
      %dma_start3A_34 = arith.constant 0 : i32
      %dma_start3A_35 = tpu.memref_slice %arg4[%add3A, %run_scoped3A, %dma_start3A_34] : memref<32x80x128xi32, #tpu.memory_space<hbm>> -> memref<1x1x128xi32, #tpu.memory_space<hbm>>
      %dma_start3A_36 = tpu.memref_squeeze %dma_start3A_35 : memref<1x1x128xi32, #tpu.memory_space<hbm>> -> memref<128xi32, #tpu.memory_space<hbm>>
      %dma_start3A_37 = arith.constant 0 : i32
      %dma_start3A_38 = tpu.memref_slice %arg8[%run_scoped3A_5, %dma_start3A_37] : memref<2x128xi32, #tpu.memory_space<vmem>> -> memref<1x128xi32, #tpu.memory_space<vmem>>
      %dma_start3A_39 = tpu.memref_squeeze %dma_start3A_38 : memref<1x128xi32, #tpu.memory_space<vmem>> -> memref<128xi32, #tpu.memory_space<vmem>>
      %dma_start3A_40 = arith.constant 0 : i32
      %dma_start3A_41 = tpu.memref_slice %arg4[%add3A, %run_scoped3A, %dma_start3A_40] : memref<32x80x128xi32, #tpu.memory_space<hbm>> -> memref<1x1x128xi32, #tpu.memory_space<hbm>>
      %dma_start3A_42 = tpu.memref_squeeze %dma_start3A_41 : memref<1x1x128xi32, #tpu.memory_space<hbm>> -> memref<128xi32, #tpu.memory_space<hbm>>
      tpu.enqueue_dma source(%dma_start3A_42 : memref<128xi32, #tpu.memory_space<hbm>>) target(%dma_start3A_39 : memref<128xi32, #tpu.memory_space<vmem>>) target_semaphore(%run_scoped3A_30 : memref<!tpu.dma_semaphore, #tpu.memory_space<semaphore_mem>>)
      %dma_wait3A = arith.constant 0 : i32
      %dma_wait3A_43 = tpu.memref_slice %arg8[%run_scoped3A_5, %dma_wait3A] : memref<2x128xi32, #tpu.memory_space<vmem>> -> memref<1x128xi32, #tpu.memory_space<vmem>>
      %dma_wait3A_44 = tpu.memref_squeeze %dma_wait3A_43 : memref<1x128xi32, #tpu.memory_space<vmem>> -> memref<128xi32, #tpu.memory_space<vmem>>
      %dma_wait3A_45 = arith.constant 0 : i32
      %dma_wait3A_46 = tpu.memref_slice %arg4[%add3A, %run_scoped3A, %dma_wait3A_45] : memref<32x80x128xi32, #tpu.memory_space<hbm>> -> memref<1x1x128xi32, #tpu.memory_space<hbm>>
      %dma_wait3A_47 = tpu.memref_squeeze %dma_wait3A_46 : memref<1x1x128xi32, #tpu.memory_space<hbm>> -> memref<128xi32, #tpu.memory_space<hbm>>
      %dma_wait3A_48 = arith.constant 0 : i32
      %dma_wait3A_49 = tpu.memref_slice %arg8[%run_scoped3A_5, %dma_wait3A_48] : memref<2x128xi32, #tpu.memory_space<vmem>> -> memref<1x128xi32, #tpu.memory_space<vmem>>
      %dma_wait3A_50 = tpu.memref_squeeze %dma_wait3A_49 : memref<1x128xi32, #tpu.memory_space<vmem>> -> memref<128xi32, #tpu.memory_space<vmem>>
      %dma_wait3A_51 = arith.constant 0 : i32
      %dma_wait3A_52 = tpu.memref_slice %arg4[%add3A, %run_scoped3A, %dma_wait3A_51] : memref<32x80x128xi32, #tpu.memory_space<hbm>> -> memref<1x1x128xi32, #tpu.memory_space<hbm>>
      %dma_wait3A_53 = tpu.memref_squeeze %dma_wait3A_52 : memref<1x1x128xi32, #tpu.memory_space<hbm>> -> memref<128xi32, #tpu.memory_space<hbm>>
      tpu.wait_dma2 semaphore(%run_scoped3A_30 : memref<!tpu.dma_semaphore, #tpu.memory_space<semaphore_mem>>) src(%dma_wait3A_53 : memref<128xi32, #tpu.memory_space<hbm>>) dst(%dma_wait3A_50 : memref<128xi32, #tpu.memory_space<vmem>>)
      tpu.yield
    }) : () -> ()
    %run_scoped3A_6 = arith.constant 1 : i32
    %run_scoped3A_7 = arith.constant 1 : i32
    "tpu.region"() ({
      %run_scoped3A_30 = tpu.sem_alloc : memref<!tpu.dma_semaphore, #tpu.memory_space<semaphore_mem>>
      %dma_start3A_31 = arith.constant 0 : i32
      %dma_start3A_32 = tpu.memref_slice %arg8[%run_scoped3A_7, %dma_start3A_31] : memref<2x128xi32, #tpu.memory_space<vmem>> -> memref<1x128xi32, #tpu.memory_space<vmem>>
      %dma_start3A_33 = tpu.memref_squeeze %dma_start3A_32 : memref<1x128xi32, #tpu.memory_space<vmem>> -> memref<128xi32, #tpu.memory_space<vmem>>
      %dma_start3A_34 = arith.constant 0 : i32
      %dma_start3A_35 = tpu.memref_slice %arg4[%add3A, %run_scoped3A_6, %dma_start3A_34] : memref<32x80x128xi32, #tpu.memory_space<hbm>> -> memref<1x1x128xi32, #tpu.memory_space<hbm>>
      %dma_start3A_36 = tpu.memref_squeeze %dma_start3A_35 : memref<1x1x128xi32, #tpu.memory_space<hbm>> -> memref<128xi32, #tpu.memory_space<hbm>>
      %dma_start3A_37 = arith.constant 0 : i32
      %dma_start3A_38 = tpu.memref_slice %arg8[%run_scoped3A_7, %dma_start3A_37] : memref<2x128xi32, #tpu.memory_space<vmem>> -> memref<1x128xi32, #tpu.memory_space<vmem>>
      %dma_start3A_39 = tpu.memref_squeeze %dma_start3A_38 : memref<1x128xi32, #tpu.memory_space<vmem>> -> memref<128xi32, #tpu.memory_space<vmem>>
      %dma_start3A_40 = arith.constant 0 : i32
      %dma_start3A_41 = tpu.memref_slice %arg4[%add3A, %run_scoped3A_6, %dma_start3A_40] : memref<32x80x128xi32, #tpu.memory_space<hbm>> -> memref<1x1x128xi32, #tpu.memory_space<hbm>>
      %dma_start3A_42 = tpu.memref_squeeze %dma_start3A_41 : memref<1x1x128xi32, #tpu.memory_space<hbm>> -> memref<128xi32, #tpu.memory_space<hbm>>
      tpu.enqueue_dma source(%dma_start3A_42 : memref<128xi32, #tpu.memory_space<hbm>>) target(%dma_start3A_39 : memref<128xi32, #tpu.memory_space<vmem>>) target_semaphore(%run_scoped3A_30 : memref<!tpu.dma_semaphore, #tpu.memory_space<semaphore_mem>>)
      %dma_wait3A = arith.constant 0 : i32
      %dma_wait3A_43 = tpu.memref_slice %arg8[%run_scoped3A_7, %dma_wait3A] : memref<2x128xi32, #tpu.memory_space<vmem>> -> memref<1x128xi32, #tpu.memory_space<vmem>>
      %dma_wait3A_44 = tpu.memref_squeeze %dma_wait3A_43 : memref<1x128xi32, #tpu.memory_space<vmem>> -> memref<128xi32, #tpu.memory_space<vmem>>
      %dma_wait3A_45 = arith.constant 0 : i32
      %dma_wait3A_46 = tpu.memref_slice %arg4[%add3A, %run_scoped3A_6, %dma_wait3A_45] : memref<32x80x128xi32, #tpu.memory_space<hbm>> -> memref<1x1x128xi32, #tpu.memory_space<hbm>>
      %dma_wait3A_47 = tpu.memref_squeeze %dma_wait3A_46 : memref<1x1x128xi32, #tpu.memory_space<hbm>> -> memref<128xi32, #tpu.memory_space<hbm>>
      %dma_wait3A_48 = arith.constant 0 : i32
      %dma_wait3A_49 = tpu.memref_slice %arg8[%run_scoped3A_7, %dma_wait3A_48] : memref<2x128xi32, #tpu.memory_space<vmem>> -> memref<1x128xi32, #tpu.memory_space<vmem>>
      %dma_wait3A_50 = tpu.memref_squeeze %dma_wait3A_49 : memref<1x128xi32, #tpu.memory_space<vmem>> -> memref<128xi32, #tpu.memory_space<vmem>>
      %dma_wait3A_51 = arith.constant 0 : i32
      %dma_wait3A_52 = tpu.memref_slice %arg4[%add3A, %run_scoped3A_6, %dma_wait3A_51] : memref<32x80x128xi32, #tpu.memory_space<hbm>> -> memref<1x1x128xi32, #tpu.memory_space<hbm>>
      %dma_wait3A_53 = tpu.memref_squeeze %dma_wait3A_52 : memref<1x1x128xi32, #tpu.memory_space<hbm>> -> memref<128xi32, #tpu.memory_space<hbm>>
      tpu.wait_dma2 semaphore(%run_scoped3A_30 : memref<!tpu.dma_semaphore, #tpu.memory_space<semaphore_mem>>) src(%dma_wait3A_53 : memref<128xi32, #tpu.memory_space<hbm>>) dst(%dma_wait3A_50 : memref<128xi32, #tpu.memory_space<vmem>>)
      tpu.yield
    }) : () -> ()
    %barrier3A = arith.constant 0 : index
    tpu.barrier barrier_id(%barrier3A)
    %dma_start3A = arith.constant 0 : i32
    %dma_start3A_8 = arith.constant 0 : i32
    %dma_start3A_9 = tpu.memref_slice %arg8[%dma_start3A, %dma_start3A_8] : memref<2x128xi32, #tpu.memory_space<vmem>> -> memref<1x128xi32, #tpu.memory_space<vmem>>
    %dma_start3A_10 = tpu.memref_squeeze %dma_start3A_9 : memref<1x128xi32, #tpu.memory_space<vmem>> -> memref<128xi32, #tpu.memory_space<vmem>>
    %dma_start3A_11 = arith.constant 0 : i32
    %dma_start3A_12 = arith.constant 0 : i32
    %dma_start3A_13 = tpu.memref_slice %arg2[%dma_start3A_11, %dma_start3A_12] : memref<10000x128xf32, #tpu.memory_space<hbm>> -> memref<10000x128xf32, #tpu.memory_space<hbm>>
    tpu.enqueue_indirect_dma source(%dma_start3A_13 : memref<10000x128xf32, #tpu.memory_space<hbm>>) target(%arg9 : memref<128x128xf32, #tpu.memory_space<vmem>>) offsets(%dma_start3A_10 : memref<128xi32, #tpu.memory_space<vmem>>) semaphore(%arg12 : memref<!tpu.dma_semaphore, #tpu.memory_space<semaphore_mem>>)
    %dma_start3A_14 = arith.constant 1 : i32
    %dma_start3A_15 = arith.constant 0 : i32
    %dma_start3A_16 = tpu.memref_slice %arg8[%dma_start3A_14, %dma_start3A_15] : memref<2x128xi32, #tpu.memory_space<vmem>> -> memref<1x128xi32, #tpu.memory_space<vmem>>
    %dma_start3A_17 = tpu.memref_squeeze %dma_start3A_16 : memref<1x128xi32, #tpu.memory_space<vmem>> -> memref<128xi32, #tpu.memory_space<vmem>>
    %dma_start3A_18 = arith.constant 0 : i32
    %dma_start3A_19 = arith.constant 0 : i32
    %dma_start3A_20 = tpu.memref_slice %arg2[%dma_start3A_18, %dma_start3A_19] : memref<10000x128xf32, #tpu.memory_space<hbm>> -> memref<10000x128xf32, #tpu.memory_space<hbm>>
    tpu.enqueue_indirect_dma source(%dma_start3A_20 : memref<10000x128xf32, #tpu.memory_space<hbm>>) target(%arg10 : memref<128x128xf32, #tpu.memory_space<vmem>>) offsets(%dma_start3A_17 : memref<128xi32, #tpu.memory_space<vmem>>) semaphore(%arg13 : memref<!tpu.dma_semaphore, #tpu.memory_space<semaphore_mem>>)
    %scan3A = arith.constant 0 : i32
    %scan3A_21 = arith.constant 40 : i32
    %scan3A_22 = arith.addi %scan3A, %scan3A_21 : i32
    %scan3A_23 = arith.constant 1 : i32
    scf.for %scan3A_30 = %scan3A to %scan3A_22 step %scan3A_23  : i32 {
      %mul3A_31 = arith.constant 2 : i32
      %mul3A_32 = arith.muli %scan3A_30, %mul3A_31 : i32
      %add3A_33 = arith.constant 0 : i32
      %add3A_34 = arith.addi %add3A_33, %mul3A_32 : i32
      %dma_wait3A = arith.constant 0 : i32
      %dma_wait3A_35 = arith.constant 0 : i32
      %dma_wait3A_36 = tpu.memref_slice %arg8[%dma_wait3A, %dma_wait3A_35] : memref<2x128xi32, #tpu.memory_space<vmem>> -> memref<1x128xi32, #tpu.memory_space<vmem>>
      %dma_wait3A_37 = tpu.memref_squeeze %dma_wait3A_36 : memref<1x128xi32, #tpu.memory_space<vmem>> -> memref<128xi32, #tpu.memory_space<vmem>>
      %dma_wait3A_38 = arith.constant 0 : i32
      %dma_wait3A_39 = arith.constant 0 : i32
      %dma_wait3A_40 = tpu.memref_slice %arg2[%dma_wait3A_38, %dma_wait3A_39] : memref<10000x128xf32, #tpu.memory_space<hbm>> -> memref<10000x128xf32, #tpu.memory_space<hbm>>
      tpu.wait_indirect_dma semaphore(%arg12 : memref<!tpu.dma_semaphore, #tpu.memory_space<semaphore_mem>>) src(%dma_wait3A_40 : memref<10000x128xf32, #tpu.memory_space<hbm>>) dst(%arg9 : memref<128x128xf32, #tpu.memory_space<vmem>>)
      %add3A_41 = arith.constant 2 : i32
      %add3A_42 = arith.addi %add3A_34, %add3A_41 : i32
      %lt3A = arith.constant 80 : i32
      %lt3A_43 = arith.cmpi slt, %add3A_42, %lt3A : i32
      %convert_element_type3A = arith.extui %lt3A_43 : i1 to i32
      %cond3A = arith.constant 0 : i32
      %cond3A_44 = arith.cmpi ne, %convert_element_type3A, %cond3A : i32
      scf.if %cond3A_44 {
        %add3A_75 = arith.constant 2 : i32
        %add3A_76 = arith.addi %add3A_34, %add3A_75 : i32
        %dma_start3A_77 = arith.constant 0 : i32
        %dma_start3A_78 = arith.constant 0 : i32
        %dma_start3A_79 = tpu.memref_slice %arg8[%dma_start3A_77, %dma_start3A_78] : memref<2x128xi32, #tpu.memory_space<vmem>> -> memref<1x128xi32, #tpu.memory_space<vmem>>
        %dma_start3A_80 = tpu.memref_squeeze %dma_start3A_79 : memref<1x128xi32, #tpu.memory_space<vmem>> -> memref<128xi32, #tpu.memory_space<vmem>>
        %dma_start3A_81 = arith.constant 0 : i32
        %dma_start3A_82 = tpu.memref_slice %arg4[%add3A, %add3A_76, %dma_start3A_81] : memref<32x80x128xi32, #tpu.memory_space<hbm>> -> memref<1x1x128xi32, #tpu.memory_space<hbm>>
        %dma_start3A_83 = tpu.memref_squeeze %dma_start3A_82 : memref<1x1x128xi32, #tpu.memory_space<hbm>> -> memref<128xi32, #tpu.memory_space<hbm>>
        %dma_start3A_84 = arith.constant 0 : i32
        %dma_start3A_85 = tpu.memref_slice %arg8[%dma_start3A_77, %dma_start3A_84] : memref<2x128xi32, #tpu.memory_space<vmem>> -> memref<1x128xi32, #tpu.memory_space<vmem>>
        %dma_start3A_86 = tpu.memref_squeeze %dma_start3A_85 : memref<1x128xi32, #tpu.memory_space<vmem>> -> memref<128xi32, #tpu.memory_space<vmem>>
        %dma_start3A_87 = arith.constant 0 : i32
        %dma_start3A_88 = tpu.memref_slice %arg4[%add3A, %add3A_76, %dma_start3A_87] : memref<32x80x128xi32, #tpu.memory_space<hbm>> -> memref<1x1x128xi32, #tpu.memory_space<hbm>>
        %dma_start3A_89 = tpu.memref_squeeze %dma_start3A_88 : memref<1x1x128xi32, #tpu.memory_space<hbm>> -> memref<128xi32, #tpu.memory_space<hbm>>
        tpu.enqueue_dma source(%dma_start3A_89 : memref<128xi32, #tpu.memory_space<hbm>>) target(%dma_start3A_86 : memref<128xi32, #tpu.memory_space<vmem>>) target_semaphore(%arg14 : memref<!tpu.dma_semaphore, #tpu.memory_space<semaphore_mem>>)
      } else {
      }
      "tpu.region"() ({
        %run_scoped3A_75 = tpu.sem_alloc : memref<!tpu.dma_semaphore, #tpu.memory_space<semaphore_mem>>
        %dma_start3A_76 = arith.constant 0 : i32
        %dma_start3A_77 = tpu.memref_slice %arg7[%add3A_34, %dma_start3A_76] : memref<80x128xi32, #tpu.memory_space<vmem>> -> memref<1x128xi32, #tpu.memory_space<vmem>>
        %dma_start3A_78 = tpu.memref_squeeze %dma_start3A_77 : memref<1x128xi32, #tpu.memory_space<vmem>> -> memref<128xi32, #tpu.memory_space<vmem>>
        %dma_start3A_79 = arith.constant 0 : i32
        %dma_start3A_80 = arith.constant 0 : i32
        %dma_start3A_81 = tpu.memref_slice %arg11[%dma_start3A_79, %dma_start3A_80] : memref<10112x128xf32, #tpu.memory_space<vmem_shared>> -> memref<10112x128xf32, #tpu.memory_space<vmem_shared>>
        tpu.enqueue_indirect_dma source(%arg9 : memref<128x128xf32, #tpu.memory_space<vmem>>) target(%dma_start3A_81 : memref<10112x128xf32, #tpu.memory_space<vmem_shared>>) offsets(%dma_start3A_78 : memref<128xi32, #tpu.memory_space<vmem>>) semaphore(%run_scoped3A_75 : memref<!tpu.dma_semaphore, #tpu.memory_space<semaphore_mem>>) {add = true}
        %dma_wait3A_82 = arith.constant 0 : i32
        %dma_wait3A_83 = tpu.memref_slice %arg7[%add3A_34, %dma_wait3A_82] : memref<80x128xi32, #tpu.memory_space<vmem>> -> memref<1x128xi32, #tpu.memory_space<vmem>>
        %dma_wait3A_84 = tpu.memref_squeeze %dma_wait3A_83 : memref<1x128xi32, #tpu.memory_space<vmem>> -> memref<128xi32, #tpu.memory_space<vmem>>
        %dma_wait3A_85 = arith.constant 0 : i32
        %dma_wait3A_86 = arith.constant 0 : i32
        %dma_wait3A_87 = tpu.memref_slice %arg11[%dma_wait3A_85, %dma_wait3A_86] : memref<10112x128xf32, #tpu.memory_space<vmem_shared>> -> memref<10112x128xf32, #tpu.memory_space<vmem_shared>>
        tpu.wait_indirect_dma semaphore(%run_scoped3A_75 : memref<!tpu.dma_semaphore, #tpu.memory_space<semaphore_mem>>) src(%arg9 : memref<128x128xf32, #tpu.memory_space<vmem>>) dst(%dma_wait3A_87 : memref<10112x128xf32, #tpu.memory_space<vmem_shared>>)
        tpu.yield
      }) : () -> ()
      %add3A_45 = arith.constant 2 : i32
      %add3A_46 = arith.addi %add3A_34, %add3A_45 : i32
      %lt3A_47 = arith.constant 80 : i32
      %lt3A_48 = arith.cmpi slt, %add3A_46, %lt3A_47 : i32
      %convert_element_type3A_49 = arith.extui %lt3A_48 : i1 to i32
      %cond3A_50 = arith.constant 0 : i32
      %cond3A_51 = arith.cmpi ne, %convert_element_type3A_49, %cond3A_50 : i32
      scf.if %cond3A_51 {
        %add3A_75 = arith.constant 2 : i32
        %add3A_76 = arith.addi %add3A_34, %add3A_75 : i32
        %dma_wait3A_77 = arith.constant 0 : i32
        %dma_wait3A_78 = arith.constant 0 : i32
        %dma_wait3A_79 = tpu.memref_slice %arg8[%dma_wait3A_77, %dma_wait3A_78] : memref<2x128xi32, #tpu.memory_space<vmem>> -> memref<1x128xi32, #tpu.memory_space<vmem>>
        %dma_wait3A_80 = tpu.memref_squeeze %dma_wait3A_79 : memref<1x128xi32, #tpu.memory_space<vmem>> -> memref<128xi32, #tpu.memory_space<vmem>>
        %dma_wait3A_81 = arith.constant 0 : i32
        %dma_wait3A_82 = tpu.memref_slice %arg4[%add3A, %add3A_76, %dma_wait3A_81] : memref<32x80x128xi32, #tpu.memory_space<hbm>> -> memref<1x1x128xi32, #tpu.memory_space<hbm>>
        %dma_wait3A_83 = tpu.memref_squeeze %dma_wait3A_82 : memref<1x1x128xi32, #tpu.memory_space<hbm>> -> memref<128xi32, #tpu.memory_space<hbm>>
        %dma_wait3A_84 = arith.constant 0 : i32
        %dma_wait3A_85 = tpu.memref_slice %arg8[%dma_wait3A_77, %dma_wait3A_84] : memref<2x128xi32, #tpu.memory_space<vmem>> -> memref<1x128xi32, #tpu.memory_space<vmem>>
        %dma_wait3A_86 = tpu.memref_squeeze %dma_wait3A_85 : memref<1x128xi32, #tpu.memory_space<vmem>> -> memref<128xi32, #tpu.memory_space<vmem>>
        %dma_wait3A_87 = arith.constant 0 : i32
        %dma_wait3A_88 = tpu.memref_slice %arg4[%add3A, %add3A_76, %dma_wait3A_87] : memref<32x80x128xi32, #tpu.memory_space<hbm>> -> memref<1x1x128xi32, #tpu.memory_space<hbm>>
        %dma_wait3A_89 = tpu.memref_squeeze %dma_wait3A_88 : memref<1x1x128xi32, #tpu.memory_space<hbm>> -> memref<128xi32, #tpu.memory_space<hbm>>
        tpu.wait_dma2 semaphore(%arg14 : memref<!tpu.dma_semaphore, #tpu.memory_space<semaphore_mem>>) src(%dma_wait3A_89 : memref<128xi32, #tpu.memory_space<hbm>>) dst(%dma_wait3A_86 : memref<128xi32, #tpu.memory_space<vmem>>)
        %dma_start3A_90 = arith.constant 0 : i32
        %dma_start3A_91 = arith.constant 0 : i32
        %dma_start3A_92 = tpu.memref_slice %arg8[%dma_start3A_90, %dma_start3A_91] : memref<2x128xi32, #tpu.memory_space<vmem>> -> memref<1x128xi32, #tpu.memory_space<vmem>>
        %dma_start3A_93 = tpu.memref_squeeze %dma_start3A_92 : memref<1x128xi32, #tpu.memory_space<vmem>> -> memref<128xi32, #tpu.memory_space<vmem>>
        %dma_start3A_94 = arith.constant 0 : i32
        %dma_start3A_95 = arith.constant 0 : i32
        %dma_start3A_96 = tpu.memref_slice %arg2[%dma_start3A_94, %dma_start3A_95] : memref<10000x128xf32, #tpu.memory_space<hbm>> -> memref<10000x128xf32, #tpu.memory_space<hbm>>
        tpu.enqueue_indirect_dma source(%dma_start3A_96 : memref<10000x128xf32, #tpu.memory_space<hbm>>) target(%arg9 : memref<128x128xf32, #tpu.memory_space<vmem>>) offsets(%dma_start3A_93 : memref<128xi32, #tpu.memory_space<vmem>>) semaphore(%arg12 : memref<!tpu.dma_semaphore, #tpu.memory_space<semaphore_mem>>)
      } else {
      }
      %dma_wait3A_52 = arith.constant 1 : i32
      %dma_wait3A_53 = arith.constant 0 : i32
      %dma_wait3A_54 = tpu.memref_slice %arg8[%dma_wait3A_52, %dma_wait3A_53] : memref<2x128xi32, #tpu.memory_space<vmem>> -> memref<1x128xi32, #tpu.memory_space<vmem>>
      %dma_wait3A_55 = tpu.memref_squeeze %dma_wait3A_54 : memref<1x128xi32, #tpu.memory_space<vmem>> -> memref<128xi32, #tpu.memory_space<vmem>>
      %dma_wait3A_56 = arith.constant 0 : i32
      %dma_wait3A_57 = arith.constant 0 : i32
      %dma_wait3A_58 = tpu.memref_slice %arg2[%dma_wait3A_56, %dma_wait3A_57] : memref<10000x128xf32, #tpu.memory_space<hbm>> -> memref<10000x128xf32, #tpu.memory_space<hbm>>
      tpu.wait_indirect_dma semaphore(%arg13 : memref<!tpu.dma_semaphore, #tpu.memory_space<semaphore_mem>>) src(%dma_wait3A_58 : memref<10000x128xf32, #tpu.memory_space<hbm>>) dst(%arg10 : memref<128x128xf32, #tpu.memory_space<vmem>>)
      %add3A_59 = arith.constant 3 : i32
      %add3A_60 = arith.addi %add3A_34, %add3A_59 : i32
      %lt3A_61 = arith.constant 80 : i32
      %lt3A_62 = arith.cmpi slt, %add3A_60, %lt3A_61 : i32
      %convert_element_type3A_63 = arith.extui %lt3A_62 : i1 to i32
      %cond3A_64 = arith.constant 0 : i32
      %cond3A_65 = arith.cmpi ne, %convert_element_type3A_63, %cond3A_64 : i32
      scf.if %cond3A_65 {
        %add3A_75 = arith.constant 3 : i32
        %add3A_76 = arith.addi %add3A_34, %add3A_75 : i32
        %dma_start3A_77 = arith.constant 1 : i32
        %dma_start3A_78 = arith.constant 0 : i32
        %dma_start3A_79 = tpu.memref_slice %arg8[%dma_start3A_77, %dma_start3A_78] : memref<2x128xi32, #tpu.memory_space<vmem>> -> memref<1x128xi32, #tpu.memory_space<vmem>>
        %dma_start3A_80 = tpu.memref_squeeze %dma_start3A_79 : memref<1x128xi32, #tpu.memory_space<vmem>> -> memref<128xi32, #tpu.memory_space<vmem>>
        %dma_start3A_81 = arith.constant 0 : i32
        %dma_start3A_82 = tpu.memref_slice %arg4[%add3A, %add3A_76, %dma_start3A_81] : memref<32x80x128xi32, #tpu.memory_space<hbm>> -> memref<1x1x128xi32, #tpu.memory_space<hbm>>
        %dma_start3A_83 = tpu.memref_squeeze %dma_start3A_82 : memref<1x1x128xi32, #tpu.memory_space<hbm>> -> memref<128xi32, #tpu.memory_space<hbm>>
        %dma_start3A_84 = arith.constant 0 : i32
        %dma_start3A_85 = tpu.memref_slice %arg8[%dma_start3A_77, %dma_start3A_84] : memref<2x128xi32, #tpu.memory_space<vmem>> -> memref<1x128xi32, #tpu.memory_space<vmem>>
        %dma_start3A_86 = tpu.memref_squeeze %dma_start3A_85 : memref<1x128xi32, #tpu.memory_space<vmem>> -> memref<128xi32, #tpu.memory_space<vmem>>
        %dma_start3A_87 = arith.constant 0 : i32
        %dma_start3A_88 = tpu.memref_slice %arg4[%add3A, %add3A_76, %dma_start3A_87] : memref<32x80x128xi32, #tpu.memory_space<hbm>> -> memref<1x1x128xi32, #tpu.memory_space<hbm>>
        %dma_start3A_89 = tpu.memref_squeeze %dma_start3A_88 : memref<1x1x128xi32, #tpu.memory_space<hbm>> -> memref<128xi32, #tpu.memory_space<hbm>>
        tpu.enqueue_dma source(%dma_start3A_89 : memref<128xi32, #tpu.memory_space<hbm>>) target(%dma_start3A_86 : memref<128xi32, #tpu.memory_space<vmem>>) target_semaphore(%arg15 : memref<!tpu.dma_semaphore, #tpu.memory_space<semaphore_mem>>)
      } else {
      }
      %add3A_66 = arith.constant 1 : i32
      %add3A_67 = arith.addi %add3A_34, %add3A_66 : i32
      "tpu.region"() ({
        %run_scoped3A_75 = tpu.sem_alloc : memref<!tpu.dma_semaphore, #tpu.memory_space<semaphore_mem>>
        %dma_start3A_76 = arith.constant 0 : i32
        %dma_start3A_77 = tpu.memref_slice %arg7[%add3A_67, %dma_start3A_76] : memref<80x128xi32, #tpu.memory_space<vmem>> -> memref<1x128xi32, #tpu.memory_space<vmem>>
        %dma_start3A_78 = tpu.memref_squeeze %dma_start3A_77 : memref<1x128xi32, #tpu.memory_space<vmem>> -> memref<128xi32, #tpu.memory_space<vmem>>
        %dma_start3A_79 = arith.constant 0 : i32
        %dma_start3A_80 = arith.constant 0 : i32
        %dma_start3A_81 = tpu.memref_slice %arg11[%dma_start3A_79, %dma_start3A_80] : memref<10112x128xf32, #tpu.memory_space<vmem_shared>> -> memref<10112x128xf32, #tpu.memory_space<vmem_shared>>
        tpu.enqueue_indirect_dma source(%arg10 : memref<128x128xf32, #tpu.memory_space<vmem>>) target(%dma_start3A_81 : memref<10112x128xf32, #tpu.memory_space<vmem_shared>>) offsets(%dma_start3A_78 : memref<128xi32, #tpu.memory_space<vmem>>) semaphore(%run_scoped3A_75 : memref<!tpu.dma_semaphore, #tpu.memory_space<semaphore_mem>>) {add = true}
        %dma_wait3A_82 = arith.constant 0 : i32
        %dma_wait3A_83 = tpu.memref_slice %arg7[%add3A_67, %dma_wait3A_82] : memref<80x128xi32, #tpu.memory_space<vmem>> -> memref<1x128xi32, #tpu.memory_space<vmem>>
        %dma_wait3A_84 = tpu.memref_squeeze %dma_wait3A_83 : memref<1x128xi32, #tpu.memory_space<vmem>> -> memref<128xi32, #tpu.memory_space<vmem>>
        %dma_wait3A_85 = arith.constant 0 : i32
        %dma_wait3A_86 = arith.constant 0 : i32
        %dma_wait3A_87 = tpu.memref_slice %arg11[%dma_wait3A_85, %dma_wait3A_86] : memref<10112x128xf32, #tpu.memory_space<vmem_shared>> -> memref<10112x128xf32, #tpu.memory_space<vmem_shared>>
        tpu.wait_indirect_dma semaphore(%run_scoped3A_75 : memref<!tpu.dma_semaphore, #tpu.memory_space<semaphore_mem>>) src(%arg10 : memref<128x128xf32, #tpu.memory_space<vmem>>) dst(%dma_wait3A_87 : memref<10112x128xf32, #tpu.memory_space<vmem_shared>>)
        tpu.yield
      }) : () -> ()
      %add3A_68 = arith.constant 3 : i32
      %add3A_69 = arith.addi %add3A_34, %add3A_68 : i32
      %lt3A_70 = arith.constant 80 : i32
      %lt3A_71 = arith.cmpi slt, %add3A_69, %lt3A_70 : i32
      %convert_element_type3A_72 = arith.extui %lt3A_71 : i1 to i32
      %cond3A_73 = arith.constant 0 : i32
      %cond3A_74 = arith.cmpi ne, %convert_element_type3A_72, %cond3A_73 : i32
      scf.if %cond3A_74 {
        %add3A_75 = arith.constant 3 : i32
        %add3A_76 = arith.addi %add3A_34, %add3A_75 : i32
        %dma_wait3A_77 = arith.constant 1 : i32
        %dma_wait3A_78 = arith.constant 0 : i32
        %dma_wait3A_79 = tpu.memref_slice %arg8[%dma_wait3A_77, %dma_wait3A_78] : memref<2x128xi32, #tpu.memory_space<vmem>> -> memref<1x128xi32, #tpu.memory_space<vmem>>
        %dma_wait3A_80 = tpu.memref_squeeze %dma_wait3A_79 : memref<1x128xi32, #tpu.memory_space<vmem>> -> memref<128xi32, #tpu.memory_space<vmem>>
        %dma_wait3A_81 = arith.constant 0 : i32
        %dma_wait3A_82 = tpu.memref_slice %arg4[%add3A, %add3A_76, %dma_wait3A_81] : memref<32x80x128xi32, #tpu.memory_space<hbm>> -> memref<1x1x128xi32, #tpu.memory_space<hbm>>
        %dma_wait3A_83 = tpu.memref_squeeze %dma_wait3A_82 : memref<1x1x128xi32, #tpu.memory_space<hbm>> -> memref<128xi32, #tpu.memory_space<hbm>>
        %dma_wait3A_84 = arith.constant 0 : i32
        %dma_wait3A_85 = tpu.memref_slice %arg8[%dma_wait3A_77, %dma_wait3A_84] : memref<2x128xi32, #tpu.memory_space<vmem>> -> memref<1x128xi32, #tpu.memory_space<vmem>>
        %dma_wait3A_86 = tpu.memref_squeeze %dma_wait3A_85 : memref<1x128xi32, #tpu.memory_space<vmem>> -> memref<128xi32, #tpu.memory_space<vmem>>
        %dma_wait3A_87 = arith.constant 0 : i32
        %dma_wait3A_88 = tpu.memref_slice %arg4[%add3A, %add3A_76, %dma_wait3A_87] : memref<32x80x128xi32, #tpu.memory_space<hbm>> -> memref<1x1x128xi32, #tpu.memory_space<hbm>>
        %dma_wait3A_89 = tpu.memref_squeeze %dma_wait3A_88 : memref<1x1x128xi32, #tpu.memory_space<hbm>> -> memref<128xi32, #tpu.memory_space<hbm>>
        tpu.wait_dma2 semaphore(%arg15 : memref<!tpu.dma_semaphore, #tpu.memory_space<semaphore_mem>>) src(%dma_wait3A_89 : memref<128xi32, #tpu.memory_space<hbm>>) dst(%dma_wait3A_86 : memref<128xi32, #tpu.memory_space<vmem>>)
        %dma_start3A_90 = arith.constant 1 : i32
        %dma_start3A_91 = arith.constant 0 : i32
        %dma_start3A_92 = tpu.memref_slice %arg8[%dma_start3A_90, %dma_start3A_91] : memref<2x128xi32, #tpu.memory_space<vmem>> -> memref<1x128xi32, #tpu.memory_space<vmem>>
        %dma_start3A_93 = tpu.memref_squeeze %dma_start3A_92 : memref<1x128xi32, #tpu.memory_space<vmem>> -> memref<128xi32, #tpu.memory_space<vmem>>
        %dma_start3A_94 = arith.constant 0 : i32
        %dma_start3A_95 = arith.constant 0 : i32
        %dma_start3A_96 = tpu.memref_slice %arg2[%dma_start3A_94, %dma_start3A_95] : memref<10000x128xf32, #tpu.memory_space<hbm>> -> memref<10000x128xf32, #tpu.memory_space<hbm>>
        tpu.enqueue_indirect_dma source(%dma_start3A_96 : memref<10000x128xf32, #tpu.memory_space<hbm>>) target(%arg10 : memref<128x128xf32, #tpu.memory_space<vmem>>) offsets(%dma_start3A_93 : memref<128xi32, #tpu.memory_space<vmem>>) semaphore(%arg13 : memref<!tpu.dma_semaphore, #tpu.memory_space<semaphore_mem>>)
      } else {
      }
    }
    %scan3A_24 = arith.constant 40 : i32
    %barrier3A_25 = arith.constant 0 : index
    tpu.barrier barrier_id(%barrier3A_25)
    %mul3A_26 = arith.constant 632 : i32
    %mul3A_27 = arith.muli %arg1, %mul3A_26 : i32
    %mul3A_28 = arith.constant 632 : i32
    %mul3A_29 = arith.muli %arg1, %mul3A_28 : i32
    "tpu.region"() ({
      %run_scoped3A_30 = tpu.sem_alloc : memref<!tpu.dma_semaphore, #tpu.memory_space<semaphore_mem>>
      %dma_start3A_31 = arith.constant 0 : i32
      %dma_start3A_32 = tpu.memref_slice %arg6[%arg0, %mul3A_29, %dma_start3A_31] : memref<2x10112x128xf32, #tpu.memory_space<hbm>> -> memref<1x632x128xf32, #tpu.memory_space<hbm>>
      %dma_start3A_33 = tpu.memref_squeeze %dma_start3A_32 : memref<1x632x128xf32, #tpu.memory_space<hbm>> -> memref<632x128xf32, #tpu.memory_space<hbm>>
      %dma_start3A_34 = arith.constant 0 : i32
      %dma_start3A_35 = tpu.memref_slice %arg11[%mul3A_27, %dma_start3A_34] : memref<10112x128xf32, #tpu.memory_space<vmem_shared>> -> memref<632x128xf32, #tpu.memory_space<vmem_shared>>
      tpu.enqueue_dma source(%dma_start3A_35 : memref<632x128xf32, #tpu.memory_space<vmem_shared>>) target(%dma_start3A_33 : memref<632x128xf32, #tpu.memory_space<hbm>>) target_semaphore(%run_scoped3A_30 : memref<!tpu.dma_semaphore, #tpu.memory_space<semaphore_mem>>)
      %dma_wait3A = arith.constant 0 : i32
      %dma_wait3A_36 = tpu.memref_slice %arg6[%arg0, %mul3A_29, %dma_wait3A] : memref<2x10112x128xf32, #tpu.memory_space<hbm>> -> memref<1x632x128xf32, #tpu.memory_space<hbm>>
      %dma_wait3A_37 = tpu.memref_squeeze %dma_wait3A_36 : memref<1x632x128xf32, #tpu.memory_space<hbm>> -> memref<632x128xf32, #tpu.memory_space<hbm>>
      %dma_wait3A_38 = arith.constant 0 : i32
      %dma_wait3A_39 = tpu.memref_slice %arg11[%mul3A_27, %dma_wait3A_38] : memref<10112x128xf32, #tpu.memory_space<vmem_shared>> -> memref<632x128xf32, #tpu.memory_space<vmem_shared>>
      tpu.wait_dma2 semaphore(%run_scoped3A_30 : memref<!tpu.dma_semaphore, #tpu.memory_space<semaphore_mem>>) src(%dma_wait3A_39 : memref<632x128xf32, #tpu.memory_space<vmem_shared>>) dst(%dma_wait3A_37 : memref<632x128xf32, #tpu.memory_space<hbm>>)
      tpu.yield
    }) : () -> ()
    return
  }
}

module attributes {stable_mosaic.version = 14 : i64} {
  func.func @_prep_body(%arg0: memref<2x10112x1xf32, #tpu.memory_space<vmem>>, %arg1: memref<10000x128xf32, #tpu.memory_space<vmem>>, %arg2: memref<10000x128xf32, #tpu.memory_space<vmem>>, %arg3: memref<10000x1xf32, #tpu.memory_space<vmem>>, %arg4: memref<10000x1xf32, #tpu.memory_space<vmem>>) attributes {dimension_semantics = [], scalar_prefetch = 0 : i64, scratch_operands = 0 : i64, tpu.core_type = #tpu.core_type<tc>} {
    %get3A = arith.constant 0 : index
    %get3A_0 = arith.constant 0 : index
    %get3A_1 = arith.constant 0 : index
    %get3A_2 = vector.load %arg0[%get3A, %get3A_0, %get3A_1] : memref<2x10112x1xf32, #tpu.memory_space<vmem>>, vector<1x10000x1xf32>
    %get3A_3 = vector.shape_cast %get3A_2 : vector<1x10000x1xf32> to vector<10000x1xf32>
    %get3A_4 = arith.constant 1 : index
    %get3A_5 = arith.constant 0 : index
    %get3A_6 = arith.constant 0 : index
    %get3A_7 = vector.load %arg0[%get3A_4, %get3A_5, %get3A_6] : memref<2x10112x1xf32, #tpu.memory_space<vmem>>, vector<1x10000x1xf32>
    %get3A_8 = vector.shape_cast %get3A_7 : vector<1x10000x1xf32> to vector<10000x1xf32>
    %add3A = arith.addf %get3A_3, %get3A_8 : vector<10000x1xf32>
    %gt3A = arith.constant 0.000000e+00 : f32
    %gt3A_9 = vector.broadcast %gt3A : f32 to vector<10000x1xf32>
    %gt3A_10 = arith.cmpf ogt, %add3A, %gt3A_9 : vector<10000x1xf32>
    %rsqrt3A = math.rsqrt %add3A : vector<10000x1xf32>
    %jit3A = arith.constant 0.000000e+00 : f32
    %broadcast_in_dim3A = vector.broadcast %jit3A : f32 to vector<10000x1xf32>
    %select_n3A = arith.select %gt3A_10, %rsqrt3A, %broadcast_in_dim3A : vector<10000x1xi1>, vector<10000x1xf32>
    %mul3A = arith.mulf %select_n3A, %select_n3A : vector<10000x1xf32>
    %swap3A = arith.constant 0 : index
    %swap3A_11 = arith.constant 0 : index
    %swap3A_12 = vector.load %arg3[%swap3A, %swap3A_11] : memref<10000x1xf32, #tpu.memory_space<vmem>>, vector<10000x1xf32>
    tpu.vector_store %arg3[%swap3A, %swap3A_11], %mul3A {strides = array<i32>} : memref<10000x1xf32, #tpu.memory_space<vmem>>, vector<10000x1xf32>,
    %mul3A_13 = arith.mulf %add3A, %select_n3A : vector<10000x1xf32>
    %swap3A_14 = arith.constant 0 : index
    %swap3A_15 = arith.constant 0 : index
    %swap3A_16 = vector.load %arg4[%swap3A_14, %swap3A_15] : memref<10000x1xf32, #tpu.memory_space<vmem>>, vector<10000x1xf32>
    tpu.vector_store %arg4[%swap3A_14, %swap3A_15], %mul3A_13 {strides = array<i32>} : memref<10000x1xf32, #tpu.memory_space<vmem>>, vector<10000x1xf32>,
    %get3A_17 = arith.constant 0 : index
    %get3A_18 = arith.constant 0 : index
    %get3A_19 = vector.load %arg1[%get3A_17, %get3A_18] : memref<10000x128xf32, #tpu.memory_space<vmem>>, vector<10000x128xf32>
    %mul3A_20 = vector.broadcast %select_n3A : vector<10000x1xf32> to vector<10000x128xf32>
    %mul3A_21 = arith.mulf %get3A_19, %mul3A_20 : vector<10000x128xf32>
    %swap3A_22 = arith.constant 0 : index
    %swap3A_23 = arith.constant 0 : index
    %swap3A_24 = vector.load %arg2[%swap3A_22, %swap3A_23] : memref<10000x128xf32, #tpu.memory_space<vmem>>, vector<10000x128xf32>
    tpu.vector_store %arg2[%swap3A_22, %swap3A_23], %mul3A_21 {strides = array<i32>} : memref<10000x128xf32, #tpu.memory_space<vmem>>, vector<10000x128xf32>,
    return
  }
}

module attributes {stable_mosaic.version = 14 : i64} {
  func.func @_final_body(%arg0: memref<2x10112x128xf32, #tpu.memory_space<vmem>>, %arg1: memref<10000x1xf32, #tpu.memory_space<vmem>>, %arg2: memref<10000x128xf32, #tpu.memory_space<vmem>>, %arg3: memref<10000x128xf32, #tpu.memory_space<vmem>>, %arg4: memref<10000x1xf32, #tpu.memory_space<vmem>>, %arg5: memref<128x128xf32, #tpu.memory_space<vmem>>, %arg6: memref<1x128xf32, #tpu.memory_space<vmem>>, %arg7: memref<10000x128xf32, #tpu.memory_space<vmem>>) attributes {dimension_semantics = [], scalar_prefetch = 0 : i64, scratch_operands = 0 : i64, tpu.core_type = #tpu.core_type<tc>} {
    %get3A = arith.constant 0 : index
    %get3A_0 = arith.constant 0 : index
    %get3A_1 = arith.constant 0 : index
    %get3A_2 = vector.load %arg0[%get3A, %get3A_0, %get3A_1] : memref<2x10112x128xf32, #tpu.memory_space<vmem>>, vector<1x10000x128xf32>
    %get3A_3 = vector.shape_cast %get3A_2 : vector<1x10000x128xf32> to vector<10000x128xf32>
    %get3A_4 = arith.constant 1 : index
    %get3A_5 = arith.constant 0 : index
    %get3A_6 = arith.constant 0 : index
    %get3A_7 = vector.load %arg0[%get3A_4, %get3A_5, %get3A_6] : memref<2x10112x128xf32, #tpu.memory_space<vmem>>, vector<1x10000x128xf32>
    %get3A_8 = vector.shape_cast %get3A_7 : vector<1x10000x128xf32> to vector<10000x128xf32>
    %add3A = arith.addf %get3A_3, %get3A_8 : vector<10000x128xf32>
    %get3A_9 = arith.constant 0 : index
    %get3A_10 = arith.constant 0 : index
    %get3A_11 = vector.load %arg1[%get3A_9, %get3A_10] : memref<10000x1xf32, #tpu.memory_space<vmem>>, vector<10000x1xf32>
    %mul3A = vector.broadcast %get3A_11 : vector<10000x1xf32> to vector<10000x128xf32>
    %mul3A_12 = arith.mulf %add3A, %mul3A : vector<10000x128xf32>
    %get3A_13 = arith.constant 0 : index
    %get3A_14 = arith.constant 0 : index
    %get3A_15 = vector.load %arg2[%get3A_13, %get3A_14] : memref<10000x128xf32, #tpu.memory_space<vmem>>, vector<10000x128xf32>
    %add3A_16 = arith.addf %get3A_15, %mul3A_12 : vector<10000x128xf32>
    %get3A_17 = arith.constant 0 : index
    %get3A_18 = arith.constant 0 : index
    %get3A_19 = vector.load %arg3[%get3A_17, %get3A_18] : memref<10000x128xf32, #tpu.memory_space<vmem>>, vector<10000x128xf32>
    %get3A_20 = arith.constant 0 : index
    %get3A_21 = arith.constant 0 : index
    %get3A_22 = vector.load %arg4[%get3A_20, %get3A_21] : memref<10000x1xf32, #tpu.memory_space<vmem>>, vector<10000x1xf32>
    %mul3A_23 = vector.broadcast %get3A_22 : vector<10000x1xf32> to vector<10000x128xf32>
    %mul3A_24 = arith.mulf %mul3A_23, %add3A_16 : vector<10000x128xf32>
    %add3A_25 = arith.addf %get3A_19, %mul3A_24 : vector<10000x128xf32>
    %mul3A_26 = arith.constant 2.500000e-01 : f32
    %mul3A_27 = vector.broadcast %mul3A_26 : f32 to vector<10000x128xf32>
    %mul3A_28 = arith.mulf %add3A_25, %mul3A_27 : vector<10000x128xf32>
    %get3A_29 = arith.constant 0 : index
    %get3A_30 = arith.constant 0 : index
    %get3A_31 = vector.load %arg5[%get3A_29, %get3A_30] : memref<128x128xf32, #tpu.memory_space<vmem>>, vector<128x128xf32>
    %dot_general3A = arith.constant dense<0.000000e+00> : vector<10000x128xf32>
    %dot_general3A_32 = tpu.matmul %mul3A_28, %get3A_31, %dot_general3A {dimension_numbers = #tpu.dot_dimension_numbers<[1], [1], [0], [0], [0, 0, 1, 0], [], []>, transpose_lhs_hint = false} : vector<10000x128xf32>, vector<128x128xf32>, vector<10000x128xf32> -> vector<10000x128xf32>
    %get3A_33 = arith.constant 0 : index
    %get3A_34 = arith.constant 0 : index
    %get3A_35 = vector.load %arg6[%get3A_33, %get3A_34] : memref<1x128xf32, #tpu.memory_space<vmem>>, vector<1x128xf32>
    %add3A_36 = vector.broadcast %get3A_35 : vector<1x128xf32> to vector<10000x128xf32>
    %add3A_37 = arith.addf %dot_general3A_32, %add3A_36 : vector<10000x128xf32>
    %swap3A = arith.constant 0 : index
    %swap3A_38 = arith.constant 0 : index
    %swap3A_39 = vector.load %arg7[%swap3A, %swap3A_38] : memref<10000x128xf32, #tpu.memory_space<vmem>>, vector<10000x128xf32>
    tpu.vector_store %arg7[%swap3A, %swap3A_38], %add3A_37 {strides = array<i32>} : memref<10000x128xf32, #tpu.memory_space<vmem>>, vector<10000x128xf32>,
    return
  }
}

module attributes {stable_mosaic.version = 14 : i64} {
  func.func @_combine_body(%arg0: memref<2x10112x128xf32, #tpu.memory_space<vmem>>, %arg1: memref<10000x1xf32, #tpu.memory_space<vmem>>, %arg2: memref<10000x128xf32, #tpu.memory_space<vmem>>, %arg3: memref<10000x128xf32, #tpu.memory_space<vmem>>, %arg4: memref<10000x128xf32, #tpu.memory_space<vmem>>) attributes {dimension_semantics = [], scalar_prefetch = 0 : i64, scratch_operands = 0 : i64, tpu.core_type = #tpu.core_type<tc>} {
    %get3A = arith.constant 0 : index
    %get3A_0 = arith.constant 0 : index
    %get3A_1 = arith.constant 0 : index
    %get3A_2 = vector.load %arg0[%get3A, %get3A_0, %get3A_1] : memref<2x10112x128xf32, #tpu.memory_space<vmem>>, vector<1x10000x128xf32>
    %get3A_3 = vector.shape_cast %get3A_2 : vector<1x10000x128xf32> to vector<10000x128xf32>
    %get3A_4 = arith.constant 1 : index
    %get3A_5 = arith.constant 0 : index
    %get3A_6 = arith.constant 0 : index
    %get3A_7 = vector.load %arg0[%get3A_4, %get3A_5, %get3A_6] : memref<2x10112x128xf32, #tpu.memory_space<vmem>>, vector<1x10000x128xf32>
    %get3A_8 = vector.shape_cast %get3A_7 : vector<1x10000x128xf32> to vector<10000x128xf32>
    %add3A = arith.addf %get3A_3, %get3A_8 : vector<10000x128xf32>
    %get3A_9 = arith.constant 0 : index
    %get3A_10 = arith.constant 0 : index
    %get3A_11 = vector.load %arg1[%get3A_9, %get3A_10] : memref<10000x1xf32, #tpu.memory_space<vmem>>, vector<10000x1xf32>
    %mul3A = vector.broadcast %get3A_11 : vector<10000x1xf32> to vector<10000x128xf32>
    %mul3A_12 = arith.mulf %add3A, %mul3A : vector<10000x128xf32>
    %swap3A = arith.constant 0 : index
    %swap3A_13 = arith.constant 0 : index
    %swap3A_14 = vector.load %arg3[%swap3A, %swap3A_13] : memref<10000x128xf32, #tpu.memory_space<vmem>>, vector<10000x128xf32>
    tpu.vector_store %arg3[%swap3A, %swap3A_13], %mul3A_12 {strides = array<i32>} : memref<10000x128xf32, #tpu.memory_space<vmem>>, vector<10000x128xf32>,
    %get3A_15 = arith.constant 0 : index
    %get3A_16 = arith.constant 0 : index
    %get3A_17 = vector.load %arg2[%get3A_15, %get3A_16] : memref<10000x128xf32, #tpu.memory_space<vmem>>, vector<10000x128xf32>
    %add3A_18 = arith.addf %get3A_17, %mul3A_12 : vector<10000x128xf32>
    %swap3A_19 = arith.constant 0 : index
    %swap3A_20 = arith.constant 0 : index
    %swap3A_21 = vector.load %arg4[%swap3A_19, %swap3A_20] : memref<10000x128xf32, #tpu.memory_space<vmem>>, vector<10000x128xf32>
    tpu.vector_store %arg4[%swap3A_19, %swap3A_20], %add3A_18 {strides = array<i32>} : memref<10000x128xf32, #tpu.memory_space<vmem>>, vector<10000x128xf32>,
    return
  }
}

</mosaic_0001>

<sc_bundles>
// kernel: kernel.10.cloned.1.call-start
scs
__scs_entry_jumppad:
0x0: {  	(pc) =	sbr.rel $0x88, $3  }
0x1: {  	(tag) =	ssettag $0x0;
	lr =	simm.s32 $0x1  }
0x2: {  	[smem:$0x3F9D] =	sst lr;
	_ =	strace $0xD0000000  }
0x3: {  	_ = 	snop  }
0x4: {  	_ = 	snop  }
0x5: {  	_ = 	snop  }
0x6: {  	_ = 	snop  }
0x7: {  	_ = 	snop  }
__scs_overlays_trampoline_lowered:
0x8: {  	[smem:$0x3FAC] =	sst s0  }
0x9: {  	[smem:$0x3FAD] =	sst s1  }
0xa: {  	[smem:$0x3FAE] =	sst s2  }
0xb: {  	[smem:$0x3FAF] =	sst s3  }
0xc: {  	[smem:$0x3FB0] =	sst s4  }
0xd: {  	[smem:$0x3FB1] =	sst s5  }
0xe: {  	[smem:$0x3FB2] =	sst s6  }
0xf: {  	[smem:$0x3FB3] =	sst s7  }
0x10: {  	[smem:$0x3FB4] =	sst s8  }
0x11: {  	[smem:$0x3FB5] =	sst s9;
	s0 =	simm.s32 @!p0 $0x0  }
0x12: {  	s1 =	sld [smem:$0x3F9B];
	s0 =	simm.s32 @p0 $0x1  }
0x13: {  	[smem:$0x3FB6] =	sst s0;
	s0 =	simm.s32 @!p1 $0x0  }
0x14: {  	s2 =	sld [smem:$0x3F9A];
	s0 =	simm.s32 @p1 $0x1  }
0x15: {  	[smem:$0x3FB7] =	sst s0;
	s0 =	simm.s32 @!p2 $0x0  }
0x16: {  	s3 =	sld [smem:$0x3FDB];
	s0 =	simm.s32 @p2 $0x1  }
0x17: {  	s4 =	simm.s32 $0x1BF5;
	[smem:$0x3FB9] =	sst s0  }
0x18: {  	s0 =	sld [smem:$0x3F9C];
	_ =	swait.ge [sflag:s4], $0x0  }
0x19: {  	s7 =	sld [smem:$0x3F9D]  }
0x1a: {  	s8 =	sadd.s32 $0xFFFFE003, lr  }
0x1b: {  	s9 =	sadd.s32 $0xFFFFFEF7, lr;
	s5 =	simm.s32 $0xFFFFFFFF;
	p2 =	slt.u32 s8, $0xFFFFF086  }
0x1c: {  	p1 =	slt.u32 s9, $0xF7A;
	s5 =	simm.s32 @!p2 $0x0  }
0x1d: {  	s5 =	simm.s32 @p1 $0x1;
	p0 =	seq.s32 s7, s2  }
0x1e: {  	s7 =	smul.u32 @!p0 $0xF7A, s2;
	p2 =	seq.s32 @!p0 s5, $0x0  }
0x1f: {  	s9 =	smul.u32 $0xF7A, s1;
	s8 =	simm.s32 @!p0 $0x1BF5;
	p2 =	por !p2, p0  }
0x20: {  	[sflag:s8] =	ssyncset.s32 @!p0 $0xFFFFF086;
	s6 =	sadd.s32 @!p0 s3, s7;
	s7 =	simm.s32 @!p0 $0x108  }
0x21: {  	s3 =	sadd.s32 s3, s9;
	s6 =	sadd.s32 @!p0 $0x88, s6;
	s7 =	simm.s32 @p2 $0x1082  }
0x22: {  	[simem:s7], [sflag:s8] =	dma.local @!p0 [hbm:s6], $0xF7A  }
0x23: {  	s9 =	sor.u32 $0xD0000000, s2;
	s6 =	simm.s32 $0x108;
	_ =	swait.ge @!p0 [sflag:s8], $0x0  }
0x24: {  	s3 =	sadd.s32 $0x88, s3;
	s6 =	simm.s32 @!p1 $0x1082;
	[sflag:s4] =	ssyncset.s32 $0xFFFFF086  }
0x25: {  	[simem:s6], [sflag:s4] =	dma.local [hbm:s3], $0xF7A  }
0x26: {  	[smem:$0x3F9D] =	sst s1;
	(tag) =	ssettag s2;
	_ =	strace s9  }
0x27: {  	s1 =	sld [smem:$0x3FAD]  }
0x28: {  	s2 =	sld [smem:$0x3FAE]  }
0x29: {  	s4 =	sld [smem:$0x3FB0]  }
0x2a: {  	p0 =	seq.s32 s5, $0x0;
	s5 =	sld [smem:$0x3FB1]  }
0x2b: {  	s6 =	sld [smem:$0x3FB2]  }
0x2c: {  	s7 =	sld [smem:$0x3FB3]  }
0x2d: {  	s3 =	simm.s32 $0x108;
	s8 =	sld [smem:$0x3FB4]  }
0x2e: {  	s3 =	simm.s32 @!p0 $0x1082;
	s9 =	sld [smem:$0x3FB5]  }
0x2f: {  	lr =	sadd.s32 s0, s3;
	s0 =	sld [smem:$0x3FAC]  }
0x30: {  	s3 =	sld [smem:$0x3FAF]  }
0x31: {  	[smem:$0x3FB8] =	sst s10  }
0x32: {  	s10 =	sld [smem:$0x3FB6];
	_ =	sdelay $0x3  }
0x33: {  	p0 =	seq.s32 s10, $0x1;
	s10 =	sld [smem:$0x3FB8];
	_ =	sdelay $0x3  }
0x34: {  	[smem:$0x3FB8] =	sst s10  }
0x35: {  	s10 =	sld [smem:$0x3FB7];
	_ =	sdelay $0x3  }
0x36: {  	p1 =	seq.s32 s10, $0x1;
	s10 =	sld [smem:$0x3FB8];
	_ =	sdelay $0x3  }
0x37: {  	[smem:$0x3FB8] =	sst s10  }
0x38: {  	s10 =	sld [smem:$0x3FB9]  }
0x39: {  	_ = 	snop;
	(pc) =	sbr.ind lr, $3  }
0x3a: {  	_ = 	snop  }
0x3b: {  	_ = 	snop  }
0x3c: {  	p2 =	seq.s32 s10, $0x1;
	s10 =	sld [smem:$0x3FB8]  }
0x3d: {  	_ =	shalt  }
0x3e: {  	_ =	shalt  }
0x3f: {  	_ =	shalt  }
0x40: {  	_ =	shalt  }
0x41: {  	_ =	shalt  }
0x42: {  	_ =	shalt  }
0x43: {  	_ =	shalt  }
0x44: {  	_ =	shalt  }
0x45: {  	_ =	shalt  }
0x46: {  	_ =	shalt  }
0x47: {  	_ =	shalt  }
0x48: {  	_ =	shalt  }
0x49: {  	_ =	shalt  }
0x4a: {  	_ =	shalt  }
0x4b: {  	_ =	shalt  }
0x4c: {  	_ =	shalt  }
0x4d: {  	_ =	shalt  }
0x4e: {  	_ =	shalt  }
0x4f: {  	_ =	shalt  }
0x50: {  	_ =	shalt  }
0x51: {  	_ =	shalt  }
0x52: {  	_ =	shalt  }
0x53: {  	_ =	shalt  }
0x54: {  	_ =	shalt  }
0x55: {  	_ =	shalt  }
0x56: {  	_ =	shalt  }
0x57: {  	_ =	shalt  }
0x58: {  	_ =	shalt  }
0x59: {  	_ =	shalt  }
0x5a: {  	_ =	shalt  }
0x5b: {  	_ =	shalt  }
0x5c: {  	_ =	shalt  }
0x5d: {  	_ =	shalt  }
0x5e: {  	_ =	shalt  }
0x5f: {  	_ =	shalt  }
0x60: {  	_ =	shalt  }
0x61: {  	_ =	shalt  }
0x62: {  	_ =	shalt  }
0x63: {  	_ =	shalt  }
0x64: {  	_ =	shalt  }
0x65: {  	_ =	shalt  }
0x66: {  	_ =	shalt  }
0x67: {  	_ =	shalt  }
0x68: {  	_ =	shalt  }
0x69: {  	_ =	shalt  }
0x6a: {  	_ =	shalt  }
0x6b: {  	_ =	shalt  }
0x6c: {  	_ =	shalt  }
0x6d: {  	_ =	shalt  }
0x6e: {  	_ =	shalt  }
0x6f: {  	_ =	shalt  }
0x70: {  	_ =	shalt  }
0x71: {  	_ =	shalt  }
0x72: {  	_ =	shalt  }
0x73: {  	_ =	shalt  }
0x74: {  	_ =	shalt  }
0x75: {  	_ =	shalt  }
0x76: {  	_ =	shalt  }
0x77: {  	_ =	shalt  }
0x78: {  	_ =	shalt  }
0x79: {  	_ =	shalt  }
0x7a: {  	_ =	shalt  }
0x7b: {  	_ =	shalt  }
0x7c: {  	_ =	shalt  }
0x7d: {  	_ =	shalt  }
0x7e: {  	_ =	shalt  }
0x7f: {  	_ =	shalt  }
0x80: {  	_ =	shalt  }
0x81: {  	_ =	shalt  }
0x82: {  	_ =	shalt  }
0x83: {  	_ =	shalt  }
0x84: {  	_ =	shalt  }
0x85: {  	_ =	shalt  }
0x86: {  	_ =	shalt  }
0x87: {  	_ =	shalt  }
.Lfunc_end0:
.L_simem_size_0:
called_computation_lowered:
.L_overlay_start_0:
0x88: {  	s2 =	sld [smem:$0x3FD9]  }
0x89: {  	s3 =	sld [smem:$0x3FFE];
	_ =	sdelay $0x1  }
0x8a: {  	s1 =	srdreg.scid  }
0x8b: {  	s0 =	sand.u32 $0x1, s1  }
0x8c: {  	s17 =	sshll.u32 s0, $0xA;
	s2 =	sadd.s32 s3, s2  }
0x8d: {  	s2 =	sadd.s32 s2, s17  }
0x8e: {  	[smem:$0x3FC4] =	sst s2  }
0x8f: {  	_ = 	snop  }
0x90: {  	s2 =	sld [smem:$0x3FD0];
	(tm) =	ssettm $0x1  }
0x91: {  	s18 =	sld [smem:$0x3FFB];
	_ =	sdelay $0x3  }
0x92: {  	_ =	strace s18  }
0x93: {  	s3 =	sld [smem:$0x3FFC];
	_ =	sdelay $0x3  }
0x94: {  	_ =	strace s3  }
0x95: {  	s3 =	sld [smem:$0x3FFD];
	_ =	sdelay $0x3  }
0x96: {  	_ =	strace s3  }
0x97: {  	_ =	strace $0x8FFFFFFF  }
0x98: {  	s19 =	sld [smem:$0x3FDB];
	_ =	sdelay $0x1  }
0x99: {  	s4 =	simm.s32 $_scs_section_size  }
0x9a: {  	s5 =	simm.s32 $_size__tile_overlayer_lowered;
	s6 =	simm.s32 $_tile_overlayer_lowered  }
0x9b: {  	s22 =	simm.s32 $0x1BFF;
	s21 =	sshll.u32 s6, $0x1;
	s3 =	sadd.s32 s4, s19  }
0x9c: {  	s7 =	simm.s32 $0x0;
	s20 =	sshll.u32 s5, $0x1;
	s5 =	sadd.s32 s21, s3  }
0x9d: {  	[timem:s7], [sflag:s22] =	dma.local [hbm:s5], s20  }
0x9e: {  	_ =	swait.ge [sflag:s22], s20  }
0x9f: {  	s4 =	ssub.s32 $0x0, s20;
	[sflag:s22] =	ssyncset.done $0x0  }
0xa0: {  	[sflag:s22] =	ssyncadd.s32 s4;
	_ =	sdelay $0x1  }
0xa1: {  	s23 =	simm.s32 $0x1B8B  }
0xa2: {  	_ =	swait.ge [sflag:s23], $0x1  }
0xa3: {  	[sflag:s23] =	ssyncset.done $0x0  }
0xa4: {  	s25 =	simm.s32 $0x1B8E;
	s24 =	sld [smem:$0x3FFE];
	[sflag:s23] =	ssyncadd.s32 $0xFFFFFFFF  }
0xa5: {  	s26 =	simm.s32 $execute0_lowered;
	[smem:$0x3FD2] =	sst s25  }
0xa6: {  	s5 =	sshll.u32 s26, $0x1;
	_ =	strace $0x80000046;
	[dreg:$0x1] =	wrdreg $0xFFFFFFFF  }
0xa7: {  	s28 =	simm.s32 $_size_execute0_lowered;
	s3 =	sadd.s32 s3, s5;
	[dreg:$0x0] =	wrdreg $0x0  }
0xa8: {  	s5 =	sshll.u32 s28, $0x1;
	[dreg:$0x2] =	wrdreg s3  }
0xa9: {  	[dreg:$0x3] =	wrdreg s5  }
0xaa: {  	[dreg:$0x4] =	wrdreg $0xC0  }
0xab: {  	_ =	task [dreg:s7], $0x5FFFF  }
0xac: {  	[dreg:$0x1] =	wrdreg $0xFFFFFFFF  }
0xad: {  	[dreg:$0x0] =	wrdreg $0x60  }
0xae: {  	[dreg:$0x2] =	wrdreg s24  }
0xaf: {  	[dreg:$0x3] =	wrdreg s2  }
0xb0: {  	[dreg:$0x4] =	wrdreg $0x2B000  }
0xb1: {  	[dreg:$0x5] =	wrdreg $0x9  }
0xb2: {  	_ =	task.clear_ibuf [dreg:s7], $0x6FFFF;
	_ =	strace $0x90000046  }
0xb3: {  	s29 =	simm.s32 $0x9;
	_ =	strace $0x80000048  }
0xb4: {  	_ =	swait.ge [sflag:s29], $0x1  }
0xb5: {  	[sflag:s29] =	ssyncadd.s32 $0xFFFFFFFF  }
0xb6: {  	_ =	strace $0x90000048  }
0xb7: {  	_ =	sfence  }
0xb8: {  	s30 =	sld [smem:$0x0];
	_ =	sdelay $0x2  }
0xb9: {  	s31 =	sshll.u32 s1, $0xD;
	s1 =	sshrl.u32 s1, $0x2  }
0xba: {  	s3 =	sand.u32 $0x4000, s31;
	s1 =	sadd.s32 s1, s30  }
0xbb: {  	s0 =	sor.u32 s3, s0;
	s1 =	sshll.u32 s1, $0x11  }
0xbc: {  	s0 =	sor.u32 s1, s0  }
0xbd: {  	s0 =	sadd.s32 $0x8F2B, s0  }
0xbe: {  	[sflag:s0] =	ssyncadd.remote.s32 $0x1  }
0xbf: {  	_ =	sfence.sel $0xFFFF  }
0xc0: {  	[dreg:$0x0] =	wrdreg $0xFFFFFFFF;
	(pc) =	sbr.abs _section_cstart, $3  }
0xc1: {  	[dreg:$0x1] =	wrdreg $0xFFFFFFFF  }
0xc2: {  	_ =	task.clear_ibuf [dreg:s7], $0x2FFFF;
	_ =	strace $0x9FFFFFFF  }
0xc3: {  	(tm) =	ssettm $0x7FFFFFFF  }
tec
execute0_lowered:
.L_overlay_start_1:
0x0: {  	(tag) =	ssettag $0x1  }
0x1: {  	s3 =	rddreg [dreg:$0x0];
	s0 =	srdreg.scid  }
0x2: {  	s10 =	stileid.u32;
	s5 =	rddreg [dreg:$0x1]  }
0x3: {  	s1 =	rddreg [dreg:$0x2];
	s2 =	simm.s32 $0x0;
	s12 =	simm.s32 $0x0  }
0x4: {  	s6 =	sand.u32 $0x1, s0;
	s30 =	sshll.u32 s10, $0x1;
	s0 =	rddreg [dreg:$0x3]  }
0x5: {  	[smem:$0x7FF] =	sst s2;
	s8 =	smul.u32 $0xA00, s10;
	p0 =	sne.s32 s10, $0x0  }
0x6: {  	s10 =	simm.s32 $0x2800;
	s4 =	sor.u32 s6, s30;
	s7 =	ssub.s32 $0x2, s6  }
0x7: {  	_ =	strace $0x80000047;
	s6 =	sshll.u32 s6, $0x4;
	s11 =	sshrl.u32 @!p0 s1, $0x3  }
0x8: {  	s4 =	smul.u32 $0x500, s4;
	s9 =	sshrl.u32 s7, $0x1;
	s31 =	sshrl.u32 s8, $0x2  }
0x9: {  	s5 =	sadd.s32 s5, s6;
	s8 =	simm.s32 $0x2880;
	s7 =	ssub.s32 s7, s9  }
0xa: {  	s9 =	simm.s32 $0x80;
	s3 =	sadd.s32 s4, s3;
	s4 =	sadd.s32 s31, s1  }
0xb: {  	v0 =	vimm.f32 $1.000000000e+00;
	v1 =	vimm.f32 $0.0e+00;
	s6 =	smax.u32 s7, $0x1;
	s7 =	simm.s32 $0x1;
	s3 =	sadd.s32 $0x2600, s3  }
.LBB2_1:
0xc: {  	[tilespmem:$0x2800] =	vst v0  }
0xd: {  	[tilespmem:$0x2810] =	vst v0  }
0xe: {  	[tilespmem:$0x2820] =	vst v0  }
0xf: {  	[tilespmem:$0x2830] =	vst v0  }
0x10: {  	[tilespmem:$0x2840] =	vst v0  }
0x11: {  	[tilespmem:$0x2850] =	vst v0  }
0x12: {  	[tilespmem:$0x2860] =	vst v0  }
0x13: {  	[tilespmem:$0x2870] =	vst v0  }
0x14: {  	[tilespmem:$0x2880] =	vst v1  }
0x15: {  	[tilespmem:$0x2890] =	vst v1  }
0x16: {  	[tilespmem:$0x28A0] =	vst v1  }
0x17: {  	[tilespmem:$0x28B0] =	vst v1  }
0x18: {  	[tilespmem:$0x28C0] =	vst v1  }
0x19: {  	[tilespmem:$0x28D0] =	vst v1  }
0x1a: {  	[tilespmem:$0x28E0] =	vst v1  }
0x1b: {  	[tilespmem:$0x28F0] =	vst v1  }
0x1c: {  	[tilespmem:$0x2900] =	vst v1  }
0x1d: {  	[tilespmem:$0x2910] =	vst v1  }
0x1e: {  	[tilespmem:$0x2920] =	vst v1  }
0x1f: {  	[tilespmem:$0x2930] =	vst v1  }
0x20: {  	[tilespmem:$0x2940] =	vst v1  }
0x21: {  	[tilespmem:$0x2950] =	vst v1  }
0x22: {  	[tilespmem:$0x2960] =	vst v1  }
0x23: {  	[tilespmem:$0x2970] =	vst v1  }
0x24: {  	[tilespmem:$0x2980] =	vst v1  }
0x25: {  	[tilespmem:$0x2990] =	vst v1  }
0x26: {  	[tilespmem:$0x29A0] =	vst v1  }
0x27: {  	[tilespmem:$0x29B0] =	vst v1  }
0x28: {  	[tilespmem:$0x29C0] =	vst v1  }
0x29: {  	[tilespmem:$0x29D0] =	vst v1  }
0x2a: {  	[tilespmem:$0x29E0] =	vst v1  }
0x2b: {  	[tilespmem:$0x29F0] =	vst v1  }
0x2c: {  	[tilespmem:$0x2A00] =	vst v1  }
0x2d: {  	[tilespmem:$0x2A10] =	vst v1  }
0x2e: {  	[tilespmem:$0x2A20] =	vst v1  }
0x2f: {  	[tilespmem:$0x2A30] =	vst v1  }
0x30: {  	[tilespmem:$0x2A40] =	vst v1  }
0x31: {  	[tilespmem:$0x2A50] =	vst v1  }
0x32: {  	[tilespmem:$0x2A60] =	vst v1  }
0x33: {  	[tilespmem:$0x2A70] =	vst v1  }
0x34: {  	[tilespmem:$0x2A80] =	vst v1  }
0x35: {  	[tilespmem:$0x2A90] =	vst v1  }
0x36: {  	[tilespmem:$0x2AA0] =	vst v1  }
0x37: {  	[tilespmem:$0x2AB0] =	vst v1  }
0x38: {  	[tilespmem:$0x2AC0] =	vst v1  }
0x39: {  	[tilespmem:$0x2AD0] =	vst v1  }
0x3a: {  	[tilespmem:$0x2AE0] =	vst v1  }
0x3b: {  	[tilespmem:$0x2AF0] =	vst v1  }
0x3c: {  	[tilespmem:s2], [sflag:$0x1] =	stream.linear.gather [hbm4b:s3+s2], $0x2800, $0x38;
	[tilespmem:$0x2D80] =	vst v63  }
0x3d: {  	_ =	swait.ge [sflag:s7], $0x2800  }
0x3e: {  	[sflag:s7] =	ssyncset.done $0x0  }
0x3f: {  	[sflag:s7] =	ssyncadd.s32 $0xFFFFD800  }
0x40: {  	[spmem:s4] =	stream.linear.scatter [tilespmem:s8], [sflag:$0x1], $0x280, $0x38;
	[tilespmem:$0x2D80] =	vst v63  }
0x41: {  	_ =	swait.ge [sflag:s7], $0x280  }
0x42: {  	[sflag:s7] =	ssyncset.done $0x0  }
0x43: {  	[sflag:s7] =	ssyncadd.s32 $0xFFFFFD80  }
0x44: {  	s13 =	simm.s32 $0x0;
	[bflag:$0x0] =	sbarrier.arrive $0xFFFF  }
0x45: {  	[spmem:s1] =	stream.indirect.scatter.add.f32 [tilespmem:s10], [sflag:$0x1], $0x1, s13, s9, $0xb8;
	[tilespmem:$0x2D80] =	vst v63  }
0x46: {  	_ =	swait.ge [sflag:s7], $0x80  }
0x47: {  	s13 =	simm.s32 $0x200;
	[sflag:s7] =	ssyncset.done $0x0  }
.LBB2_2:
0x48: {  	s14 =	sshra.s32 s13, $0x2;
	[sflag:s7] =	ssyncadd.s32 $0xFFFFFF80;
	p1 =	sne.s32 s13, $0x9E00  }
0x49: {  	[spmem:s1] =	stream.indirect.scatter.add.f32 [tilespmem:s10], [sflag:$0x1], $0x1, s14, s9, $0xb8;
	[tilespmem:$0x2D80] =	vst v63  }
.Ltmp0:
0x4a: {  	_ = 	snop;
	(pc) =	sbr.rel @p1 .LBB2_2-.Ltmp0, $4  }
0x4b: {  	_ = 	snop  }
0x4c: {  	s13 =	sadd.s32 $0x200, s13  }
0x4d: {  	_ =	swait.ge [sflag:s7], $0x80  }
0x4e: {  	[sflag:s7] =	ssyncset.done $0x0  }
0x4f: {  	[sflag:s7] =	ssyncadd.s32 $0xFFFFFF80;
	s13 =	simm.s32 @!p0 $0x1;
	s12 =	sadd.s32 $0x1, s12  }
0x50: {  	s14 =	simm.s32 @!p0 $0x20;
	s15 =	simm.s32 @!p0 $0x10;
	p1 =	sne.s32 s12, s6  }
.Ltmp1:
0x51: {  	s16 =	simm.s32 @!p0 $0x1C01;
	[bflag:$0x0] =	sbarrier.arrive $0xFFFF;
	(pc) =	sbr.rel @p1 .LBB2_1-.Ltmp1, $4  }
0x52: {  	[hbm:s5@s14], [sflag:s16] =	dma.strided @!p0 [spmem:s11@s15], $0x500, s13, $0x10   }
0x53: {  	_ =	swait.ge @!p0 [sflag:s13], $0x500  }
0x54: {  	[sflag:s13] =	ssyncset.done @!p0 $0x0  }
0x55: {  	[sflag:s13] =	ssyncadd.s32 @!p0 $0xFFFFFB00  }
0x56: {  	_ =	sfence.sel $0x180000  }
0x57: {  	[bflag:$0x0] =	sbarrier.arrive $0xFFFF  }
0x58: {  	_ =	strace $0x90000047  }
0x59: {  	s0 =	sadd.s32 @!p0 $0x100000, s0;
	[bflag:$0x2] =	sbarrier.arrive $0xFFFF  }
0x5a: {  	[sflag:s0] =	ssyncadd.tile.s32 @!p0 $0x1;
	_ =	shalt  }
.Lfunc_end2:
_tile_overlayer_lowered:
.L_overlay_start_2:
0x5b: {  	(tag) =	ssettag $0x2  }
0x5c: {  	s0 =	rddreg [dreg:$0x0];
	s2 =	stileid.u32  }
0x5d: {  	s1 =	rddreg [dreg:$0x1];
	p0 =	sne.s32 s2, $0x0  }
0x5e: {  	s3 =	rddreg [dreg:$0x2];
	[bflag:$0x3] =	sbarrier.arrive $0xFFFF;
	s2 =	simm.s32 @!p0 $0x1C01  }
0x5f: {  	[timem:s3], [sflag:s2] =	dma.local @!p0 [hbm:s0], s1  }
0x60: {  	s0 =	simm.s32 @!p0 $0x1  }
0x61: {  	_ =	swait.ge @!p0 [sflag:s0], s1  }
0x62: {  	s1 =	ssub.s32 @!p0 $0x0, s1;
	[sflag:s0] =	ssyncset.done @!p0 $0x0  }
0x63: {  	[sflag:s0] =	ssyncadd.s32 @!p0 s1  }
0x64: {  	[bflag:$0x3] =	sbarrier.arrive $0xFFFF  }
0x65: {  	_ =	shalt  }

// kernel: kernel.13.cloned.1.call-start
scs
__scs_entry_jumppad:
0x0: {  	(pc) =	sbr.rel $0x88, $3  }
0x1: {  	(tag) =	ssettag $0x0;
	lr =	simm.s32 $0x1  }
0x2: {  	[smem:$0x3F9D] =	sst lr;
	_ =	strace $0xD0000000  }
0x3: {  	_ = 	snop  }
0x4: {  	_ = 	snop  }
0x5: {  	_ = 	snop  }
0x6: {  	_ = 	snop  }
0x7: {  	_ = 	snop  }
__scs_overlays_trampoline_lowered:
0x8: {  	[smem:$0x3FAC] =	sst s0  }
0x9: {  	[smem:$0x3FAD] =	sst s1  }
0xa: {  	[smem:$0x3FAE] =	sst s2  }
0xb: {  	[smem:$0x3FAF] =	sst s3  }
0xc: {  	[smem:$0x3FB0] =	sst s4  }
0xd: {  	[smem:$0x3FB1] =	sst s5  }
0xe: {  	[smem:$0x3FB2] =	sst s6  }
0xf: {  	[smem:$0x3FB3] =	sst s7  }
0x10: {  	[smem:$0x3FB4] =	sst s8  }
0x11: {  	[smem:$0x3FB5] =	sst s9;
	s0 =	simm.s32 @!p0 $0x0  }
0x12: {  	s1 =	sld [smem:$0x3F9B];
	s0 =	simm.s32 @p0 $0x1  }
0x13: {  	[smem:$0x3FB6] =	sst s0;
	s0 =	simm.s32 @!p1 $0x0  }
0x14: {  	s2 =	sld [smem:$0x3F9A];
	s0 =	simm.s32 @p1 $0x1  }
0x15: {  	[smem:$0x3FB7] =	sst s0;
	s0 =	simm.s32 @!p2 $0x0  }
0x16: {  	s3 =	sld [smem:$0x3FDB];
	s0 =	simm.s32 @p2 $0x1  }
0x17: {  	s4 =	simm.s32 $0x1BF5;
	[smem:$0x3FB9] =	sst s0  }
0x18: {  	s0 =	sld [smem:$0x3F9C];
	_ =	swait.ge [sflag:s4], $0x0  }
0x19: {  	s7 =	sld [smem:$0x3F9D]  }
0x1a: {  	s8 =	sadd.s32 $0xFFFFE003, lr  }
0x1b: {  	s9 =	sadd.s32 $0xFFFFFEF7, lr;
	s5 =	simm.s32 $0xFFFFFFFF;
	p2 =	slt.u32 s8, $0xFFFFF086  }
0x1c: {  	p1 =	slt.u32 s9, $0xF7A;
	s5 =	simm.s32 @!p2 $0x0  }
0x1d: {  	s5 =	simm.s32 @p1 $0x1;
	p0 =	seq.s32 s7, s2  }
0x1e: {  	s7 =	smul.u32 @!p0 $0xF7A, s2;
	p2 =	seq.s32 @!p0 s5, $0x0  }
0x1f: {  	s9 =	smul.u32 $0xF7A, s1;
	s8 =	simm.s32 @!p0 $0x1BF5;
	p2 =	por !p2, p0  }
0x20: {  	[sflag:s8] =	ssyncset.s32 @!p0 $0xFFFFF086;
	s6 =	sadd.s32 @!p0 s3, s7;
	s7 =	simm.s32 @!p0 $0x108  }
0x21: {  	s3 =	sadd.s32 s3, s9;
	s6 =	sadd.s32 @!p0 $0x88, s6;
	s7 =	simm.s32 @p2 $0x1082  }
0x22: {  	[simem:s7], [sflag:s8] =	dma.local @!p0 [hbm:s6], $0xF7A  }
0x23: {  	s9 =	sor.u32 $0xD0000000, s2;
	s6 =	simm.s32 $0x108;
	_ =	swait.ge @!p0 [sflag:s8], $0x0  }
0x24: {  	s3 =	sadd.s32 $0x88, s3;
	s6 =	simm.s32 @!p1 $0x1082;
	[sflag:s4] =	ssyncset.s32 $0xFFFFF086  }
0x25: {  	[simem:s6], [sflag:s4] =	dma.local [hbm:s3], $0xF7A  }
0x26: {  	[smem:$0x3F9D] =	sst s1;
	(tag) =	ssettag s2;
	_ =	strace s9  }
0x27: {  	s1 =	sld [smem:$0x3FAD]  }
0x28: {  	s2 =	sld [smem:$0x3FAE]  }
0x29: {  	s4 =	sld [smem:$0x3FB0]  }
0x2a: {  	p0 =	seq.s32 s5, $0x0;
	s5 =	sld [smem:$0x3FB1]  }
0x2b: {  	s6 =	sld [smem:$0x3FB2]  }
0x2c: {  	s7 =	sld [smem:$0x3FB3]  }
0x2d: {  	s3 =	simm.s32 $0x108;
	s8 =	sld [smem:$0x3FB4]  }
0x2e: {  	s3 =	simm.s32 @!p0 $0x1082;
	s9 =	sld [smem:$0x3FB5]  }
0x2f: {  	lr =	sadd.s32 s0, s3;
	s0 =	sld [smem:$0x3FAC]  }
0x30: {  	s3 =	sld [smem:$0x3FAF]  }
0x31: {  	[smem:$0x3FB8] =	sst s10  }
0x32: {  	s10 =	sld [smem:$0x3FB6];
	_ =	sdelay $0x3  }
0x33: {  	p0 =	seq.s32 s10, $0x1;
	s10 =	sld [smem:$0x3FB8];
	_ =	sdelay $0x3  }
0x34: {  	[smem:$0x3FB8] =	sst s10  }
0x35: {  	s10 =	sld [smem:$0x3FB7];
	_ =	sdelay $0x3  }
0x36: {  	p1 =	seq.s32 s10, $0x1;
	s10 =	sld [smem:$0x3FB8];
	_ =	sdelay $0x3  }
0x37: {  	[smem:$0x3FB8] =	sst s10  }
0x38: {  	s10 =	sld [smem:$0x3FB9]  }
0x39: {  	_ = 	snop;
	(pc) =	sbr.ind lr, $3  }
0x3a: {  	_ = 	snop  }
0x3b: {  	_ = 	snop  }
0x3c: {  	p2 =	seq.s32 s10, $0x1;
	s10 =	sld [smem:$0x3FB8]  }
0x3d: {  	_ =	shalt  }
0x3e: {  	_ =	shalt  }
0x3f: {  	_ =	shalt  }
0x40: {  	_ =	shalt  }
0x41: {  	_ =	shalt  }
0x42: {  	_ =	shalt  }
0x43: {  	_ =	shalt  }
0x44: {  	_ =	shalt  }
0x45: {  	_ =	shalt  }
0x46: {  	_ =	shalt  }
0x47: {  	_ =	shalt  }
0x48: {  	_ =	shalt  }
0x49: {  	_ =	shalt  }
0x4a: {  	_ =	shalt  }
0x4b: {  	_ =	shalt  }
0x4c: {  	_ =	shalt  }
0x4d: {  	_ =	shalt  }
0x4e: {  	_ =	shalt  }
0x4f: {  	_ =	shalt  }
0x50: {  	_ =	shalt  }
0x51: {  	_ =	shalt  }
0x52: {  	_ =	shalt  }
0x53: {  	_ =	shalt  }
0x54: {  	_ =	shalt  }
0x55: {  	_ =	shalt  }
0x56: {  	_ =	shalt  }
0x57: {  	_ =	shalt  }
0x58: {  	_ =	shalt  }
0x59: {  	_ =	shalt  }
0x5a: {  	_ =	shalt  }
0x5b: {  	_ =	shalt  }
0x5c: {  	_ =	shalt  }
0x5d: {  	_ =	shalt  }
0x5e: {  	_ =	shalt  }
0x5f: {  	_ =	shalt  }
0x60: {  	_ =	shalt  }
0x61: {  	_ =	shalt  }
0x62: {  	_ =	shalt  }
0x63: {  	_ =	shalt  }
0x64: {  	_ =	shalt  }
0x65: {  	_ =	shalt  }
0x66: {  	_ =	shalt  }
0x67: {  	_ =	shalt  }
0x68: {  	_ =	shalt  }
0x69: {  	_ =	shalt  }
0x6a: {  	_ =	shalt  }
0x6b: {  	_ =	shalt  }
0x6c: {  	_ =	shalt  }
0x6d: {  	_ =	shalt  }
0x6e: {  	_ =	shalt  }
0x6f: {  	_ =	shalt  }
0x70: {  	_ =	shalt  }
0x71: {  	_ =	shalt  }
0x72: {  	_ =	shalt  }
0x73: {  	_ =	shalt  }
0x74: {  	_ =	shalt  }
0x75: {  	_ =	shalt  }
0x76: {  	_ =	shalt  }
0x77: {  	_ =	shalt  }
0x78: {  	_ =	shalt  }
0x79: {  	_ =	shalt  }
0x7a: {  	_ =	shalt  }
0x7b: {  	_ =	shalt  }
0x7c: {  	_ =	shalt  }
0x7d: {  	_ =	shalt  }
0x7e: {  	_ =	shalt  }
0x7f: {  	_ =	shalt  }
0x80: {  	_ =	shalt  }
0x81: {  	_ =	shalt  }
0x82: {  	_ =	shalt  }
0x83: {  	_ =	shalt  }
0x84: {  	_ =	shalt  }
0x85: {  	_ =	shalt  }
0x86: {  	_ =	shalt  }
0x87: {  	_ =	shalt  }
.Lfunc_end0:
.L_simem_size_0:
called_computation.1_lowered:
.L_overlay_start_0:
0x88: {  	s2 =	sld [smem:$0x3FD9]  }
0x89: {  	s3 =	sld [smem:$0x3FFE];
	_ =	sdelay $0x1  }
0x8a: {  	s1 =	srdreg.scid  }
0x8b: {  	s0 =	sand.u32 $0x1, s1  }
0x8c: {  	s17 =	sshll.u32 s0, $0xA;
	s2 =	sadd.s32 s3, s2  }
0x8d: {  	s2 =	sadd.s32 s2, s17  }
0x8e: {  	[smem:$0x3FC4] =	sst s2  }
0x8f: {  	_ = 	snop  }
0x90: {  	s2 =	sld [smem:$0x3FD0];
	(tm) =	ssettm $0x1  }
0x91: {  	s18 =	sld [smem:$0x3FFB];
	_ =	sdelay $0x3  }
0x92: {  	_ =	strace s18  }
0x93: {  	s3 =	sld [smem:$0x3FFC];
	_ =	sdelay $0x3  }
0x94: {  	_ =	strace s3  }
0x95: {  	s3 =	sld [smem:$0x3FFD];
	_ =	sdelay $0x3  }
0x96: {  	_ =	strace s3  }
0x97: {  	_ =	strace $0x8FFFFFFF  }
0x98: {  	s19 =	sld [smem:$0x3FDB];
	_ =	sdelay $0x1  }
0x99: {  	s4 =	simm.s32 $_scs_section_size  }
0x9a: {  	s5 =	simm.s32 $_size__tile_overlayer_lowered;
	s6 =	simm.s32 $_tile_overlayer_lowered  }
0x9b: {  	s22 =	simm.s32 $0x1BFF;
	s21 =	sshll.u32 s6, $0x1;
	s3 =	sadd.s32 s4, s19  }
0x9c: {  	s7 =	simm.s32 $0x0;
	s20 =	sshll.u32 s5, $0x1;
	s5 =	sadd.s32 s21, s3  }
0x9d: {  	[timem:s7], [sflag:s22] =	dma.local [hbm:s5], s20  }
0x9e: {  	_ =	swait.ge [sflag:s22], s20  }
0x9f: {  	s4 =	ssub.s32 $0x0, s20;
	[sflag:s22] =	ssyncset.done $0x0  }
0xa0: {  	[sflag:s22] =	ssyncadd.s32 s4;
	_ =	sdelay $0x1  }
0xa1: {  	s23 =	simm.s32 $0x1B8B  }
0xa2: {  	_ =	swait.ge [sflag:s23], $0x1  }
0xa3: {  	[sflag:s23] =	ssyncset.done $0x0  }
0xa4: {  	s25 =	simm.s32 $0x1B8E;
	s24 =	sld [smem:$0x3FFE];
	[sflag:s23] =	ssyncadd.s32 $0xFFFFFFFF  }
0xa5: {  	s26 =	simm.s32 $execute0_lowered;
	[smem:$0x3FD2] =	sst s25  }
0xa6: {  	s5 =	sshll.u32 s26, $0x1;
	_ =	strace $0x80000049;
	[dreg:$0x1] =	wrdreg $0xFFFFFFFF  }
0xa7: {  	s28 =	simm.s32 $_size_execute0_lowered;
	s3 =	sadd.s32 s3, s5;
	[dreg:$0x0] =	wrdreg $0x0  }
0xa8: {  	s5 =	sshll.u32 s28, $0x1;
	[dreg:$0x2] =	wrdreg s3  }
0xa9: {  	[dreg:$0x3] =	wrdreg s5  }
0xaa: {  	[dreg:$0x4] =	wrdreg $0xC0  }
0xab: {  	_ =	task [dreg:s7], $0x5FFFF  }
0xac: {  	[dreg:$0x1] =	wrdreg $0xFFFFFFFF  }
0xad: {  	[dreg:$0x0] =	wrdreg $0x60  }
0xae: {  	[dreg:$0x2] =	wrdreg s2  }
0xaf: {  	[dreg:$0x3] =	wrdreg s24  }
0xb0: {  	[dreg:$0x4] =	wrdreg $0xA9000  }
0xb1: {  	[dreg:$0x5] =	wrdreg $0x9  }
0xb2: {  	_ =	task.clear_ibuf [dreg:s7], $0x6FFFF;
	_ =	strace $0x90000049  }
0xb3: {  	s29 =	simm.s32 $0x9;
	_ =	strace $0x8000004B  }
0xb4: {  	_ =	swait.ge [sflag:s29], $0x1  }
0xb5: {  	[sflag:s29] =	ssyncadd.s32 $0xFFFFFFFF  }
0xb6: {  	_ =	strace $0x9000004B  }
0xb7: {  	_ =	sfence  }
0xb8: {  	s30 =	sld [smem:$0x0];
	_ =	sdelay $0x2  }
0xb9: {  	s31 =	sshll.u32 s1, $0xD;
	s1 =	sshrl.u32 s1, $0x2  }
0xba: {  	s3 =	sand.u32 $0x4000, s31;
	s1 =	sadd.s32 s1, s30  }
0xbb: {  	s0 =	sor.u32 s3, s0;
	s1 =	sshll.u32 s1, $0x11  }
0xbc: {  	s0 =	sor.u32 s1, s0  }
0xbd: {  	s0 =	sadd.s32 $0x8F2B, s0  }
0xbe: {  	[sflag:s0] =	ssyncadd.remote.s32 $0x1  }
0xbf: {  	_ =	sfence.sel $0xFFFF  }
0xc0: {  	[dreg:$0x0] =	wrdreg $0xFFFFFFFF;
	(pc) =	sbr.abs _section_cstart, $3  }
0xc1: {  	[dreg:$0x1] =	wrdreg $0xFFFFFFFF  }
0xc2: {  	_ =	task.clear_ibuf [dreg:s7], $0x2FFFF;
	_ =	strace $0x9FFFFFFF  }
0xc3: {  	(tm) =	ssettm $0x7FFFFFFF  }
tec
execute0_lowered:
.L_overlay_start_1:
0x0: {  	(tag) =	ssettag $0x1  }
0x1: {  	s1 =	rddreg [dreg:$0x0]  }
0x2: {  	s0 =	srdreg.scid;
	s7 =	rddreg [dreg:$0x1]  }
0x3: {  	s12 =	stileid.u32;
	s3 =	rddreg [dreg:$0x2];
	s5 =	simm.s32 $0x0  }
0x4: {  	s15 =	simm.s32 $0x5;
	s16 =	simm.s32 $0x2800;
	s17 =	simm.s32 $0x2880  }
0x5: {  	s18 =	simm.s32 $0x2900;
	s19 =	simm.s32 $0x6900;
	s20 =	simm.s32 $0x1  }
0x6: {  	s21 =	simm.s32 $0x80;
	s22 =	simm.s32 $0x3;
	s23 =	simm.s32 $0x2  }
0x7: {  	s24 =	simm.s32 $0x4;
	s28 =	simm.s32 $0x0;
	s0 =	sand.u32 $0x1, s0  }
0x8: {  	s2 =	sshll.u32 s12, $0x1;
	s26 =	smul.u32 $0x13C00, s12;
	[smem:$0x7FF] =	sst s5  }
0x9: {  	s6 =	sadd.s32 $0xC600, s7;
	s29 =	smul.u32 $0x4F000, s12;
	s31 =	sshll.u32 s12, $0x6  }
0xa: {  	s2 =	sor.u32 s0, s2;
	s8 =	smul.u32 $0x13C000, s0;
	_ =	strace $0x8000004A  }
0xb: {  	s0 =	ssub.s32 $0x2, s0;
	s4 =	smul.u32 $0x2800, s2;
	s11 =	sshrl.u32 s26, $0x3  }
0xc: {  	s30 =	sshrl.u32 s0, $0x1;
	s2 =	sadd.s32 s26, s8;
	s11 =	sadd.s32 s11, s7  }
0xd: {  	s8 =	sshrl.u32 s29, $0x2;
	s0 =	ssub.s32 s0, s30;
	s9 =	sshrl.u32 s4, $0x3  }
0xe: {  	s2 =	sshrl.u32 s2, $0x3;
	s14 =	sadd.s32 s8, s3;
	s8 =	sor.u32 $0x1C05, s31  }
0xf: {  	s13 =	smax.u32 s0, $0x1;
	s10 =	sadd.s32 s9, s7;
	s2 =	sadd.s32 s2, s7  }
0x10: {  	s7 =	sadd.s32 $0x16600, s11;
	s9 =	sadd.s32 s6, s9;
	s14 =	sshrl.u32 s14, $0x3  }
0x11: {  	s10 =	sadd.s32 $0x2600, s10;
	s11 =	sadd.s32 $0x10, s9;
	s12 =	sadd.s32 $0x3DE00, s2  }
.LBB2_1:
0x12: {  	[spmem:s14], [sflag:s8] =	dma.local [hbm:s7], $0x2780  }
0x13: {  	_ =	swait.ge [sflag:s15], $0x2780  }
0x14: {  	[sflag:s15] =	ssyncset.done $0x0  }
0x15: {  	[sflag:s15] =	ssyncadd.s32 $0xFFFFD880  }
0x16: {  	[tilespmem:s5], [sflag:$0x5] =	stream.linear.gather [hbm4b:s10+s5], $0x2800, $0x38;
	[tilespmem:$0x1E500] =	vst v63  }
0x17: {  	_ =	swait.ge [sflag:s15], $0x2800  }
0x18: {  	[sflag:s15] =	ssyncset.done $0x0  }
0x19: {  	[sflag:s15] =	ssyncadd.s32 $0xFFFFD800  }
0x1a: {  	[tilespmem:s16], [sflag:$0x5] =	stream.linear.gather [hbm4b:s9+s5], $0x80, $0x38;
	[tilespmem:$0x1E500] =	vst v63  }
0x1b: {  	_ =	swait.ge [sflag:s15], $0x80  }
0x1c: {  	[sflag:s15] =	ssyncset.done $0x0  }
0x1d: {  	[sflag:s15] =	ssyncadd.s32 $0xFFFFFF80  }
0x1e: {  	[tilespmem:s17], [sflag:$0x5] =	stream.linear.gather [hbm4b:s11+s5], $0x80, $0x38;
	[tilespmem:$0x1E500] =	vst v63  }
0x1f: {  	_ =	swait.ge [sflag:s15], $0x80  }
0x20: {  	[sflag:s15] =	ssyncset.done $0x0  }
0x21: {  	s0 =	simm.s32 $0x100;
	[sflag:s15] =	ssyncadd.s32 $0xFFFFFF80  }
0x22: {  	s2 =	sand.u32 $0x7C00, s0;
	[bflag:$0x0] =	sbarrier.arrive $0xFFFF  }
0x23: {  	[tilespmem:s18], [sflag:$0x1] =	stream.indirect.gather [hbm4b:s1+s21], $0x80, s16, s21, $0xb8;
	[tilespmem:$0x1E500] =	vst v63  }
0x24: {  	s0 =	sand.u32 $0x300, s0;
	s2 =	sadd.s32 s4, s2  }
0x25: {  	[tilespmem:s19], [sflag:$0x2] =	stream.indirect.gather [hbm4b:s1+s21], $0x80, s17, s21, $0xb8;
	[tilespmem:$0x1E500] =	vst v63  }
0x26: {  	s0 =	sor.u32 s0, s2;
	_ =	swait.ge [sflag:s20], $0x4000  }
0x27: {  	s0 =	sshrl.u32 s0, $0x3;
	[sflag:s20] =	ssyncset.done $0x0  }
0x28: {  	s0 =	sadd.s32 s6, s0;
	[sflag:s20] =	ssyncadd.s32 $0xFFFFC000  }
0x29: {  	[tilespmem:s16], [sflag:$0x3] =	stream.linear.gather [hbm4b:s0+s5], $0x80, $0x38;
	[tilespmem:$0x1E500] =	vst v63  }
0x2a: {  	s2 =	simm.s32 $0x0  }
0x2b: {  	[spmem:s3] =	stream.indirect.scatter.add.f32 [tilespmem:s18], [sflag:$0x5], $0x80, s2, s21, $0xb8;
	[tilespmem:$0x1E500] =	vst v63  }
0x2c: {  	_ =	swait.ge [sflag:s15], $0x4000  }
0x2d: {  	[sflag:s15] =	ssyncset.done $0x0  }
0x2e: {  	[sflag:s15] =	ssyncadd.s32 $0xFFFFC000  }
0x2f: {  	s25 =	simm.s32 $0x180;
	_ =	swait.ge [sflag:s22], $0x80  }
0x30: {  	s26 =	sand.u32 $0x7C00, s25;
	[sflag:s22] =	ssyncset.done $0x0  }
0x31: {  	s0 =	sand.u32 $0x380, s25;
	s2 =	sadd.s32 s4, s26;
	[sflag:s22] =	ssyncadd.s32 $0xFFFFFF80  }
0x32: {  	[tilespmem:s18], [sflag:$0x1] =	stream.indirect.gather [hbm4b:s1+s21], $0x80, s16, s21, $0xb8;
	[tilespmem:$0x1E500] =	vst v63  }
0x33: {  	s0 =	sor.u32 s0, s2;
	_ =	swait.ge [sflag:s23], $0x4000  }
0x34: {  	s0 =	sshrl.u32 s0, $0x3;
	[sflag:s23] =	ssyncset.done $0x0  }
0x35: {  	s0 =	sadd.s32 s6, s0;
	[sflag:s23] =	ssyncadd.s32 $0xFFFFC000  }
0x36: {  	[tilespmem:s17], [sflag:$0x4] =	stream.linear.gather [hbm4b:s0+s5], $0x80, $0x38;
	[tilespmem:$0x1E500] =	vst v63  }
0x37: {  	_ = 	snop  }
0x38: {  	[spmem:s3] =	stream.indirect.scatter.add.f32 [tilespmem:s19], [sflag:$0x5], $0x80, s21, s21, $0xb8;
	[tilespmem:$0x1E500] =	vst v63  }
0x39: {  	s30 =	simm.s32 $0x280;
	s31 =	simm.s32 $0x380;
	_ =	swait.ge [sflag:s15], $0x4000  }
0x3a: {  	s29 =	simm.s32 $0x180;
	s2 =	simm.s32 $0x200;
	[sflag:s15] =	ssyncset.done $0x0  }
.LBB2_2:
0x3b: {  	s25 =	sand.u32 $0x7C00, s2  }
0x3c: {  	[sflag:s15] =	ssyncadd.s32 $0xFFFFC000;
	s26 =	smov.u32 s31;
	s0 =	sadd.s32 $0x100, s31  }
0x3d: {  	s2 =	sand.u32 $0x300, s2;
	s25 =	sadd.s32 s4, s25;
	_ =	swait.ge [sflag:s24], $0x80  }
0x3e: {  	p0 =	sne.s32 s31, $0x2780;
	s2 =	sor.u32 s2, s25;
	[sflag:s24] =	ssyncset.done $0x0  }
0x3f: {  	s2 =	sshrl.u32 s2, $0x3;
	[sflag:s24] =	ssyncadd.s32 $0xFFFFFF80  }
0x40: {  	[tilespmem:s19], [sflag:$0x2] =	stream.indirect.gather [hbm4b:s1+s21], $0x80, s17, s21, $0xb8;
	[tilespmem:$0x1E500] =	vst v63  }
0x41: {  	_ =	swait.ge [sflag:s20], $0x4000  }
0x42: {  	[sflag:s20] =	ssyncset.done $0x0  }
0x43: {  	s2 =	sadd.s32 s6, s2;
	[sflag:s20] =	ssyncadd.s32 $0xFFFFC000  }
0x44: {  	[tilespmem:s16], [sflag:$0x3] =	stream.linear.gather [hbm4b:s2+s5], $0x80, $0x38;
	[tilespmem:$0x1E500] =	vst v63  }
0x45: {  	s2 =	sadd.s32 $0xFFFFFF80, s29  }
0x46: {  	[spmem:s3] =	stream.indirect.scatter.add.f32 [tilespmem:s18], [sflag:$0x5], $0x80, s2, s21, $0xb8;
	[tilespmem:$0x1E500] =	vst v63  }
0x47: {  	_ =	swait.ge [sflag:s15], $0x4000  }
0x48: {  	[sflag:s15] =	ssyncset.done $0x0  }
0x49: {  	[sflag:s15] =	ssyncadd.s32 $0xFFFFC000  }
0x4a: {  	_ =	swait.ge [sflag:s22], $0x80  }
0x4b: {  	[sflag:s22] =	ssyncset.done $0x0  }
0x4c: {  	s2 =	sand.u32 $0x7C00, s30;
	[sflag:s22] =	ssyncadd.s32 $0xFFFFFF80  }
0x4d: {  	[tilespmem:s18], [sflag:$0x1] =	stream.indirect.gather [hbm4b:s1+s21], $0x80, s16, s21, $0xb8;
	[tilespmem:$0x1E500] =	vst v63  }
0x4e: {  	s25 =	sand.u32 $0x380, s30;
	s30 =	smov.u32 s26;
	s2 =	sadd.s32 s4, s2  }
0x4f: {  	s2 =	sor.u32 s25, s2;
	_ =	swait.ge [sflag:s23], $0x4000  }
0x50: {  	s2 =	sshrl.u32 s2, $0x3;
	[sflag:s23] =	ssyncset.done $0x0  }
0x51: {  	s2 =	sadd.s32 s6, s2;
	[sflag:s23] =	ssyncadd.s32 $0xFFFFC000  }
0x52: {  	[tilespmem:s17], [sflag:$0x4] =	stream.linear.gather [hbm4b:s2+s5], $0x80, $0x38;
	[tilespmem:$0x1E500] =	vst v63  }
.Ltmp0:
0x53: {  	_ = 	snop;
	(pc) =	sbr.rel @p0 .LBB2_2-.Ltmp0, $4  }
0x54: {  	_ = 	snop  }
0x55: {  	[spmem:s3] =	stream.indirect.scatter.add.f32 [tilespmem:s19], [sflag:$0x5], $0x80, s29, s21, $0xb8;
	[tilespmem:$0x1E500] =	vst v63  }
0x56: {  	s31 =	smov.u32 s0;
	_ =	swait.ge [sflag:s15], $0x4000  }
0x57: {  	s2 =	sadd.s32 $0xFFFFFF80, s30;
	s29 =	sadd.s32 $0x100, s29;
	[sflag:s15] =	ssyncset.done $0x0  }
0x58: {  	[sflag:s15] =	ssyncadd.s32 $0xFFFFC000  }
0x59: {  	_ =	swait.ge [sflag:s24], $0x80  }
0x5a: {  	s0 =	sand.u32 $0x7C00, s2;
	[sflag:s24] =	ssyncset.done $0x0  }
0x5b: {  	s31 =	sand.u32 $0x300, s2;
	s0 =	sadd.s32 s4, s0;
	[sflag:s24] =	ssyncadd.s32 $0xFFFFFF80  }
0x5c: {  	[tilespmem:s19], [sflag:$0x2] =	stream.indirect.gather [hbm4b:s1+s21], $0x80, s17, s21, $0xb8;
	[tilespmem:$0x1E500] =	vst v63  }
0x5d: {  	s0 =	sor.u32 s31, s0;
	_ =	swait.ge [sflag:s20], $0x4000  }
0x5e: {  	s0 =	sshrl.u32 s0, $0x3;
	[sflag:s20] =	ssyncset.done $0x0  }
0x5f: {  	s0 =	sadd.s32 s6, s0;
	[sflag:s20] =	ssyncadd.s32 $0xFFFFC000  }
0x60: {  	[tilespmem:s16], [sflag:$0x3] =	stream.linear.gather [hbm4b:s0+s5], $0x80, $0x38;
	[tilespmem:$0x1E500] =	vst v63  }
0x61: {  	s2 =	sadd.s32 $0xFFFFFF80, s29  }
0x62: {  	[spmem:s3] =	stream.indirect.scatter.add.f32 [tilespmem:s18], [sflag:$0x5], $0x80, s2, s21, $0xb8;
	[tilespmem:$0x1E500] =	vst v63  }
0x63: {  	_ =	swait.ge [sflag:s15], $0x4000  }
0x64: {  	[sflag:s15] =	ssyncset.done $0x0  }
0x65: {  	[sflag:s15] =	ssyncadd.s32 $0xFFFFC000  }
0x66: {  	_ =	swait.ge [sflag:s22], $0x80  }
0x67: {  	s25 =	sand.u32 $0x7C00, s30;
	[sflag:s22] =	ssyncset.done $0x0  }
0x68: {  	s26 =	sand.u32 $0x380, s30;
	s0 =	sadd.s32 s4, s25;
	[sflag:s22] =	ssyncadd.s32 $0xFFFFFF80  }
0x69: {  	[tilespmem:s18], [sflag:$0x1] =	stream.indirect.gather [hbm4b:s1+s21], $0x80, s16, s21, $0xb8;
	[tilespmem:$0x1E500] =	vst v63  }
0x6a: {  	s0 =	sor.u32 s26, s0;
	_ =	swait.ge [sflag:s23], $0x4000  }
0x6b: {  	s0 =	sshrl.u32 s0, $0x3;
	[sflag:s23] =	ssyncset.done $0x0  }
0x6c: {  	s0 =	sadd.s32 s6, s0;
	[sflag:s23] =	ssyncadd.s32 $0xFFFFC000  }
0x6d: {  	[tilespmem:s17], [sflag:$0x4] =	stream.linear.gather [hbm4b:s0+s5], $0x80, $0x38;
	[tilespmem:$0x1E500] =	vst v63  }
0x6e: {  	_ = 	snop  }
0x6f: {  	[spmem:s3] =	stream.indirect.scatter.add.f32 [tilespmem:s19], [sflag:$0x5], $0x80, s29, s21, $0xb8;
	[tilespmem:$0x1E500] =	vst v63  }
0x70: {  	_ =	swait.ge [sflag:s15], $0x4000  }
0x71: {  	[sflag:s15] =	ssyncset.done $0x0  }
0x72: {  	[sflag:s15] =	ssyncadd.s32 $0xFFFFC000  }
0x73: {  	_ =	swait.ge [sflag:s24], $0x80  }
0x74: {  	[sflag:s24] =	ssyncset.done $0x0  }
0x75: {  	[sflag:s24] =	ssyncadd.s32 $0xFFFFFF80  }
0x76: {  	[tilespmem:s19], [sflag:$0x2] =	stream.indirect.gather [hbm4b:s1+s21], $0x80, s17, s21, $0xb8;
	[tilespmem:$0x1E500] =	vst v63  }
0x77: {  	_ =	swait.ge [sflag:s20], $0x4000  }
0x78: {  	[sflag:s20] =	ssyncset.done $0x0  }
0x79: {  	s30 =	simm.s32 $0x2700;
	[sflag:s20] =	ssyncadd.s32 $0xFFFFC000  }
0x7a: {  	[spmem:s3] =	stream.indirect.scatter.add.f32 [tilespmem:s18], [sflag:$0x5], $0x80, s30, s21, $0xb8;
	[tilespmem:$0x1E500] =	vst v63  }
0x7b: {  	_ =	swait.ge [sflag:s15], $0x4000  }
0x7c: {  	[sflag:s15] =	ssyncset.done $0x0  }
0x7d: {  	[sflag:s15] =	ssyncadd.s32 $0xFFFFC000  }
0x7e: {  	_ =	swait.ge [sflag:s23], $0x4000  }
0x7f: {  	[sflag:s23] =	ssyncset.done $0x0  }
0x80: {  	s31 =	simm.s32 $0x2780;
	[sflag:s23] =	ssyncadd.s32 $0xFFFFC000  }
0x81: {  	[spmem:s3] =	stream.indirect.scatter.add.f32 [tilespmem:s19], [sflag:$0x5], $0x80, s31, s21, $0xb8;
	[tilespmem:$0x1E500] =	vst v63  }
0x82: {  	_ =	swait.ge [sflag:s15], $0x4000  }
0x83: {  	s28 =	sadd.s32 $0x1, s28;
	[sflag:s15] =	ssyncset.done $0x0  }
0x84: {  	p0 =	sne.s32 s28, s13;
	[sflag:s15] =	ssyncadd.s32 $0xFFFFC000  }
.Ltmp1:
0x85: {  	[bflag:$0x0] =	sbarrier.arrive $0xFFFF;
	(pc) =	sbr.rel @p0 .LBB2_1-.Ltmp1, $4  }
0x86: {  	[hbm:s12], [sflag:s8] =	dma.local [spmem:s14], $0x2780  }
0x87: {  	_ =	swait.ge [sflag:s15], $0x2780  }
0x88: {  	[sflag:s15] =	ssyncset.done $0x0  }
0x89: {  	[sflag:s15] =	ssyncadd.s32 $0xFFFFD880  }
0x8a: {  	_ =	sfence.sel $0x180000  }
0x8b: {  	[bflag:$0x0] =	sbarrier.arrive $0xFFFF  }
0x8c: {  	_ =	strace $0x9000004A  }
0x8d: {  	s0 =	stileid.u32;
	[bflag:$0x2] =	sbarrier.arrive $0xFFFF  }
0x8e: {  	p0 =	sne.s32 s0, $0x0;
	s0 =	rddreg [dreg:$0x3]  }
0x8f: {  	s0 =	sadd.s32 @!p0 $0x100000, s0  }
0x90: {  	[sflag:s0] =	ssyncadd.tile.s32 @!p0 $0x1;
	_ =	shalt  }
.Lfunc_end2:
_tile_overlayer_lowered:
.L_overlay_start_2:
0x91: {  	(tag) =	ssettag $0x2  }
0x92: {  	s0 =	rddreg [dreg:$0x0];
	s2 =	stileid.u32  }
0x93: {  	s1 =	rddreg [dreg:$0x1];
	p0 =	sne.s32 s2, $0x0  }
0x94: {  	s3 =	rddreg [dreg:$0x2];
	[bflag:$0x3] =	sbarrier.arrive $0xFFFF;
	s2 =	simm.s32 @!p0 $0x1C05  }
0x95: {  	[timem:s3], [sflag:s2] =	dma.local @!p0 [hbm:s0], s1  }
0x96: {  	s0 =	simm.s32 @!p0 $0x5  }
0x97: {  	_ =	swait.ge @!p0 [sflag:s0], s1  }
0x98: {  	s1 =	ssub.s32 @!p0 $0x0, s1;
	[sflag:s0] =	ssyncset.done @!p0 $0x0  }
0x99: {  	[sflag:s0] =	ssyncadd.s32 @!p0 s1  }
0x9a: {  	[bflag:$0x3] =	sbarrier.arrive $0xFFFF  }
0x9b: {  	_ =	shalt  }

// kernel: kernel.16.cloned.1.call-start
scs
__scs_entry_jumppad:
0x0: {  	(pc) =	sbr.rel $0x88, $3  }
0x1: {  	(tag) =	ssettag $0x0;
	lr =	simm.s32 $0x1  }
0x2: {  	[smem:$0x3F9D] =	sst lr;
	_ =	strace $0xD0000000  }
0x3: {  	_ = 	snop  }
0x4: {  	_ = 	snop  }
0x5: {  	_ = 	snop  }
0x6: {  	_ = 	snop  }
0x7: {  	_ = 	snop  }
__scs_overlays_trampoline_lowered:
0x8: {  	[smem:$0x3FAC] =	sst s0  }
0x9: {  	[smem:$0x3FAD] =	sst s1  }
0xa: {  	[smem:$0x3FAE] =	sst s2  }
0xb: {  	[smem:$0x3FAF] =	sst s3  }
0xc: {  	[smem:$0x3FB0] =	sst s4  }
0xd: {  	[smem:$0x3FB1] =	sst s5  }
0xe: {  	[smem:$0x3FB2] =	sst s6  }
0xf: {  	[smem:$0x3FB3] =	sst s7  }
0x10: {  	[smem:$0x3FB4] =	sst s8  }
0x11: {  	[smem:$0x3FB5] =	sst s9;
	s0 =	simm.s32 @!p0 $0x0  }
0x12: {  	s1 =	sld [smem:$0x3F9B];
	s0 =	simm.s32 @p0 $0x1  }
0x13: {  	[smem:$0x3FB6] =	sst s0;
	s0 =	simm.s32 @!p1 $0x0  }
0x14: {  	s2 =	sld [smem:$0x3F9A];
	s0 =	simm.s32 @p1 $0x1  }
0x15: {  	[smem:$0x3FB7] =	sst s0;
	s0 =	simm.s32 @!p2 $0x0  }
0x16: {  	s3 =	sld [smem:$0x3FDB];
	s0 =	simm.s32 @p2 $0x1  }
0x17: {  	s4 =	simm.s32 $0x1BF5;
	[smem:$0x3FB9] =	sst s0  }
0x18: {  	s0 =	sld [smem:$0x3F9C];
	_ =	swait.ge [sflag:s4], $0x0  }
0x19: {  	s7 =	sld [smem:$0x3F9D]  }
0x1a: {  	s8 =	sadd.s32 $0xFFFFE003, lr  }
0x1b: {  	s9 =	sadd.s32 $0xFFFFFEF7, lr;
	s5 =	simm.s32 $0xFFFFFFFF;
	p2 =	slt.u32 s8, $0xFFFFF086  }
0x1c: {  	p1 =	slt.u32 s9, $0xF7A;
	s5 =	simm.s32 @!p2 $0x0  }
0x1d: {  	s5 =	simm.s32 @p1 $0x1;
	p0 =	seq.s32 s7, s2  }
0x1e: {  	s7 =	smul.u32 @!p0 $0xF7A, s2;
	p2 =	seq.s32 @!p0 s5, $0x0  }
0x1f: {  	s9 =	smul.u32 $0xF7A, s1;
	s8 =	simm.s32 @!p0 $0x1BF5;
	p2 =	por !p2, p0  }
0x20: {  	[sflag:s8] =	ssyncset.s32 @!p0 $0xFFFFF086;
	s6 =	sadd.s32 @!p0 s3, s7;
	s7 =	simm.s32 @!p0 $0x108  }
0x21: {  	s3 =	sadd.s32 s3, s9;
	s6 =	sadd.s32 @!p0 $0x88, s6;
	s7 =	simm.s32 @p2 $0x1082  }
0x22: {  	[simem:s7], [sflag:s8] =	dma.local @!p0 [hbm:s6], $0xF7A  }
0x23: {  	s9 =	sor.u32 $0xD0000000, s2;
	s6 =	simm.s32 $0x108;
	_ =	swait.ge @!p0 [sflag:s8], $0x0  }
0x24: {  	s3 =	sadd.s32 $0x88, s3;
	s6 =	simm.s32 @!p1 $0x1082;
	[sflag:s4] =	ssyncset.s32 $0xFFFFF086  }
0x25: {  	[simem:s6], [sflag:s4] =	dma.local [hbm:s3], $0xF7A  }
0x26: {  	[smem:$0x3F9D] =	sst s1;
	(tag) =	ssettag s2;
	_ =	strace s9  }
0x27: {  	s1 =	sld [smem:$0x3FAD]  }
0x28: {  	s2 =	sld [smem:$0x3FAE]  }
0x29: {  	s4 =	sld [smem:$0x3FB0]  }
0x2a: {  	p0 =	seq.s32 s5, $0x0;
	s5 =	sld [smem:$0x3FB1]  }
0x2b: {  	s6 =	sld [smem:$0x3FB2]  }
0x2c: {  	s7 =	sld [smem:$0x3FB3]  }
0x2d: {  	s3 =	simm.s32 $0x108;
	s8 =	sld [smem:$0x3FB4]  }
0x2e: {  	s3 =	simm.s32 @!p0 $0x1082;
	s9 =	sld [smem:$0x3FB5]  }
0x2f: {  	lr =	sadd.s32 s0, s3;
	s0 =	sld [smem:$0x3FAC]  }
0x30: {  	s3 =	sld [smem:$0x3FAF]  }
0x31: {  	[smem:$0x3FB8] =	sst s10  }
0x32: {  	s10 =	sld [smem:$0x3FB6];
	_ =	sdelay $0x3  }
0x33: {  	p0 =	seq.s32 s10, $0x1;
	s10 =	sld [smem:$0x3FB8];
	_ =	sdelay $0x3  }
0x34: {  	[smem:$0x3FB8] =	sst s10  }
0x35: {  	s10 =	sld [smem:$0x3FB7];
	_ =	sdelay $0x3  }
0x36: {  	p1 =	seq.s32 s10, $0x1;
	s10 =	sld [smem:$0x3FB8];
	_ =	sdelay $0x3  }
0x37: {  	[smem:$0x3FB8] =	sst s10  }
0x38: {  	s10 =	sld [smem:$0x3FB9]  }
0x39: {  	_ = 	snop;
	(pc) =	sbr.ind lr, $3  }
0x3a: {  	_ = 	snop  }
0x3b: {  	_ = 	snop  }
0x3c: {  	p2 =	seq.s32 s10, $0x1;
	s10 =	sld [smem:$0x3FB8]  }
0x3d: {  	_ =	shalt  }
0x3e: {  	_ =	shalt  }
0x3f: {  	_ =	shalt  }
0x40: {  	_ =	shalt  }
0x41: {  	_ =	shalt  }
0x42: {  	_ =	shalt  }
0x43: {  	_ =	shalt  }
0x44: {  	_ =	shalt  }
0x45: {  	_ =	shalt  }
0x46: {  	_ =	shalt  }
0x47: {  	_ =	shalt  }
0x48: {  	_ =	shalt  }
0x49: {  	_ =	shalt  }
0x4a: {  	_ =	shalt  }
0x4b: {  	_ =	shalt  }
0x4c: {  	_ =	shalt  }
0x4d: {  	_ =	shalt  }
0x4e: {  	_ =	shalt  }
0x4f: {  	_ =	shalt  }
0x50: {  	_ =	shalt  }
0x51: {  	_ =	shalt  }
0x52: {  	_ =	shalt  }
0x53: {  	_ =	shalt  }
0x54: {  	_ =	shalt  }
0x55: {  	_ =	shalt  }
0x56: {  	_ =	shalt  }
0x57: {  	_ =	shalt  }
0x58: {  	_ =	shalt  }
0x59: {  	_ =	shalt  }
0x5a: {  	_ =	shalt  }
0x5b: {  	_ =	shalt  }
0x5c: {  	_ =	shalt  }
0x5d: {  	_ =	shalt  }
0x5e: {  	_ =	shalt  }
0x5f: {  	_ =	shalt  }
0x60: {  	_ =	shalt  }
0x61: {  	_ =	shalt  }
0x62: {  	_ =	shalt  }
0x63: {  	_ =	shalt  }
0x64: {  	_ =	shalt  }
0x65: {  	_ =	shalt  }
0x66: {  	_ =	shalt  }
0x67: {  	_ =	shalt  }
0x68: {  	_ =	shalt  }
0x69: {  	_ =	shalt  }
0x6a: {  	_ =	shalt  }
0x6b: {  	_ =	shalt  }
0x6c: {  	_ =	shalt  }
0x6d: {  	_ =	shalt  }
0x6e: {  	_ =	shalt  }
0x6f: {  	_ =	shalt  }
0x70: {  	_ =	shalt  }
0x71: {  	_ =	shalt  }
0x72: {  	_ =	shalt  }
0x73: {  	_ =	shalt  }
0x74: {  	_ =	shalt  }
0x75: {  	_ =	shalt  }
0x76: {  	_ =	shalt  }
0x77: {  	_ =	shalt  }
0x78: {  	_ =	shalt  }
0x79: {  	_ =	shalt  }
0x7a: {  	_ =	shalt  }
0x7b: {  	_ =	shalt  }
0x7c: {  	_ =	shalt  }
0x7d: {  	_ =	shalt  }
0x7e: {  	_ =	shalt  }
0x7f: {  	_ =	shalt  }
0x80: {  	_ =	shalt  }
0x81: {  	_ =	shalt  }
0x82: {  	_ =	shalt  }
0x83: {  	_ =	shalt  }
0x84: {  	_ =	shalt  }
0x85: {  	_ =	shalt  }
0x86: {  	_ =	shalt  }
0x87: {  	_ =	shalt  }
.Lfunc_end0:
.L_simem_size_0:
called_computation.2_lowered:
.L_overlay_start_0:
0x88: {  	s2 =	sld [smem:$0x3FD9]  }
0x89: {  	s3 =	sld [smem:$0x3FFE];
	_ =	sdelay $0x1  }
0x8a: {  	s1 =	srdreg.scid  }
0x8b: {  	s0 =	sand.u32 $0x1, s1  }
0x8c: {  	s17 =	sshll.u32 s0, $0xA;
	s2 =	sadd.s32 s3, s2  }
0x8d: {  	s2 =	sadd.s32 s2, s17  }
0x8e: {  	[smem:$0x3FC4] =	sst s2  }
0x8f: {  	_ = 	snop  }
0x90: {  	s2 =	sld [smem:$0x3FD0];
	(tm) =	ssettm $0x1  }
0x91: {  	s18 =	sld [smem:$0x3FFB];
	_ =	sdelay $0x3  }
0x92: {  	_ =	strace s18  }
0x93: {  	s3 =	sld [smem:$0x3FFC];
	_ =	sdelay $0x3  }
0x94: {  	_ =	strace s3  }
0x95: {  	s3 =	sld [smem:$0x3FFD];
	_ =	sdelay $0x3  }
0x96: {  	_ =	strace s3  }
0x97: {  	_ =	strace $0x8FFFFFFF  }
0x98: {  	s19 =	sld [smem:$0x3FDB];
	_ =	sdelay $0x1  }
0x99: {  	s4 =	simm.s32 $_scs_section_size  }
0x9a: {  	s5 =	simm.s32 $_size__tile_overlayer_lowered;
	s6 =	simm.s32 $_tile_overlayer_lowered  }
0x9b: {  	s22 =	simm.s32 $0x1BFF;
	s21 =	sshll.u32 s6, $0x1;
	s3 =	sadd.s32 s4, s19  }
0x9c: {  	s7 =	simm.s32 $0x0;
	s20 =	sshll.u32 s5, $0x1;
	s5 =	sadd.s32 s21, s3  }
0x9d: {  	[timem:s7], [sflag:s22] =	dma.local [hbm:s5], s20  }
0x9e: {  	_ =	swait.ge [sflag:s22], s20  }
0x9f: {  	s4 =	ssub.s32 $0x0, s20;
	[sflag:s22] =	ssyncset.done $0x0  }
0xa0: {  	[sflag:s22] =	ssyncadd.s32 s4;
	_ =	sdelay $0x1  }
0xa1: {  	s23 =	simm.s32 $0x1B8B  }
0xa2: {  	_ =	swait.ge [sflag:s23], $0x1  }
0xa3: {  	[sflag:s23] =	ssyncset.done $0x0  }
0xa4: {  	s25 =	simm.s32 $0x1B8E;
	s24 =	sld [smem:$0x3FFE];
	[sflag:s23] =	ssyncadd.s32 $0xFFFFFFFF  }
0xa5: {  	s26 =	simm.s32 $execute0_lowered;
	[smem:$0x3FD2] =	sst s25  }
0xa6: {  	s5 =	sshll.u32 s26, $0x1;
	_ =	strace $0x8000004C;
	[dreg:$0x1] =	wrdreg $0xFFFFFFFF  }
0xa7: {  	s28 =	simm.s32 $_size_execute0_lowered;
	s3 =	sadd.s32 s3, s5;
	[dreg:$0x0] =	wrdreg $0x0  }
0xa8: {  	s5 =	sshll.u32 s28, $0x1;
	[dreg:$0x2] =	wrdreg s3  }
0xa9: {  	[dreg:$0x3] =	wrdreg s5  }
0xaa: {  	[dreg:$0x4] =	wrdreg $0xC0  }
0xab: {  	_ =	task [dreg:s7], $0x5FFFF  }
0xac: {  	[dreg:$0x1] =	wrdreg $0xFFFFFFFF  }
0xad: {  	[dreg:$0x0] =	wrdreg $0x60  }
0xae: {  	[dreg:$0x2] =	wrdreg s2  }
0xaf: {  	[dreg:$0x3] =	wrdreg s24  }
0xb0: {  	[dreg:$0x4] =	wrdreg $0xA9000  }
0xb1: {  	[dreg:$0x5] =	wrdreg $0x9  }
0xb2: {  	_ =	task.clear_ibuf [dreg:s7], $0x6FFFF;
	_ =	strace $0x9000004C  }
0xb3: {  	s29 =	simm.s32 $0x9;
	_ =	strace $0x8000004E  }
0xb4: {  	_ =	swait.ge [sflag:s29], $0x1  }
0xb5: {  	[sflag:s29] =	ssyncadd.s32 $0xFFFFFFFF  }
0xb6: {  	_ =	strace $0x9000004E  }
0xb7: {  	_ =	sfence  }
0xb8: {  	s30 =	sld [smem:$0x0];
	_ =	sdelay $0x2  }
0xb9: {  	s31 =	sshll.u32 s1, $0xD;
	s1 =	sshrl.u32 s1, $0x2  }
0xba: {  	s3 =	sand.u32 $0x4000, s31;
	s1 =	sadd.s32 s1, s30  }
0xbb: {  	s0 =	sor.u32 s3, s0;
	s1 =	sshll.u32 s1, $0x11  }
0xbc: {  	s0 =	sor.u32 s1, s0  }
0xbd: {  	s0 =	sadd.s32 $0x8F2B, s0  }
0xbe: {  	[sflag:s0] =	ssyncadd.remote.s32 $0x1  }
0xbf: {  	_ =	sfence.sel $0xFFFF  }
0xc0: {  	[dreg:$0x0] =	wrdreg $0xFFFFFFFF;
	(pc) =	sbr.abs _section_cstart, $3  }
0xc1: {  	[dreg:$0x1] =	wrdreg $0xFFFFFFFF  }
0xc2: {  	_ =	task.clear_ibuf [dreg:s7], $0x2FFFF;
	_ =	strace $0x9FFFFFFF  }
0xc3: {  	(tm) =	ssettm $0x7FFFFFFF  }
tec
execute0_lowered:
.L_overlay_start_1:
0x0: {  	(tag) =	ssettag $0x1  }
0x1: {  	s1 =	rddreg [dreg:$0x0]  }
0x2: {  	s0 =	srdreg.scid;
	s7 =	rddreg [dreg:$0x1]  }
0x3: {  	s12 =	stileid.u32;
	s3 =	rddreg [dreg:$0x2];
	s5 =	simm.s32 $0x0  }
0x4: {  	s15 =	simm.s32 $0x5;
	s16 =	simm.s32 $0x2800;
	s17 =	simm.s32 $0x2880  }
0x5: {  	s18 =	simm.s32 $0x2900;
	s19 =	simm.s32 $0x6900;
	s20 =	simm.s32 $0x1  }
0x6: {  	s21 =	simm.s32 $0x80;
	s22 =	simm.s32 $0x3;
	s23 =	simm.s32 $0x2  }
0x7: {  	s24 =	simm.s32 $0x4;
	s28 =	simm.s32 $0x0;
	s0 =	sand.u32 $0x1, s0  }
0x8: {  	s2 =	sshll.u32 s12, $0x1;
	s26 =	smul.u32 $0x13C00, s12;
	[smem:$0x7FF] =	sst s5  }
0x9: {  	s6 =	sadd.s32 $0xC600, s7;
	s29 =	smul.u32 $0x4F000, s12;
	s31 =	sshll.u32 s12, $0x6  }
0xa: {  	s2 =	sor.u32 s0, s2;
	s8 =	smul.u32 $0x13C000, s0;
	_ =	strace $0x8000004D  }
0xb: {  	s0 =	ssub.s32 $0x2, s0;
	s4 =	smul.u32 $0x2800, s2;
	s11 =	sshrl.u32 s26, $0x3  }
0xc: {  	s30 =	sshrl.u32 s0, $0x1;
	s2 =	sadd.s32 s26, s8;
	s11 =	sadd.s32 s11, s7  }
0xd: {  	s8 =	sshrl.u32 s29, $0x2;
	s0 =	ssub.s32 s0, s30;
	s9 =	sshrl.u32 s4, $0x3  }
0xe: {  	s2 =	sshrl.u32 s2, $0x3;
	s14 =	sadd.s32 s8, s3;
	s8 =	sor.u32 $0x1C05, s31  }
0xf: {  	s13 =	smax.u32 s0, $0x1;
	s10 =	sadd.s32 s9, s7;
	s2 =	sadd.s32 s2, s7  }
0x10: {  	s7 =	sadd.s32 $0x16600, s11;
	s9 =	sadd.s32 s6, s9;
	s14 =	sshrl.u32 s14, $0x3  }
0x11: {  	s10 =	sadd.s32 $0x2600, s10;
	s11 =	sadd.s32 $0x10, s9;
	s12 =	sadd.s32 $0x65000, s2  }
.LBB2_1:
0x12: {  	[spmem:s14], [sflag:s8] =	dma.local [hbm:s7], $0x2780  }
0x13: {  	_ =	swait.ge [sflag:s15], $0x2780  }
0x14: {  	[sflag:s15] =	ssyncset.done $0x0  }
0x15: {  	[sflag:s15] =	ssyncadd.s32 $0xFFFFD880  }
0x16: {  	[tilespmem:s5], [sflag:$0x5] =	stream.linear.gather [hbm4b:s10+s5], $0x2800, $0x38;
	[tilespmem:$0x1E500] =	vst v63  }
0x17: {  	_ =	swait.ge [sflag:s15], $0x2800  }
0x18: {  	[sflag:s15] =	ssyncset.done $0x0  }
0x19: {  	[sflag:s15] =	ssyncadd.s32 $0xFFFFD800  }
0x1a: {  	[tilespmem:s16], [sflag:$0x5] =	stream.linear.gather [hbm4b:s9+s5], $0x80, $0x38;
	[tilespmem:$0x1E500] =	vst v63  }
0x1b: {  	_ =	swait.ge [sflag:s15], $0x80  }
0x1c: {  	[sflag:s15] =	ssyncset.done $0x0  }
0x1d: {  	[sflag:s15] =	ssyncadd.s32 $0xFFFFFF80  }
0x1e: {  	[tilespmem:s17], [sflag:$0x5] =	stream.linear.gather [hbm4b:s11+s5], $0x80, $0x38;
	[tilespmem:$0x1E500] =	vst v63  }
0x1f: {  	_ =	swait.ge [sflag:s15], $0x80  }
0x20: {  	[sflag:s15] =	ssyncset.done $0x0  }
0x21: {  	s0 =	simm.s32 $0x100;
	[sflag:s15] =	ssyncadd.s32 $0xFFFFFF80  }
0x22: {  	s2 =	sand.u32 $0x7C00, s0;
	[bflag:$0x0] =	sbarrier.arrive $0xFFFF  }
0x23: {  	[tilespmem:s18], [sflag:$0x1] =	stream.indirect.gather [hbm4b:s1+s21], $0x80, s16, s21, $0xb8;
	[tilespmem:$0x1E500] =	vst v63  }
0x24: {  	s0 =	sand.u32 $0x300, s0;
	s2 =	sadd.s32 s4, s2  }
0x25: {  	[tilespmem:s19], [sflag:$0x2] =	stream.indirect.gather [hbm4b:s1+s21], $0x80, s17, s21, $0xb8;
	[tilespmem:$0x1E500] =	vst v63  }
0x26: {  	s0 =	sor.u32 s0, s2;
	_ =	swait.ge [sflag:s20], $0x4000  }
0x27: {  	s0 =	sshrl.u32 s0, $0x3;
	[sflag:s20] =	ssyncset.done $0x0  }
0x28: {  	s0 =	sadd.s32 s6, s0;
	[sflag:s20] =	ssyncadd.s32 $0xFFFFC000  }
0x29: {  	[tilespmem:s16], [sflag:$0x3] =	stream.linear.gather [hbm4b:s0+s5], $0x80, $0x38;
	[tilespmem:$0x1E500] =	vst v63  }
0x2a: {  	s2 =	simm.s32 $0x0  }
0x2b: {  	[spmem:s3] =	stream.indirect.scatter.add.f32 [tilespmem:s18], [sflag:$0x5], $0x80, s2, s21, $0xb8;
	[tilespmem:$0x1E500] =	vst v63  }
0x2c: {  	_ =	swait.ge [sflag:s15], $0x4000  }
0x2d: {  	[sflag:s15] =	ssyncset.done $0x0  }
0x2e: {  	[sflag:s15] =	ssyncadd.s32 $0xFFFFC000  }
0x2f: {  	s25 =	simm.s32 $0x180;
	_ =	swait.ge [sflag:s22], $0x80  }
0x30: {  	s26 =	sand.u32 $0x7C00, s25;
	[sflag:s22] =	ssyncset.done $0x0  }
0x31: {  	s0 =	sand.u32 $0x380, s25;
	s2 =	sadd.s32 s4, s26;
	[sflag:s22] =	ssyncadd.s32 $0xFFFFFF80  }
0x32: {  	[tilespmem:s18], [sflag:$0x1] =	stream.indirect.gather [hbm4b:s1+s21], $0x80, s16, s21, $0xb8;
	[tilespmem:$0x1E500] =	vst v63  }
0x33: {  	s0 =	sor.u32 s0, s2;
	_ =	swait.ge [sflag:s23], $0x4000  }
0x34: {  	s0 =	sshrl.u32 s0, $0x3;
	[sflag:s23] =	ssyncset.done $0x0  }
0x35: {  	s0 =	sadd.s32 s6, s0;
	[sflag:s23] =	ssyncadd.s32 $0xFFFFC000  }
0x36: {  	[tilespmem:s17], [sflag:$0x4] =	stream.linear.gather [hbm4b:s0+s5], $0x80, $0x38;
	[tilespmem:$0x1E500] =	vst v63  }
0x37: {  	_ = 	snop  }
0x38: {  	[spmem:s3] =	stream.indirect.scatter.add.f32 [tilespmem:s19], [sflag:$0x5], $0x80, s21, s21, $0xb8;
	[tilespmem:$0x1E500] =	vst v63  }
0x39: {  	s30 =	simm.s32 $0x280;
	s31 =	simm.s32 $0x380;
	_ =	swait.ge [sflag:s15], $0x4000  }
0x3a: {  	s29 =	simm.s32 $0x180;
	s2 =	simm.s32 $0x200;
	[sflag:s15] =	ssyncset.done $0x0  }
.LBB2_2:
0x3b: {  	s25 =	sand.u32 $0x7C00, s2  }
0x3c: {  	[sflag:s15] =	ssyncadd.s32 $0xFFFFC000;
	s26 =	smov.u32 s31;
	s0 =	sadd.s32 $0x100, s31  }
0x3d: {  	s2 =	sand.u32 $0x300, s2;
	s25 =	sadd.s32 s4, s25;
	_ =	swait.ge [sflag:s24], $0x80  }
0x3e: {  	p0 =	sne.s32 s31, $0x2780;
	s2 =	sor.u32 s2, s25;
	[sflag:s24] =	ssyncset.done $0x0  }
0x3f: {  	s2 =	sshrl.u32 s2, $0x3;
	[sflag:s24] =	ssyncadd.s32 $0xFFFFFF80  }
0x40: {  	[tilespmem:s19], [sflag:$0x2] =	stream.indirect.gather [hbm4b:s1+s21], $0x80, s17, s21, $0xb8;
	[tilespmem:$0x1E500] =	vst v63  }
0x41: {  	_ =	swait.ge [sflag:s20], $0x4000  }
0x42: {  	[sflag:s20] =	ssyncset.done $0x0  }
0x43: {  	s2 =	sadd.s32 s6, s2;
	[sflag:s20] =	ssyncadd.s32 $0xFFFFC000  }
0x44: {  	[tilespmem:s16], [sflag:$0x3] =	stream.linear.gather [hbm4b:s2+s5], $0x80, $0x38;
	[tilespmem:$0x1E500] =	vst v63  }
0x45: {  	s2 =	sadd.s32 $0xFFFFFF80, s29  }
0x46: {  	[spmem:s3] =	stream.indirect.scatter.add.f32 [tilespmem:s18], [sflag:$0x5], $0x80, s2, s21, $0xb8;
	[tilespmem:$0x1E500] =	vst v63  }
0x47: {  	_ =	swait.ge [sflag:s15], $0x4000  }
0x48: {  	[sflag:s15] =	ssyncset.done $0x0  }
0x49: {  	[sflag:s15] =	ssyncadd.s32 $0xFFFFC000  }
0x4a: {  	_ =	swait.ge [sflag:s22], $0x80  }
0x4b: {  	[sflag:s22] =	ssyncset.done $0x0  }
0x4c: {  	s2 =	sand.u32 $0x7C00, s30;
	[sflag:s22] =	ssyncadd.s32 $0xFFFFFF80  }
0x4d: {  	[tilespmem:s18], [sflag:$0x1] =	stream.indirect.gather [hbm4b:s1+s21], $0x80, s16, s21, $0xb8;
	[tilespmem:$0x1E500] =	vst v63  }
0x4e: {  	s25 =	sand.u32 $0x380, s30;
	s30 =	smov.u32 s26;
	s2 =	sadd.s32 s4, s2  }
0x4f: {  	s2 =	sor.u32 s25, s2;
	_ =	swait.ge [sflag:s23], $0x4000  }
0x50: {  	s2 =	sshrl.u32 s2, $0x3;
	[sflag:s23] =	ssyncset.done $0x0  }
0x51: {  	s2 =	sadd.s32 s6, s2;
	[sflag:s23] =	ssyncadd.s32 $0xFFFFC000  }
0x52: {  	[tilespmem:s17], [sflag:$0x4] =	stream.linear.gather [hbm4b:s2+s5], $0x80, $0x38;
	[tilespmem:$0x1E500] =	vst v63  }
.Ltmp0:
0x53: {  	_ = 	snop;
	(pc) =	sbr.rel @p0 .LBB2_2-.Ltmp0, $4  }
0x54: {  	_ = 	snop  }
0x55: {  	[spmem:s3] =	stream.indirect.scatter.add.f32 [tilespmem:s19], [sflag:$0x5], $0x80, s29, s21, $0xb8;
	[tilespmem:$0x1E500] =	vst v63  }
0x56: {  	s31 =	smov.u32 s0;
	_ =	swait.ge [sflag:s15], $0x4000  }
0x57: {  	s2 =	sadd.s32 $0xFFFFFF80, s30;
	s29 =	sadd.s32 $0x100, s29;
	[sflag:s15] =	ssyncset.done $0x0  }
0x58: {  	[sflag:s15] =	ssyncadd.s32 $0xFFFFC000  }
0x59: {  	_ =	swait.ge [sflag:s24], $0x80  }
0x5a: {  	s0 =	sand.u32 $0x7C00, s2;
	[sflag:s24] =	ssyncset.done $0x0  }
0x5b: {  	s31 =	sand.u32 $0x300, s2;
	s0 =	sadd.s32 s4, s0;
	[sflag:s24] =	ssyncadd.s32 $0xFFFFFF80  }
0x5c: {  	[tilespmem:s19], [sflag:$0x2] =	stream.indirect.gather [hbm4b:s1+s21], $0x80, s17, s21, $0xb8;
	[tilespmem:$0x1E500] =	vst v63  }
0x5d: {  	s0 =	sor.u32 s31, s0;
	_ =	swait.ge [sflag:s20], $0x4000  }
0x5e: {  	s0 =	sshrl.u32 s0, $0x3;
	[sflag:s20] =	ssyncset.done $0x0  }
0x5f: {  	s0 =	sadd.s32 s6, s0;
	[sflag:s20] =	ssyncadd.s32 $0xFFFFC000  }
0x60: {  	[tilespmem:s16], [sflag:$0x3] =	stream.linear.gather [hbm4b:s0+s5], $0x80, $0x38;
	[tilespmem:$0x1E500] =	vst v63  }
0x61: {  	s2 =	sadd.s32 $0xFFFFFF80, s29  }
0x62: {  	[spmem:s3] =	stream.indirect.scatter.add.f32 [tilespmem:s18], [sflag:$0x5], $0x80, s2, s21, $0xb8;
	[tilespmem:$0x1E500] =	vst v63  }
0x63: {  	_ =	swait.ge [sflag:s15], $0x4000  }
0x64: {  	[sflag:s15] =	ssyncset.done $0x0  }
0x65: {  	[sflag:s15] =	ssyncadd.s32 $0xFFFFC000  }
0x66: {  	_ =	swait.ge [sflag:s22], $0x80  }
0x67: {  	s25 =	sand.u32 $0x7C00, s30;
	[sflag:s22] =	ssyncset.done $0x0  }
0x68: {  	s26 =	sand.u32 $0x380, s30;
	s0 =	sadd.s32 s4, s25;
	[sflag:s22] =	ssyncadd.s32 $0xFFFFFF80  }
0x69: {  	[tilespmem:s18], [sflag:$0x1] =	stream.indirect.gather [hbm4b:s1+s21], $0x80, s16, s21, $0xb8;
	[tilespmem:$0x1E500] =	vst v63  }
0x6a: {  	s0 =	sor.u32 s26, s0;
	_ =	swait.ge [sflag:s23], $0x4000  }
0x6b: {  	s0 =	sshrl.u32 s0, $0x3;
	[sflag:s23] =	ssyncset.done $0x0  }
0x6c: {  	s0 =	sadd.s32 s6, s0;
	[sflag:s23] =	ssyncadd.s32 $0xFFFFC000  }
0x6d: {  	[tilespmem:s17], [sflag:$0x4] =	stream.linear.gather [hbm4b:s0+s5], $0x80, $0x38;
	[tilespmem:$0x1E500] =	vst v63  }
0x6e: {  	_ = 	snop  }
0x6f: {  	[spmem:s3] =	stream.indirect.scatter.add.f32 [tilespmem:s19], [sflag:$0x5], $0x80, s29, s21, $0xb8;
	[tilespmem:$0x1E500] =	vst v63  }
0x70: {  	_ =	swait.ge [sflag:s15], $0x4000  }
0x71: {  	[sflag:s15] =	ssyncset.done $0x0  }
0x72: {  	[sflag:s15] =	ssyncadd.s32 $0xFFFFC000  }
0x73: {  	_ =	swait.ge [sflag:s24], $0x80  }
0x74: {  	[sflag:s24] =	ssyncset.done $0x0  }
0x75: {  	[sflag:s24] =	ssyncadd.s32 $0xFFFFFF80  }
0x76: {  	[tilespmem:s19], [sflag:$0x2] =	stream.indirect.gather [hbm4b:s1+s21], $0x80, s17, s21, $0xb8;
	[tilespmem:$0x1E500] =	vst v63  }
0x77: {  	_ =	swait.ge [sflag:s20], $0x4000  }
0x78: {  	[sflag:s20] =	ssyncset.done $0x0  }
0x79: {  	s30 =	simm.s32 $0x2700;
	[sflag:s20] =	ssyncadd.s32 $0xFFFFC000  }
0x7a: {  	[spmem:s3] =	stream.indirect.scatter.add.f32 [tilespmem:s18], [sflag:$0x5], $0x80, s30, s21, $0xb8;
	[tilespmem:$0x1E500] =	vst v63  }
0x7b: {  	_ =	swait.ge [sflag:s15], $0x4000  }
0x7c: {  	[sflag:s15] =	ssyncset.done $0x0  }
0x7d: {  	[sflag:s15] =	ssyncadd.s32 $0xFFFFC000  }
0x7e: {  	_ =	swait.ge [sflag:s23], $0x4000  }
0x7f: {  	[sflag:s23] =	ssyncset.done $0x0  }
0x80: {  	s31 =	simm.s32 $0x2780;
	[sflag:s23] =	ssyncadd.s32 $0xFFFFC000  }
0x81: {  	[spmem:s3] =	stream.indirect.scatter.add.f32 [tilespmem:s19], [sflag:$0x5], $0x80, s31, s21, $0xb8;
	[tilespmem:$0x1E500] =	vst v63  }
0x82: {  	_ =	swait.ge [sflag:s15], $0x4000  }
0x83: {  	s28 =	sadd.s32 $0x1, s28;
	[sflag:s15] =	ssyncset.done $0x0  }
0x84: {  	p0 =	sne.s32 s28, s13;
	[sflag:s15] =	ssyncadd.s32 $0xFFFFC000  }
.Ltmp1:
0x85: {  	[bflag:$0x0] =	sbarrier.arrive $0xFFFF;
	(pc) =	sbr.rel @p0 .LBB2_1-.Ltmp1, $4  }
0x86: {  	[hbm:s12], [sflag:s8] =	dma.local [spmem:s14], $0x2780  }
0x87: {  	_ =	swait.ge [sflag:s15], $0x2780  }
0x88: {  	[sflag:s15] =	ssyncset.done $0x0  }
0x89: {  	[sflag:s15] =	ssyncadd.s32 $0xFFFFD880  }
0x8a: {  	_ =	sfence.sel $0x180000  }
0x8b: {  	[bflag:$0x0] =	sbarrier.arrive $0xFFFF  }
0x8c: {  	_ =	strace $0x9000004D  }
0x8d: {  	s0 =	stileid.u32;
	[bflag:$0x2] =	sbarrier.arrive $0xFFFF  }
0x8e: {  	p0 =	sne.s32 s0, $0x0;
	s0 =	rddreg [dreg:$0x3]  }
0x8f: {  	s0 =	sadd.s32 @!p0 $0x100000, s0  }
0x90: {  	[sflag:s0] =	ssyncadd.tile.s32 @!p0 $0x1;
	_ =	shalt  }
.Lfunc_end2:
_tile_overlayer_lowered:
.L_overlay_start_2:
0x91: {  	(tag) =	ssettag $0x2  }
0x92: {  	s0 =	rddreg [dreg:$0x0];
	s2 =	stileid.u32  }
0x93: {  	s1 =	rddreg [dreg:$0x1];
	p0 =	sne.s32 s2, $0x0  }
0x94: {  	s3 =	rddreg [dreg:$0x2];
	[bflag:$0x3] =	sbarrier.arrive $0xFFFF;
	s2 =	simm.s32 @!p0 $0x1C05  }
0x95: {  	[timem:s3], [sflag:s2] =	dma.local @!p0 [hbm:s0], s1  }
0x96: {  	s0 =	simm.s32 @!p0 $0x5  }
0x97: {  	_ =	swait.ge @!p0 [sflag:s0], s1  }
0x98: {  	s1 =	ssub.s32 @!p0 $0x0, s1;
	[sflag:s0] =	ssyncset.done @!p0 $0x0  }
0x99: {  	[sflag:s0] =	ssyncadd.s32 @!p0 s1  }
0x9a: {  	[bflag:$0x3] =	sbarrier.arrive $0xFFFF  }
0x9b: {  	_ =	shalt  }

// kernel: kernel.19.cloned.1.call-start
scs
__scs_entry_jumppad:
0x0: {  	(pc) =	sbr.rel $0x88, $3  }
0x1: {  	(tag) =	ssettag $0x0;
	lr =	simm.s32 $0x1  }
0x2: {  	[smem:$0x3F9D] =	sst lr;
	_ =	strace $0xD0000000  }
0x3: {  	_ = 	snop  }
0x4: {  	_ = 	snop  }
0x5: {  	_ = 	snop  }
0x6: {  	_ = 	snop  }
0x7: {  	_ = 	snop  }
__scs_overlays_trampoline_lowered:
0x8: {  	[smem:$0x3FAC] =	sst s0  }
0x9: {  	[smem:$0x3FAD] =	sst s1  }
0xa: {  	[smem:$0x3FAE] =	sst s2  }
0xb: {  	[smem:$0x3FAF] =	sst s3  }
0xc: {  	[smem:$0x3FB0] =	sst s4  }
0xd: {  	[smem:$0x3FB1] =	sst s5  }
0xe: {  	[smem:$0x3FB2] =	sst s6  }
0xf: {  	[smem:$0x3FB3] =	sst s7  }
0x10: {  	[smem:$0x3FB4] =	sst s8  }
0x11: {  	[smem:$0x3FB5] =	sst s9;
	s0 =	simm.s32 @!p0 $0x0  }
0x12: {  	s1 =	sld [smem:$0x3F9B];
	s0 =	simm.s32 @p0 $0x1  }
0x13: {  	[smem:$0x3FB6] =	sst s0;
	s0 =	simm.s32 @!p1 $0x0  }
0x14: {  	s2 =	sld [smem:$0x3F9A];
	s0 =	simm.s32 @p1 $0x1  }
0x15: {  	[smem:$0x3FB7] =	sst s0;
	s0 =	simm.s32 @!p2 $0x0  }
0x16: {  	s3 =	sld [smem:$0x3FDB];
	s0 =	simm.s32 @p2 $0x1  }
0x17: {  	s4 =	simm.s32 $0x1BF5;
	[smem:$0x3FB9] =	sst s0  }
0x18: {  	s0 =	sld [smem:$0x3F9C];
	_ =	swait.ge [sflag:s4], $0x0  }
0x19: {  	s7 =	sld [smem:$0x3F9D]  }
0x1a: {  	s8 =	sadd.s32 $0xFFFFE003, lr  }
0x1b: {  	s9 =	sadd.s32 $0xFFFFFEF7, lr;
	s5 =	simm.s32 $0xFFFFFFFF;
	p2 =	slt.u32 s8, $0xFFFFF086  }
0x1c: {  	p1 =	slt.u32 s9, $0xF7A;
	s5 =	simm.s32 @!p2 $0x0  }
0x1d: {  	s5 =	simm.s32 @p1 $0x1;
	p0 =	seq.s32 s7, s2  }
0x1e: {  	s7 =	smul.u32 @!p0 $0xF7A, s2;
	p2 =	seq.s32 @!p0 s5, $0x0  }
0x1f: {  	s9 =	smul.u32 $0xF7A, s1;
	s8 =	simm.s32 @!p0 $0x1BF5;
	p2 =	por !p2, p0  }
0x20: {  	[sflag:s8] =	ssyncset.s32 @!p0 $0xFFFFF086;
	s6 =	sadd.s32 @!p0 s3, s7;
	s7 =	simm.s32 @!p0 $0x108  }
0x21: {  	s3 =	sadd.s32 s3, s9;
	s6 =	sadd.s32 @!p0 $0x88, s6;
	s7 =	simm.s32 @p2 $0x1082  }
0x22: {  	[simem:s7], [sflag:s8] =	dma.local @!p0 [hbm:s6], $0xF7A  }
0x23: {  	s9 =	sor.u32 $0xD0000000, s2;
	s6 =	simm.s32 $0x108;
	_ =	swait.ge @!p0 [sflag:s8], $0x0  }
0x24: {  	s3 =	sadd.s32 $0x88, s3;
	s6 =	simm.s32 @!p1 $0x1082;
	[sflag:s4] =	ssyncset.s32 $0xFFFFF086  }
0x25: {  	[simem:s6], [sflag:s4] =	dma.local [hbm:s3], $0xF7A  }
0x26: {  	[smem:$0x3F9D] =	sst s1;
	(tag) =	ssettag s2;
	_ =	strace s9  }
0x27: {  	s1 =	sld [smem:$0x3FAD]  }
0x28: {  	s2 =	sld [smem:$0x3FAE]  }
0x29: {  	s4 =	sld [smem:$0x3FB0]  }
0x2a: {  	p0 =	seq.s32 s5, $0x0;
	s5 =	sld [smem:$0x3FB1]  }
0x2b: {  	s6 =	sld [smem:$0x3FB2]  }
0x2c: {  	s7 =	sld [smem:$0x3FB3]  }
0x2d: {  	s3 =	simm.s32 $0x108;
	s8 =	sld [smem:$0x3FB4]  }
0x2e: {  	s3 =	simm.s32 @!p0 $0x1082;
	s9 =	sld [smem:$0x3FB5]  }
0x2f: {  	lr =	sadd.s32 s0, s3;
	s0 =	sld [smem:$0x3FAC]  }
0x30: {  	s3 =	sld [smem:$0x3FAF]  }
0x31: {  	[smem:$0x3FB8] =	sst s10  }
0x32: {  	s10 =	sld [smem:$0x3FB6];
	_ =	sdelay $0x3  }
0x33: {  	p0 =	seq.s32 s10, $0x1;
	s10 =	sld [smem:$0x3FB8];
	_ =	sdelay $0x3  }
0x34: {  	[smem:$0x3FB8] =	sst s10  }
0x35: {  	s10 =	sld [smem:$0x3FB7];
	_ =	sdelay $0x3  }
0x36: {  	p1 =	seq.s32 s10, $0x1;
	s10 =	sld [smem:$0x3FB8];
	_ =	sdelay $0x3  }
0x37: {  	[smem:$0x3FB8] =	sst s10  }
0x38: {  	s10 =	sld [smem:$0x3FB9]  }
0x39: {  	_ = 	snop;
	(pc) =	sbr.ind lr, $3  }
0x3a: {  	_ = 	snop  }
0x3b: {  	_ = 	snop  }
0x3c: {  	p2 =	seq.s32 s10, $0x1;
	s10 =	sld [smem:$0x3FB8]  }
0x3d: {  	_ =	shalt  }
0x3e: {  	_ =	shalt  }
0x3f: {  	_ =	shalt  }
0x40: {  	_ =	shalt  }
0x41: {  	_ =	shalt  }
0x42: {  	_ =	shalt  }
0x43: {  	_ =	shalt  }
0x44: {  	_ =	shalt  }
0x45: {  	_ =	shalt  }
0x46: {  	_ =	shalt  }
0x47: {  	_ =	shalt  }
0x48: {  	_ =	shalt  }
0x49: {  	_ =	shalt  }
0x4a: {  	_ =	shalt  }
0x4b: {  	_ =	shalt  }
0x4c: {  	_ =	shalt  }
0x4d: {  	_ =	shalt  }
0x4e: {  	_ =	shalt  }
0x4f: {  	_ =	shalt  }
0x50: {  	_ =	shalt  }
0x51: {  	_ =	shalt  }
0x52: {  	_ =	shalt  }
0x53: {  	_ =	shalt  }
0x54: {  	_ =	shalt  }
0x55: {  	_ =	shalt  }
0x56: {  	_ =	shalt  }
0x57: {  	_ =	shalt  }
0x58: {  	_ =	shalt  }
0x59: {  	_ =	shalt  }
0x5a: {  	_ =	shalt  }
0x5b: {  	_ =	shalt  }
0x5c: {  	_ =	shalt  }
0x5d: {  	_ =	shalt  }
0x5e: {  	_ =	shalt  }
0x5f: {  	_ =	shalt  }
0x60: {  	_ =	shalt  }
0x61: {  	_ =	shalt  }
0x62: {  	_ =	shalt  }
0x63: {  	_ =	shalt  }
0x64: {  	_ =	shalt  }
0x65: {  	_ =	shalt  }
0x66: {  	_ =	shalt  }
0x67: {  	_ =	shalt  }
0x68: {  	_ =	shalt  }
0x69: {  	_ =	shalt  }
0x6a: {  	_ =	shalt  }
0x6b: {  	_ =	shalt  }
0x6c: {  	_ =	shalt  }
0x6d: {  	_ =	shalt  }
0x6e: {  	_ =	shalt  }
0x6f: {  	_ =	shalt  }
0x70: {  	_ =	shalt  }
0x71: {  	_ =	shalt  }
0x72: {  	_ =	shalt  }
0x73: {  	_ =	shalt  }
0x74: {  	_ =	shalt  }
0x75: {  	_ =	shalt  }
0x76: {  	_ =	shalt  }
0x77: {  	_ =	shalt  }
0x78: {  	_ =	shalt  }
0x79: {  	_ =	shalt  }
0x7a: {  	_ =	shalt  }
0x7b: {  	_ =	shalt  }
0x7c: {  	_ =	shalt  }
0x7d: {  	_ =	shalt  }
0x7e: {  	_ =	shalt  }
0x7f: {  	_ =	shalt  }
0x80: {  	_ =	shalt  }
0x81: {  	_ =	shalt  }
0x82: {  	_ =	shalt  }
0x83: {  	_ =	shalt  }
0x84: {  	_ =	shalt  }
0x85: {  	_ =	shalt  }
0x86: {  	_ =	shalt  }
0x87: {  	_ =	shalt  }
.Lfunc_end0:
.L_simem_size_0:
called_computation.3_lowered:
.L_overlay_start_0:
0x88: {  	s2 =	sld [smem:$0x3FD9]  }
0x89: {  	s3 =	sld [smem:$0x3FFE];
	_ =	sdelay $0x1  }
0x8a: {  	s1 =	srdreg.scid  }
0x8b: {  	s0 =	sand.u32 $0x1, s1  }
0x8c: {  	s17 =	sshll.u32 s0, $0xA;
	s2 =	sadd.s32 s3, s2  }
0x8d: {  	s2 =	sadd.s32 s2, s17  }
0x8e: {  	[smem:$0x3FC4] =	sst s2  }
0x8f: {  	_ = 	snop  }
0x90: {  	s2 =	sld [smem:$0x3FD0];
	(tm) =	ssettm $0x1  }
0x91: {  	s18 =	sld [smem:$0x3FFB];
	_ =	sdelay $0x3  }
0x92: {  	_ =	strace s18  }
0x93: {  	s3 =	sld [smem:$0x3FFC];
	_ =	sdelay $0x3  }
0x94: {  	_ =	strace s3  }
0x95: {  	s3 =	sld [smem:$0x3FFD];
	_ =	sdelay $0x3  }
0x96: {  	_ =	strace s3  }
0x97: {  	_ =	strace $0x8FFFFFFF  }
0x98: {  	s19 =	sld [smem:$0x3FDB];
	_ =	sdelay $0x1  }
0x99: {  	s4 =	simm.s32 $_scs_section_size  }
0x9a: {  	s5 =	simm.s32 $_size__tile_overlayer_lowered;
	s6 =	simm.s32 $_tile_overlayer_lowered  }
0x9b: {  	s22 =	simm.s32 $0x1BFF;
	s21 =	sshll.u32 s6, $0x1;
	s3 =	sadd.s32 s4, s19  }
0x9c: {  	s7 =	simm.s32 $0x0;
	s20 =	sshll.u32 s5, $0x1;
	s5 =	sadd.s32 s21, s3  }
0x9d: {  	[timem:s7], [sflag:s22] =	dma.local [hbm:s5], s20  }
0x9e: {  	_ =	swait.ge [sflag:s22], s20  }
0x9f: {  	s4 =	ssub.s32 $0x0, s20;
	[sflag:s22] =	ssyncset.done $0x0  }
0xa0: {  	[sflag:s22] =	ssyncadd.s32 s4;
	_ =	sdelay $0x1  }
0xa1: {  	s23 =	simm.s32 $0x1B8B  }
0xa2: {  	_ =	swait.ge [sflag:s23], $0x1  }
0xa3: {  	[sflag:s23] =	ssyncset.done $0x0  }
0xa4: {  	s25 =	simm.s32 $0x1B8E;
	s24 =	sld [smem:$0x3FFE];
	[sflag:s23] =	ssyncadd.s32 $0xFFFFFFFF  }
0xa5: {  	s26 =	simm.s32 $execute0_lowered;
	[smem:$0x3FD2] =	sst s25  }
0xa6: {  	s5 =	sshll.u32 s26, $0x1;
	_ =	strace $0x8000004F;
	[dreg:$0x1] =	wrdreg $0xFFFFFFFF  }
0xa7: {  	s28 =	simm.s32 $_size_execute0_lowered;
	s3 =	sadd.s32 s3, s5;
	[dreg:$0x0] =	wrdreg $0x0  }
0xa8: {  	s5 =	sshll.u32 s28, $0x1;
	[dreg:$0x2] =	wrdreg s3  }
0xa9: {  	[dreg:$0x3] =	wrdreg s5  }
0xaa: {  	[dreg:$0x4] =	wrdreg $0xC0  }
0xab: {  	_ =	task [dreg:s7], $0x5FFFF  }
0xac: {  	[dreg:$0x1] =	wrdreg $0xFFFFFFFF  }
0xad: {  	[dreg:$0x0] =	wrdreg $0x60  }
0xae: {  	[dreg:$0x2] =	wrdreg s2  }
0xaf: {  	[dreg:$0x3] =	wrdreg s24  }
0xb0: {  	[dreg:$0x4] =	wrdreg $0xA9000  }
0xb1: {  	[dreg:$0x5] =	wrdreg $0x9  }
0xb2: {  	_ =	task.clear_ibuf [dreg:s7], $0x6FFFF;
	_ =	strace $0x9000004F  }
0xb3: {  	s29 =	simm.s32 $0x9;
	_ =	strace $0x80000051  }
0xb4: {  	_ =	swait.ge [sflag:s29], $0x1  }
0xb5: {  	[sflag:s29] =	ssyncadd.s32 $0xFFFFFFFF  }
0xb6: {  	_ =	strace $0x90000051  }
0xb7: {  	_ =	sfence  }
0xb8: {  	s30 =	sld [smem:$0x0];
	_ =	sdelay $0x2  }
0xb9: {  	s31 =	sshll.u32 s1, $0xD;
	s1 =	sshrl.u32 s1, $0x2  }
0xba: {  	s3 =	sand.u32 $0x4000, s31;
	s1 =	sadd.s32 s1, s30  }
0xbb: {  	s0 =	sor.u32 s3, s0;
	s1 =	sshll.u32 s1, $0x11  }
0xbc: {  	s0 =	sor.u32 s1, s0  }
0xbd: {  	s0 =	sadd.s32 $0x8F2B, s0  }
0xbe: {  	[sflag:s0] =	ssyncadd.remote.s32 $0x1  }
0xbf: {  	_ =	sfence.sel $0xFFFF  }
0xc0: {  	[dreg:$0x0] =	wrdreg $0xFFFFFFFF;
	(pc) =	sbr.abs _section_cstart, $3  }
0xc1: {  	[dreg:$0x1] =	wrdreg $0xFFFFFFFF  }
0xc2: {  	_ =	task.clear_ibuf [dreg:s7], $0x2FFFF;
	_ =	strace $0x9FFFFFFF  }
0xc3: {  	(tm) =	ssettm $0x7FFFFFFF  }
tec
execute0_lowered:
.L_overlay_start_1:
0x0: {  	(tag) =	ssettag $0x1  }
0x1: {  	s1 =	rddreg [dreg:$0x0]  }
0x2: {  	s0 =	srdreg.scid;
	s7 =	rddreg [dreg:$0x1]  }
0x3: {  	s12 =	stileid.u32;
	s3 =	rddreg [dreg:$0x2];
	s5 =	simm.s32 $0x0  }
0x4: {  	s15 =	simm.s32 $0x5;
	s16 =	simm.s32 $0x2800;
	s17 =	simm.s32 $0x2880  }
0x5: {  	s18 =	simm.s32 $0x2900;
	s19 =	simm.s32 $0x6900;
	s20 =	simm.s32 $0x1  }
0x6: {  	s21 =	simm.s32 $0x80;
	s22 =	simm.s32 $0x3;
	s23 =	simm.s32 $0x2  }
0x7: {  	s24 =	simm.s32 $0x4;
	s28 =	simm.s32 $0x0;
	s0 =	sand.u32 $0x1, s0  }
0x8: {  	s2 =	sshll.u32 s12, $0x1;
	s26 =	smul.u32 $0x13C00, s12;
	[smem:$0x7FF] =	sst s5  }
0x9: {  	s6 =	sadd.s32 $0xC600, s7;
	s29 =	smul.u32 $0x4F000, s12;
	s31 =	sshll.u32 s12, $0x6  }
0xa: {  	s2 =	sor.u32 s0, s2;
	s8 =	smul.u32 $0x13C000, s0;
	_ =	strace $0x80000050  }
0xb: {  	s0 =	ssub.s32 $0x2, s0;
	s4 =	smul.u32 $0x2800, s2;
	s11 =	sshrl.u32 s26, $0x3  }
0xc: {  	s30 =	sshrl.u32 s0, $0x1;
	s2 =	sadd.s32 s26, s8;
	s11 =	sadd.s32 s11, s7  }
0xd: {  	s8 =	sshrl.u32 s29, $0x2;
	s0 =	ssub.s32 s0, s30;
	s9 =	sshrl.u32 s4, $0x3  }
0xe: {  	s2 =	sshrl.u32 s2, $0x3;
	s14 =	sadd.s32 s8, s3;
	s8 =	sor.u32 $0x1C05, s31  }
0xf: {  	s13 =	smax.u32 s0, $0x1;
	s10 =	sadd.s32 s9, s7;
	s2 =	sadd.s32 s2, s7  }
0x10: {  	s7 =	sadd.s32 $0x16600, s11;
	s9 =	sadd.s32 s6, s9;
	s14 =	sshrl.u32 s14, $0x3  }
0x11: {  	s10 =	sadd.s32 $0x2600, s10;
	s11 =	sadd.s32 $0x10, s9;
	s12 =	sadd.s32 $0x3DE00, s2  }
.LBB2_1:
0x12: {  	[spmem:s14], [sflag:s8] =	dma.local [hbm:s7], $0x2780  }
0x13: {  	_ =	swait.ge [sflag:s15], $0x2780  }
0x14: {  	[sflag:s15] =	ssyncset.done $0x0  }
0x15: {  	[sflag:s15] =	ssyncadd.s32 $0xFFFFD880  }
0x16: {  	[tilespmem:s5], [sflag:$0x5] =	stream.linear.gather [hbm4b:s10+s5], $0x2800, $0x38;
	[tilespmem:$0x1E500] =	vst v63  }
0x17: {  	_ =	swait.ge [sflag:s15], $0x2800  }
0x18: {  	[sflag:s15] =	ssyncset.done $0x0  }
0x19: {  	[sflag:s15] =	ssyncadd.s32 $0xFFFFD800  }
0x1a: {  	[tilespmem:s16], [sflag:$0x5] =	stream.linear.gather [hbm4b:s9+s5], $0x80, $0x38;
	[tilespmem:$0x1E500] =	vst v63  }
0x1b: {  	_ =	swait.ge [sflag:s15], $0x80  }
0x1c: {  	[sflag:s15] =	ssyncset.done $0x0  }
0x1d: {  	[sflag:s15] =	ssyncadd.s32 $0xFFFFFF80  }
0x1e: {  	[tilespmem:s17], [sflag:$0x5] =	stream.linear.gather [hbm4b:s11+s5], $0x80, $0x38;
	[tilespmem:$0x1E500] =	vst v63  }
0x1f: {  	_ =	swait.ge [sflag:s15], $0x80  }
0x20: {  	[sflag:s15] =	ssyncset.done $0x0  }
0x21: {  	s0 =	simm.s32 $0x100;
	[sflag:s15] =	ssyncadd.s32 $0xFFFFFF80  }
0x22: {  	s2 =	sand.u32 $0x7C00, s0;
	[bflag:$0x0] =	sbarrier.arrive $0xFFFF  }
0x23: {  	[tilespmem:s18], [sflag:$0x1] =	stream.indirect.gather [hbm4b:s1+s21], $0x80, s16, s21, $0xb8;
	[tilespmem:$0x1E500] =	vst v63  }
0x24: {  	s0 =	sand.u32 $0x300, s0;
	s2 =	sadd.s32 s4, s2  }
0x25: {  	[tilespmem:s19], [sflag:$0x2] =	stream.indirect.gather [hbm4b:s1+s21], $0x80, s17, s21, $0xb8;
	[tilespmem:$0x1E500] =	vst v63  }
0x26: {  	s0 =	sor.u32 s0, s2;
	_ =	swait.ge [sflag:s20], $0x4000  }
0x27: {  	s0 =	sshrl.u32 s0, $0x3;
	[sflag:s20] =	ssyncset.done $0x0  }
0x28: {  	s0 =	sadd.s32 s6, s0;
	[sflag:s20] =	ssyncadd.s32 $0xFFFFC000  }
0x29: {  	[tilespmem:s16], [sflag:$0x3] =	stream.linear.gather [hbm4b:s0+s5], $0x80, $0x38;
	[tilespmem:$0x1E500] =	vst v63  }
0x2a: {  	s2 =	simm.s32 $0x0  }
0x2b: {  	[spmem:s3] =	stream.indirect.scatter.add.f32 [tilespmem:s18], [sflag:$0x5], $0x80, s2, s21, $0xb8;
	[tilespmem:$0x1E500] =	vst v63  }
0x2c: {  	_ =	swait.ge [sflag:s15], $0x4000  }
0x2d: {  	[sflag:s15] =	ssyncset.done $0x0  }
0x2e: {  	[sflag:s15] =	ssyncadd.s32 $0xFFFFC000  }
0x2f: {  	s25 =	simm.s32 $0x180;
	_ =	swait.ge [sflag:s22], $0x80  }
0x30: {  	s26 =	sand.u32 $0x7C00, s25;
	[sflag:s22] =	ssyncset.done $0x0  }
0x31: {  	s0 =	sand.u32 $0x380, s25;
	s2 =	sadd.s32 s4, s26;
	[sflag:s22] =	ssyncadd.s32 $0xFFFFFF80  }
0x32: {  	[tilespmem:s18], [sflag:$0x1] =	stream.indirect.gather [hbm4b:s1+s21], $0x80, s16, s21, $0xb8;
	[tilespmem:$0x1E500] =	vst v63  }
0x33: {  	s0 =	sor.u32 s0, s2;
	_ =	swait.ge [sflag:s23], $0x4000  }
0x34: {  	s0 =	sshrl.u32 s0, $0x3;
	[sflag:s23] =	ssyncset.done $0x0  }
0x35: {  	s0 =	sadd.s32 s6, s0;
	[sflag:s23] =	ssyncadd.s32 $0xFFFFC000  }
0x36: {  	[tilespmem:s17], [sflag:$0x4] =	stream.linear.gather [hbm4b:s0+s5], $0x80, $0x38;
	[tilespmem:$0x1E500] =	vst v63  }
0x37: {  	_ = 	snop  }
0x38: {  	[spmem:s3] =	stream.indirect.scatter.add.f32 [tilespmem:s19], [sflag:$0x5], $0x80, s21, s21, $0xb8;
	[tilespmem:$0x1E500] =	vst v63  }
0x39: {  	s30 =	simm.s32 $0x280;
	s31 =	simm.s32 $0x380;
	_ =	swait.ge [sflag:s15], $0x4000  }
0x3a: {  	s29 =	simm.s32 $0x180;
	s2 =	simm.s32 $0x200;
	[sflag:s15] =	ssyncset.done $0x0  }
.LBB2_2:
0x3b: {  	s25 =	sand.u32 $0x7C00, s2  }
0x3c: {  	[sflag:s15] =	ssyncadd.s32 $0xFFFFC000;
	s26 =	smov.u32 s31;
	s0 =	sadd.s32 $0x100, s31  }
0x3d: {  	s2 =	sand.u32 $0x300, s2;
	s25 =	sadd.s32 s4, s25;
	_ =	swait.ge [sflag:s24], $0x80  }
0x3e: {  	p0 =	sne.s32 s31, $0x2780;
	s2 =	sor.u32 s2, s25;
	[sflag:s24] =	ssyncset.done $0x0  }
0x3f: {  	s2 =	sshrl.u32 s2, $0x3;
	[sflag:s24] =	ssyncadd.s32 $0xFFFFFF80  }
0x40: {  	[tilespmem:s19], [sflag:$0x2] =	stream.indirect.gather [hbm4b:s1+s21], $0x80, s17, s21, $0xb8;
	[tilespmem:$0x1E500] =	vst v63  }
0x41: {  	_ =	swait.ge [sflag:s20], $0x4000  }
0x42: {  	[sflag:s20] =	ssyncset.done $0x0  }
0x43: {  	s2 =	sadd.s32 s6, s2;
	[sflag:s20] =	ssyncadd.s32 $0xFFFFC000  }
0x44: {  	[tilespmem:s16], [sflag:$0x3] =	stream.linear.gather [hbm4b:s2+s5], $0x80, $0x38;
	[tilespmem:$0x1E500] =	vst v63  }
0x45: {  	s2 =	sadd.s32 $0xFFFFFF80, s29  }
0x46: {  	[spmem:s3] =	stream.indirect.scatter.add.f32 [tilespmem:s18], [sflag:$0x5], $0x80, s2, s21, $0xb8;
	[tilespmem:$0x1E500] =	vst v63  }
0x47: {  	_ =	swait.ge [sflag:s15], $0x4000  }
0x48: {  	[sflag:s15] =	ssyncset.done $0x0  }
0x49: {  	[sflag:s15] =	ssyncadd.s32 $0xFFFFC000  }
0x4a: {  	_ =	swait.ge [sflag:s22], $0x80  }
0x4b: {  	[sflag:s22] =	ssyncset.done $0x0  }
0x4c: {  	s2 =	sand.u32 $0x7C00, s30;
	[sflag:s22] =	ssyncadd.s32 $0xFFFFFF80  }
0x4d: {  	[tilespmem:s18], [sflag:$0x1] =	stream.indirect.gather [hbm4b:s1+s21], $0x80, s16, s21, $0xb8;
	[tilespmem:$0x1E500] =	vst v63  }
0x4e: {  	s25 =	sand.u32 $0x380, s30;
	s30 =	smov.u32 s26;
	s2 =	sadd.s32 s4, s2  }
0x4f: {  	s2 =	sor.u32 s25, s2;
	_ =	swait.ge [sflag:s23], $0x4000  }
0x50: {  	s2 =	sshrl.u32 s2, $0x3;
	[sflag:s23] =	ssyncset.done $0x0  }
0x51: {  	s2 =	sadd.s32 s6, s2;
	[sflag:s23] =	ssyncadd.s32 $0xFFFFC000  }
0x52: {  	[tilespmem:s17], [sflag:$0x4] =	stream.linear.gather [hbm4b:s2+s5], $0x80, $0x38;
	[tilespmem:$0x1E500] =	vst v63  }
.Ltmp0:
0x53: {  	_ = 	snop;
	(pc) =	sbr.rel @p0 .LBB2_2-.Ltmp0, $4  }
0x54: {  	_ = 	snop  }
0x55: {  	[spmem:s3] =	stream.indirect.scatter.add.f32 [tilespmem:s19], [sflag:$0x5], $0x80, s29, s21, $0xb8;
	[tilespmem:$0x1E500] =	vst v63  }
0x56: {  	s31 =	smov.u32 s0;
	_ =	swait.ge [sflag:s15], $0x4000  }
0x57: {  	s2 =	sadd.s32 $0xFFFFFF80, s30;
	s29 =	sadd.s32 $0x100, s29;
	[sflag:s15] =	ssyncset.done $0x0  }
0x58: {  	[sflag:s15] =	ssyncadd.s32 $0xFFFFC000  }
0x59: {  	_ =	swait.ge [sflag:s24], $0x80  }
0x5a: {  	s0 =	sand.u32 $0x7C00, s2;
	[sflag:s24] =	ssyncset.done $0x0  }
0x5b: {  	s31 =	sand.u32 $0x300, s2;
	s0 =	sadd.s32 s4, s0;
	[sflag:s24] =	ssyncadd.s32 $0xFFFFFF80  }
0x5c: {  	[tilespmem:s19], [sflag:$0x2] =	stream.indirect.gather [hbm4b:s1+s21], $0x80, s17, s21, $0xb8;
	[tilespmem:$0x1E500] =	vst v63  }
0x5d: {  	s0 =	sor.u32 s31, s0;
	_ =	swait.ge [sflag:s20], $0x4000  }
0x5e: {  	s0 =	sshrl.u32 s0, $0x3;
	[sflag:s20] =	ssyncset.done $0x0  }
0x5f: {  	s0 =	sadd.s32 s6, s0;
	[sflag:s20] =	ssyncadd.s32 $0xFFFFC000  }
0x60: {  	[tilespmem:s16], [sflag:$0x3] =	stream.linear.gather [hbm4b:s0+s5], $0x80, $0x38;
	[tilespmem:$0x1E500] =	vst v63  }
0x61: {  	s2 =	sadd.s32 $0xFFFFFF80, s29  }
0x62: {  	[spmem:s3] =	stream.indirect.scatter.add.f32 [tilespmem:s18], [sflag:$0x5], $0x80, s2, s21, $0xb8;
	[tilespmem:$0x1E500] =	vst v63  }
0x63: {  	_ =	swait.ge [sflag:s15], $0x4000  }
0x64: {  	[sflag:s15] =	ssyncset.done $0x0  }
0x65: {  	[sflag:s15] =	ssyncadd.s32 $0xFFFFC000  }
0x66: {  	_ =	swait.ge [sflag:s22], $0x80  }
0x67: {  	s25 =	sand.u32 $0x7C00, s30;
	[sflag:s22] =	ssyncset.done $0x0  }
0x68: {  	s26 =	sand.u32 $0x380, s30;
	s0 =	sadd.s32 s4, s25;
	[sflag:s22] =	ssyncadd.s32 $0xFFFFFF80  }
0x69: {  	[tilespmem:s18], [sflag:$0x1] =	stream.indirect.gather [hbm4b:s1+s21], $0x80, s16, s21, $0xb8;
	[tilespmem:$0x1E500] =	vst v63  }
0x6a: {  	s0 =	sor.u32 s26, s0;
	_ =	swait.ge [sflag:s23], $0x4000  }
0x6b: {  	s0 =	sshrl.u32 s0, $0x3;
	[sflag:s23] =	ssyncset.done $0x0  }
0x6c: {  	s0 =	sadd.s32 s6, s0;
	[sflag:s23] =	ssyncadd.s32 $0xFFFFC000  }
0x6d: {  	[tilespmem:s17], [sflag:$0x4] =	stream.linear.gather [hbm4b:s0+s5], $0x80, $0x38;
	[tilespmem:$0x1E500] =	vst v63  }
0x6e: {  	_ = 	snop  }
0x6f: {  	[spmem:s3] =	stream.indirect.scatter.add.f32 [tilespmem:s19], [sflag:$0x5], $0x80, s29, s21, $0xb8;
	[tilespmem:$0x1E500] =	vst v63  }
0x70: {  	_ =	swait.ge [sflag:s15], $0x4000  }
0x71: {  	[sflag:s15] =	ssyncset.done $0x0  }
0x72: {  	[sflag:s15] =	ssyncadd.s32 $0xFFFFC000  }
0x73: {  	_ =	swait.ge [sflag:s24], $0x80  }
0x74: {  	[sflag:s24] =	ssyncset.done $0x0  }
0x75: {  	[sflag:s24] =	ssyncadd.s32 $0xFFFFFF80  }
0x76: {  	[tilespmem:s19], [sflag:$0x2] =	stream.indirect.gather [hbm4b:s1+s21], $0x80, s17, s21, $0xb8;
	[tilespmem:$0x1E500] =	vst v63  }
0x77: {  	_ =	swait.ge [sflag:s20], $0x4000  }
0x78: {  	[sflag:s20] =	ssyncset.done $0x0  }
0x79: {  	s30 =	simm.s32 $0x2700;
	[sflag:s20] =	ssyncadd.s32 $0xFFFFC000  }
0x7a: {  	[spmem:s3] =	stream.indirect.scatter.add.f32 [tilespmem:s18], [sflag:$0x5], $0x80, s30, s21, $0xb8;
	[tilespmem:$0x1E500] =	vst v63  }
0x7b: {  	_ =	swait.ge [sflag:s15], $0x4000  }
0x7c: {  	[sflag:s15] =	ssyncset.done $0x0  }
0x7d: {  	[sflag:s15] =	ssyncadd.s32 $0xFFFFC000  }
0x7e: {  	_ =	swait.ge [sflag:s23], $0x4000  }
0x7f: {  	[sflag:s23] =	ssyncset.done $0x0  }
0x80: {  	s31 =	simm.s32 $0x2780;
	[sflag:s23] =	ssyncadd.s32 $0xFFFFC000  }
0x81: {  	[spmem:s3] =	stream.indirect.scatter.add.f32 [tilespmem:s19], [sflag:$0x5], $0x80, s31, s21, $0xb8;
	[tilespmem:$0x1E500] =	vst v63  }
0x82: {  	_ =	swait.ge [sflag:s15], $0x4000  }
0x83: {  	s28 =	sadd.s32 $0x1, s28;
	[sflag:s15] =	ssyncset.done $0x0  }
0x84: {  	p0 =	sne.s32 s28, s13;
	[sflag:s15] =	ssyncadd.s32 $0xFFFFC000  }
.Ltmp1:
0x85: {  	[bflag:$0x0] =	sbarrier.arrive $0xFFFF;
	(pc) =	sbr.rel @p0 .LBB2_1-.Ltmp1, $4  }
0x86: {  	[hbm:s12], [sflag:s8] =	dma.local [spmem:s14], $0x2780  }
0x87: {  	_ =	swait.ge [sflag:s15], $0x2780  }
0x88: {  	[sflag:s15] =	ssyncset.done $0x0  }
0x89: {  	[sflag:s15] =	ssyncadd.s32 $0xFFFFD880  }
0x8a: {  	_ =	sfence.sel $0x180000  }
0x8b: {  	[bflag:$0x0] =	sbarrier.arrive $0xFFFF  }
0x8c: {  	_ =	strace $0x90000050  }
0x8d: {  	s0 =	stileid.u32;
	[bflag:$0x2] =	sbarrier.arrive $0xFFFF  }
0x8e: {  	p0 =	sne.s32 s0, $0x0;
	s0 =	rddreg [dreg:$0x3]  }
0x8f: {  	s0 =	sadd.s32 @!p0 $0x100000, s0  }
0x90: {  	[sflag:s0] =	ssyncadd.tile.s32 @!p0 $0x1;
	_ =	shalt  }
.Lfunc_end2:
_tile_overlayer_lowered:
.L_overlay_start_2:
0x91: {  	(tag) =	ssettag $0x2  }
0x92: {  	s0 =	rddreg [dreg:$0x0];
	s2 =	stileid.u32  }
0x93: {  	s1 =	rddreg [dreg:$0x1];
	p0 =	sne.s32 s2, $0x0  }
0x94: {  	s3 =	rddreg [dreg:$0x2];
	[bflag:$0x3] =	sbarrier.arrive $0xFFFF;
	s2 =	simm.s32 @!p0 $0x1C05  }
0x95: {  	[timem:s3], [sflag:s2] =	dma.local @!p0 [hbm:s0], s1  }
0x96: {  	s0 =	simm.s32 @!p0 $0x5  }
0x97: {  	_ =	swait.ge @!p0 [sflag:s0], s1  }
0x98: {  	s1 =	ssub.s32 @!p0 $0x0, s1;
	[sflag:s0] =	ssyncset.done @!p0 $0x0  }
0x99: {  	[sflag:s0] =	ssyncadd.s32 @!p0 s1  }
0x9a: {  	[bflag:$0x3] =	sbarrier.arrive $0xFFFF  }
0x9b: {  	_ =	shalt  }

</sc_bundles>
